<compile_context>
chip_gen: v7x
topology: tpu7x:2x2x1
jax: 0.10.2.dev20260603
libtpu: 0.0.44.dev20260713+nightly
codegen_flags: <defaults>
</compile_context>

<pallas_src>
import functools

import jax
import jax.numpy as jnp
from jax import lax
from jax.experimental import pallas as pl
from jax.experimental.pallas import tpu as pltpu
from jax.experimental.pallas import tpu_sc as plsc

N_NODES = 10000
N_EDGES = 320000
NUM_GRAPHS = 64
D = 128
HD = 64
DENSE = 256
OUT_DIM = 9

CHUNK = 128
E_PAD = 327680
DCH = 80
NCH = 160
PADN = 10240
RPT = PADN // 16
NBLK = 8
BLK = PADN // NBLK
NSLOT = 5
GDEPTH = 4
SLAG = 1


def _mesh():
    return plsc.VectorSubcoreMesh(core_axis_name="c", subcore_axis_name="s")


def _deg_body(dst_hbm, out_hbm, dst_v, hist_v):
    c = lax.axis_index("c")
    s = lax.axis_index("s")
    wid = c * 16 + s
    pltpu.sync_copy(dst_hbm.at[wid], dst_v)
    zeros = jnp.zeros((16,), jnp.float32)

    def zero_body(i, _):
        hist_v[pl.ds(i * 16, 16)] = zeros
        return ()

    lax.fori_loop(0, PADN // 16, zero_body, ())
    ones = jnp.ones((16,), jnp.float32)

    def body(i, _):
        idx = dst_v[i // 8, pl.ds((i % 8) * 16, 16)]
        plsc.addupdate_scatter(hist_v, [idx], ones)
        return ()

    lax.fori_loop(0, DCH * 8, body, ())
    pltpu.sync_copy(hist_v, out_hbm.at[wid])


_deg_call = functools.partial(
    pl.kernel,
    out_type=jax.ShapeDtypeStruct((32, PADN), jnp.float32),
    mesh=_mesh(),
    compiler_params=pltpu.CompilerParams(needs_layout_passes=False),
    scratch_types=[
        pltpu.VMEM((DCH, CHUNK), jnp.int32),
        pltpu.VMEM((PADN,), jnp.float32),
    ],
)(_deg_body)


def _agg_body(src_hbm, dst_hbm, z_hbm, zeros_hbm, out_hbm,
              src_v, dst_v, buf, acc_sh, gsem, ssem):
    c = lax.axis_index("c")
    s = lax.axis_index("s")
    wid = c * 16 + s
    pltpu.sync_copy(src_hbm.at[wid], src_v)
    pltpu.sync_copy(dst_hbm.at[s], dst_v)
    pltpu.sync_copy(zeros_hbm.at[pl.ds(s * RPT, RPT)],
                    acc_sh.at[pl.ds(s * RPT, RPT)])
    plsc.subcore_barrier()

    def gather(j):
        slot = j % NSLOT
        pltpu.async_copy(z_hbm.at[src_v.at[j]], buf.at[slot], gsem.at[slot])

    def gather_wait(j):
        slot = j % NSLOT
        pltpu.make_async_copy(z_hbm.at[src_v.at[j]], buf.at[slot],
                              gsem.at[slot]).wait()

    def scatter(j):
        slot = j % NSLOT
        pltpu.async_copy(buf.at[slot], acc_sh.at[dst_v.at[j]],
                         ssem.at[slot], add=True)

    def scatter_wait(j):
        slot = j % NSLOT
        pltpu.make_async_copy(buf.at[slot], acc_sh.at[dst_v.at[j]],
                              ssem.at[slot]).wait()

    for k in range(GDEPTH):
        gather(k)

    def loop_body(j, _):
        @pl.when(j >= SLAG)
        def _():
            scatter_wait(j - SLAG)

        @pl.when(j + GDEPTH < NCH)
        def _():
            gather(j + GDEPTH)

        gather_wait(j)
        scatter(j)
        return ()

    lax.fori_loop(0, NCH, loop_body, ())

    def drain_body(j, _):
        scatter_wait(j)
        return ()

    lax.fori_loop(NCH - SLAG, NCH, drain_body, ())

    plsc.subcore_barrier()
    pltpu.sync_copy(acc_sh.at[pl.ds(s * RPT, RPT)],
                    out_hbm.at[c, pl.ds(s * RPT, RPT)])


_agg_call = functools.partial(
    pl.kernel,
    out_type=jax.ShapeDtypeStruct((2, PADN, HD), jnp.float32),
    mesh=_mesh(),
    compiler_params=pltpu.CompilerParams(needs_layout_passes=False,
                                         use_tc_tiling_on_sc=False),
    scratch_types=[
        pltpu.VMEM((NCH, CHUNK), jnp.int32),
        pltpu.VMEM((NCH, CHUNK), jnp.int32),
        pltpu.VMEM((NSLOT, CHUNK, HD), jnp.float32),
        pltpu.VMEM_SHARED((PADN, HD), jnp.float32),
        pltpu.SemaphoreType.DMA((NSLOT,)),
        pltpu.SemaphoreType.DMA((NSLOT,)),
    ],
)(_agg_body)


def _prep_kernel(degt_ref, x_ref, w_ref, dinv_ref, z_ref):
    deg = jnp.sum(degt_ref[...], axis=1, keepdims=True) + 1.0
    row = lax.broadcasted_iota(jnp.int32, (PADN, 1), 0)
    dinv = jnp.where(row < N_NODES, lax.rsqrt(deg), 0.0)
    dinv_ref[...] = dinv
    xw = jnp.dot(x_ref[...], w_ref[...], preferred_element_type=jnp.float32)
    z = dinv[0:N_NODES] * xw
    z_ref[0, 0:N_NODES, :] = z[:, 0:HD]
    z_ref[1, 0:N_NODES, :] = z[:, HD:D]
    z_ref[:, N_NODES:PADN, :] = jnp.zeros((2, PADN - N_NODES, HD),
                                          jnp.float32)


def _tc_prep(degt, x, w1):
    return pl.pallas_call(
        _prep_kernel,
        out_shape=(
            jax.ShapeDtypeStruct((PADN, 1), jnp.float32),
            jax.ShapeDtypeStruct((2, PADN, HD), jnp.float32),
        ),
    )(degt, x, w1)


def _bn_from_scratch(pre, acc, g_ref, be_ref):
    mu = acc[0:1, :] / N_NODES
    var = acc[1:2, :] / N_NODES - mu * mu
    rstd = lax.rsqrt(var + 1e-5)
    return (pre - mu) * rstd * g_ref[...] + be_ref[...]


def _combine_kernel(p_ref, z_ref, dinv_ref, b_ref, pre_ref, stats_ref, acc):
    j = pl.program_id(0)
    agg = jnp.concatenate([p_ref[0] + z_ref[0], p_ref[1] + z_ref[1]], axis=1)
    pre = dinv_ref[...] * agg + b_ref[...]
    pre_ref[...] = pre
    row = j * BLK + lax.broadcasted_iota(jnp.int32, (BLK, 1), 0)
    valid = row < N_NODES
    prev = jnp.sum(jnp.where(valid, pre, 0.0), axis=0, keepdims=True)
    prev2 = jnp.sum(jnp.where(valid, pre * pre, 0.0), axis=0, keepdims=True)

    @pl.when(j == 0)
    def _():
        acc[...] = jnp.zeros((2, D), jnp.float32)

    acc[0:1, :] += prev
    acc[1:2, :] += prev2

    @pl.when(j == NBLK - 1)
    def _():
        stats_ref[...] = acc[...]


def _tc_combine(p, z2, dinv2, b):
    return pl.pallas_call(
        _combine_kernel,
        grid=(NBLK,),
        in_specs=[
            pl.BlockSpec((2, BLK, HD), lambda j: (0, j, 0)),
            pl.BlockSpec((2, BLK, HD), lambda j: (0, j, 0)),
            pl.BlockSpec((BLK, 1), lambda j: (j, 0)),
            pl.BlockSpec((1, D), lambda j: (0, 0)),
        ],
        out_specs=(
            pl.BlockSpec((BLK, D), lambda j: (j, 0)),
            pl.BlockSpec((2, D), lambda j: (0, 0)),
        ),
        out_shape=(
            jax.ShapeDtypeStruct((PADN, D), jnp.float32),
            jax.ShapeDtypeStruct((2, D), jnp.float32),
        ),
        scratch_shapes=[pltpu.VMEM((2, D), jnp.float32)],
    )(p, z2, dinv2, b.reshape(1, D))


def _bnmm_kernel(pre_ref, stats_ref, dinv_ref, g_ref, be_ref, w_ref, z_ref):
    mu = stats_ref[0:1, :] / N_NODES
    var = stats_ref[1:2, :] / N_NODES - mu * mu
    rstd = lax.rsqrt(var + 1e-5)
    h = (pre_ref[...] - mu) * rstd * g_ref[...] + be_ref[...]
    h = jnp.maximum(h, 0.0)
    z = dinv_ref[...] * jnp.dot(h, w_ref[...],
                                preferred_element_type=jnp.float32)
    z_ref[0] = z[:, 0:HD]
    z_ref[1] = z[:, HD:D]


def _tc_bnmm(pre, stats, dinv2, g, be, w):
    return pl.pallas_call(
        _bnmm_kernel,
        grid=(NBLK,),
        in_specs=[
            pl.BlockSpec((BLK, D), lambda j: (j, 0)),
            pl.BlockSpec((2, D), lambda j: (0, 0)),
            pl.BlockSpec((BLK, 1), lambda j: (j, 0)),
            pl.BlockSpec((1, D), lambda j: (0, 0)),
            pl.BlockSpec((1, D), lambda j: (0, 0)),
            pl.BlockSpec((D, D), lambda j: (0, 0)),
        ],
        out_specs=pl.BlockSpec((2, BLK, HD), lambda j: (0, j, 0)),
        out_shape=jax.ShapeDtypeStruct((2, PADN, HD), jnp.float32),
    )(pre, stats, dinv2, g.reshape(1, D), be.reshape(1, D), w)


def _final_kernel(pre_ref, stats_ref, g_ref, be_ref, batch_ref,
                  w0_ref, b0_ref, w1_ref, b1_ref, w2_ref, b2_ref,
                  w3_ref, b3_ref, out_ref):
    h = _bn_from_scratch(pre_ref[...], stats_ref, g_ref, be_ref)
    gid = lax.broadcasted_iota(jnp.int32, (PADN, NUM_GRAPHS), 1)
    onehot = jnp.where(batch_ref[...] == gid, 1.0, 0.0)
    sums = lax.dot_general(onehot, h, (((0,), (0,)), ((), ())),
                           preferred_element_type=jnp.float32)
    ones_col = jnp.ones((PADN, 1), jnp.float32)
    counts = lax.dot_general(onehot, ones_col, (((0,), (0,)), ((), ())),
                             preferred_element_type=jnp.float32)
    pooled = sums / jnp.maximum(counts, 1.0)
    y = jnp.maximum(jnp.dot(pooled, w0_ref[...],
                            preferred_element_type=jnp.float32)
                    + b0_ref[...], 0.0)
    y = jnp.maximum(jnp.dot(y, w1_ref[...],
                            preferred_element_type=jnp.float32)
                    + b1_ref[...], 0.0)
    y = jnp.maximum(jnp.dot(y, w2_ref[...],
                            preferred_element_type=jnp.float32)
                    + b2_ref[...], 0.0)
    out_ref[...] = jnp.dot(y, w3_ref[...],
                           preferred_element_type=jnp.float32) + b3_ref[...]


def _tc_final(pre, stats, g, be, batch2, wd0, bd0, wd1, bd1, wd2, bd2,
              wd3, bd3):
    return pl.pallas_call(
        _final_kernel,
        out_shape=jax.ShapeDtypeStruct((NUM_GRAPHS, OUT_DIM), jnp.float32),
    )(pre, stats, g.reshape(1, D), be.reshape(1, D), batch2,
      wd0, bd0.reshape(1, DENSE), wd1, bd1.reshape(1, DENSE),
      wd2, bd2.reshape(1, DENSE), wd3, bd3.reshape(1, OUT_DIM))


def kernel(x, edge_index, batch, W1, b1, g1, be1, W2, b2, g2, be2,
           W3, b3, g3, be3, Wd0, bd0, Wd1, bd1, Wd2, bd2, Wd3, bd3):
    ei = edge_index.astype(jnp.int32)
    npad = E_PAD - N_EDGES
    src_p = jnp.concatenate([ei[0], jnp.full((npad,), N_NODES, jnp.int32)])
    dst_p = jnp.concatenate([ei[1], jnp.full((npad,), N_NODES, jnp.int32)])
    src16 = src_p.reshape(16, NCH, CHUNK)
    src32 = jnp.concatenate([src16, src16 + PADN], axis=0)
    dst16 = dst_p.reshape(16, NCH, CHUNK)
    dst32 = dst_p.reshape(32, DCH, CHUNK)
    batch2 = jnp.concatenate(
        [batch.astype(jnp.int32),
         jnp.full((PADN - N_NODES,), -1, jnp.int32)]).reshape(PADN, 1)
    zeros_pn = jnp.zeros((PADN, HD), jnp.float32)

    deg32 = _deg_call(dst32)
    dinv2, z2 = _tc_prep(deg32.T, x, W1)

    p = _agg_call(src32, dst16, z2.reshape(2 * PADN, HD), zeros_pn)
    pre, stats = _tc_combine(p, z2, dinv2, b1)
    z2 = _tc_bnmm(pre, stats, dinv2, g1, be1, W2)

    p = _agg_call(src32, dst16, z2.reshape(2 * PADN, HD), zeros_pn)
    pre, stats = _tc_combine(p, z2, dinv2, b2)
    z2 = _tc_bnmm(pre, stats, dinv2, g2, be2, W3)

    p = _agg_call(src32, dst16, z2.reshape(2 * PADN, HD), zeros_pn)
    pre, stats = _tc_combine(p, z2, dinv2, b3)

    return _tc_final(pre, stats, g3, be3, batch2,
                     Wd0, bd0, Wd1, bd1, Wd2, bd2, Wd3, bd3)

# --- scband reference (transcript-rebuilt; emitter-appended) ---
"""Pipeline reference for scband-gnnl-vpp-54228257079468 (READ-ONLY COPY).

The authoritative reference and input builder live on the scoring server;
editing this copy changes nothing except your own understanding.
"""

import jax, jax.numpy as jnp
import numpy as np

N_NODES = 10000
N_EDGES = 320000
NUM_GRAPHS = 64
D_FEAT = 128
H = 128
LATENT = 128
DENSE = 256
N_CAM = 6
OUT_DIM = 3 + N_CAM


def gcn_conv(x, edge_index, W, b):
    n = x.shape[0]
    loop = jnp.arange(n, dtype=edge_index.dtype)
    src = jnp.concatenate([edge_index[0], loop])
    dst = jnp.concatenate([edge_index[1], loop])
    xw = x @ W
    deg = jnp.zeros((n,), dtype=xw.dtype).at[dst].add(1.0)
    dinv = jnp.where(deg > 0, 1.0 / jnp.sqrt(deg), 0.0)
    norm = dinv[src] * dinv[dst]
    msg = xw[src] * norm[:, None]
    out = jnp.zeros_like(xw).at[dst].add(msg)
    return out + b


def batch_norm(x, gamma, beta, eps=1e-5):
    mu = jnp.mean(x, axis=0)
    var = jnp.var(x, axis=0)
    return (x - mu) / jnp.sqrt(var + eps) * gamma + beta


def setup_inputs(seed: int = 0) -> dict:
    key = jax.random.key(seed)
    ks = jax.random.split(key, 20)
    x = jax.random.normal(ks[0], (N_NODES, D_FEAT), dtype=jnp.float32)
    edge_index = jax.random.randint(ks[1], (2, N_EDGES), 0, N_NODES, dtype=jnp.int64 if jax.config.jax_enable_x64 else jnp.int32)
    batch = jnp.sort(jax.random.randint(ks[2], (N_NODES,), 0, NUM_GRAPHS))
    def lin(k, fi, fo):
        s = 1.0 / np.sqrt(fi)
        return jax.random.uniform(k, (fi, fo), minval=-s, maxval=s, dtype=jnp.float32)
    inp = {
        'x': x, 'edge_index': edge_index, 'batch': batch,
        'W1': lin(ks[3], D_FEAT, H), 'b1': jnp.zeros((H,), jnp.float32),
        'g1': jnp.ones((H,), jnp.float32), 'be1': jnp.zeros((H,), jnp.float32),
        'W2': lin(ks[4], H, H), 'b2': jnp.zeros((H,), jnp.float32),
        'g2': jnp.ones((H,), jnp.float32), 'be2': jnp.zeros((H,), jnp.float32),
        'W3': lin(ks[5], H, LATENT), 'b3': jnp.zeros((LATENT,), jnp.float32),
        'g3': jnp.ones((LATENT,), jnp.float32), 'be3': jnp.zeros((LATENT,), jnp.float32),
        'Wd0': lin(ks[6], LATENT, DENSE), 'bd0': jnp.zeros((DENSE,), jnp.float32),
        'Wd1': lin(ks[7], DENSE, DENSE), 'bd1': jnp.zeros((DENSE,), jnp.float32),
        'Wd2': lin(ks[8], DENSE, DENSE), 'bd2': jnp.zeros((DENSE,), jnp.float32),
        'Wd3': lin(ks[9], DENSE, OUT_DIM), 'bd3': jnp.zeros((OUT_DIM,), jnp.float32),
    }
    return inp


def reference(x, edge_index, batch, W1, b1, g1, be1, W2, b2, g2, be2, W3, b3, g3, be3, Wd0, bd0, Wd1, bd1, Wd2, bd2, Wd3, bd3):
    h = gcn_conv(x, edge_index, W1, b1)
    h = batch_norm(h, g1, be1)
    h = jax.nn.relu(h)  # dropout treated as identity (eval)
    h = gcn_conv(h, edge_index, W2, b2)
    h = batch_norm(h, g2, be2)
    h = jax.nn.relu(h)
    h = gcn_conv(h, edge_index, W3, b3)
    h = batch_norm(h, g3, be3)
    # global mean pool over graph ids
    sums = jax.ops.segment_sum(h, batch, num_segments=NUM_GRAPHS)
    counts = jax.ops.segment_sum(jnp.ones((h.shape[0],), h.dtype), batch, num_segments=NUM_GRAPHS)
    pooled = sums / jnp.maximum(counts, 1.0)[:, None]
    y = jax.nn.relu(pooled @ Wd0 + bd0)
    y = jax.nn.relu(y @ Wd1 + bd1)
    y = jax.nn.relu(y @ Wd2 + bd2)
    out = y @ Wd3 + bd3
    return out

if __name__ == "__main__":
    import jax
    _d = setup_inputs()
    print(jax.jit(kernel)(*tuple(_d.values())))

</pallas_src>

<mosaic_0001>
#map = affine_map<(d0, d1) -> (0, 0, 0)>
#map1 = affine_map<(d0, d1) -> (0, 0)>
module attributes {stable_mosaic.version = 14 : i64} {
  func.func @_agg_body(%arg0: i32, %arg1: i32, %arg2: memref<32x160x128xi32, #tpu.memory_space<hbm>>, %arg3: memref<16x160x128xi32, #tpu.memory_space<hbm>>, %arg4: memref<20480x64xf32, #tpu.memory_space<hbm>>, %arg5: memref<10240x64xf32, #tpu.memory_space<hbm>>, %arg6: memref<2x10240x64xf32, #tpu.memory_space<hbm>>, %arg7: memref<160x128xi32, #tpu.memory_space<vmem>>, %arg8: memref<160x128xi32, #tpu.memory_space<vmem>>, %arg9: memref<5x128x64xf32, #tpu.memory_space<vmem>>, %arg10: memref<10240x64xf32, #tpu.memory_space<vmem_shared>>, %arg11: memref<5x!tpu.dma_semaphore, #tpu.memory_space<semaphore_mem>>, %arg12: memref<5x!tpu.dma_semaphore, #tpu.memory_space<semaphore_mem>>) attributes {dimension_semantics = [#tpu.dimension_semantics<core_parallel>, #tpu.dimension_semantics<subcore_parallel>], iteration_bounds = array<i64: 2, 16>, scalar_prefetch = 0 : i64, scratch_operands = 6 : i64, tpu.core_type = #tpu.core_type<sc_vector_subcore>, window_params = [{transform_indices = #map}, {transform_indices = #map}, {transform_indices = #map1}, {transform_indices = #map1}, {transform_indices = #map}]} {
    %mul3A = arith.constant 16 : i32
    %mul3A_0 = arith.muli %arg0, %mul3A : i32
    %add3A = arith.addi %mul3A_0, %arg1 : i32
    "tpu.region"() ({
      %run_scoped3A = tpu.sem_alloc : memref<!tpu.dma_semaphore, #tpu.memory_space<semaphore_mem>>
      %dma_start3A_95 = arith.constant 0 : i32
      %dma_start3A_96 = arith.constant 0 : i32
      %dma_start3A_97 = tpu.memref_slice %arg2[%add3A, %dma_start3A_95, %dma_start3A_96] : memref<32x160x128xi32, #tpu.memory_space<hbm>> -> memref<1x160x128xi32, #tpu.memory_space<hbm>>
      %dma_start3A_98 = tpu.memref_squeeze %dma_start3A_97 : memref<1x160x128xi32, #tpu.memory_space<hbm>> -> memref<160x128xi32, #tpu.memory_space<hbm>>
      %dma_start3A_99 = arith.constant 0 : i32
      %dma_start3A_100 = arith.constant 0 : i32
      %dma_start3A_101 = tpu.memref_slice %arg2[%add3A, %dma_start3A_99, %dma_start3A_100] : memref<32x160x128xi32, #tpu.memory_space<hbm>> -> memref<1x160x128xi32, #tpu.memory_space<hbm>>
      %dma_start3A_102 = tpu.memref_squeeze %dma_start3A_101 : memref<1x160x128xi32, #tpu.memory_space<hbm>> -> memref<160x128xi32, #tpu.memory_space<hbm>>
      tpu.enqueue_dma source(%dma_start3A_102 : memref<160x128xi32, #tpu.memory_space<hbm>>) target(%arg7 : memref<160x128xi32, #tpu.memory_space<vmem>>) target_semaphore(%run_scoped3A : memref<!tpu.dma_semaphore, #tpu.memory_space<semaphore_mem>>)
      %dma_wait3A_103 = arith.constant 0 : i32
      %dma_wait3A_104 = arith.constant 0 : i32
      %dma_wait3A_105 = tpu.memref_slice %arg2[%add3A, %dma_wait3A_103, %dma_wait3A_104] : memref<32x160x128xi32, #tpu.memory_space<hbm>> -> memref<1x160x128xi32, #tpu.memory_space<hbm>>
      %dma_wait3A_106 = tpu.memref_squeeze %dma_wait3A_105 : memref<1x160x128xi32, #tpu.memory_space<hbm>> -> memref<160x128xi32, #tpu.memory_space<hbm>>
      %dma_wait3A_107 = arith.constant 0 : i32
      %dma_wait3A_108 = arith.constant 0 : i32
      %dma_wait3A_109 = tpu.memref_slice %arg2[%add3A, %dma_wait3A_107, %dma_wait3A_108] : memref<32x160x128xi32, #tpu.memory_space<hbm>> -> memref<1x160x128xi32, #tpu.memory_space<hbm>>
      %dma_wait3A_110 = tpu.memref_squeeze %dma_wait3A_109 : memref<1x160x128xi32, #tpu.memory_space<hbm>> -> memref<160x128xi32, #tpu.memory_space<hbm>>
      tpu.wait_dma2 semaphore(%run_scoped3A : memref<!tpu.dma_semaphore, #tpu.memory_space<semaphore_mem>>) src(%dma_wait3A_110 : memref<160x128xi32, #tpu.memory_space<hbm>>) dst(%arg7 : memref<160x128xi32, #tpu.memory_space<vmem>>)
      tpu.yield
    }) : () -> ()
    "tpu.region"() ({
      %run_scoped3A = tpu.sem_alloc : memref<!tpu.dma_semaphore, #tpu.memory_space<semaphore_mem>>
      %dma_start3A_95 = arith.constant 0 : i32
      %dma_start3A_96 = arith.constant 0 : i32
      %dma_start3A_97 = tpu.memref_slice %arg3[%arg1, %dma_start3A_95, %dma_start3A_96] : memref<16x160x128xi32, #tpu.memory_space<hbm>> -> memref<1x160x128xi32, #tpu.memory_space<hbm>>
      %dma_start3A_98 = tpu.memref_squeeze %dma_start3A_97 : memref<1x160x128xi32, #tpu.memory_space<hbm>> -> memref<160x128xi32, #tpu.memory_space<hbm>>
      %dma_start3A_99 = arith.constant 0 : i32
      %dma_start3A_100 = arith.constant 0 : i32
      %dma_start3A_101 = tpu.memref_slice %arg3[%arg1, %dma_start3A_99, %dma_start3A_100] : memref<16x160x128xi32, #tpu.memory_space<hbm>> -> memref<1x160x128xi32, #tpu.memory_space<hbm>>
      %dma_start3A_102 = tpu.memref_squeeze %dma_start3A_101 : memref<1x160x128xi32, #tpu.memory_space<hbm>> -> memref<160x128xi32, #tpu.memory_space<hbm>>
      tpu.enqueue_dma source(%dma_start3A_102 : memref<160x128xi32, #tpu.memory_space<hbm>>) target(%arg8 : memref<160x128xi32, #tpu.memory_space<vmem>>) target_semaphore(%run_scoped3A : memref<!tpu.dma_semaphore, #tpu.memory_space<semaphore_mem>>)
      %dma_wait3A_103 = arith.constant 0 : i32
      %dma_wait3A_104 = arith.constant 0 : i32
      %dma_wait3A_105 = tpu.memref_slice %arg3[%arg1, %dma_wait3A_103, %dma_wait3A_104] : memref<16x160x128xi32, #tpu.memory_space<hbm>> -> memref<1x160x128xi32, #tpu.memory_space<hbm>>
      %dma_wait3A_106 = tpu.memref_squeeze %dma_wait3A_105 : memref<1x160x128xi32, #tpu.memory_space<hbm>> -> memref<160x128xi32, #tpu.memory_space<hbm>>
      %dma_wait3A_107 = arith.constant 0 : i32
      %dma_wait3A_108 = arith.constant 0 : i32
      %dma_wait3A_109 = tpu.memref_slice %arg3[%arg1, %dma_wait3A_107, %dma_wait3A_108] : memref<16x160x128xi32, #tpu.memory_space<hbm>> -> memref<1x160x128xi32, #tpu.memory_space<hbm>>
      %dma_wait3A_110 = tpu.memref_squeeze %dma_wait3A_109 : memref<1x160x128xi32, #tpu.memory_space<hbm>> -> memref<160x128xi32, #tpu.memory_space<hbm>>
      tpu.wait_dma2 semaphore(%run_scoped3A : memref<!tpu.dma_semaphore, #tpu.memory_space<semaphore_mem>>) src(%dma_wait3A_110 : memref<160x128xi32, #tpu.memory_space<hbm>>) dst(%arg8 : memref<160x128xi32, #tpu.memory_space<vmem>>)
      tpu.yield
    }) : () -> ()
    %mul3A_1 = arith.constant 640 : i32
    %mul3A_2 = arith.muli %arg1, %mul3A_1 : i32
    %mul3A_3 = arith.constant 640 : i32
    %mul3A_4 = arith.muli %arg1, %mul3A_3 : i32
    "tpu.region"() ({
      %run_scoped3A = tpu.sem_alloc : memref<!tpu.dma_semaphore, #tpu.memory_space<semaphore_mem>>
      %dma_start3A_95 = arith.constant 0 : i32
      %dma_start3A_96 = tpu.memref_slice %arg10[%mul3A_4, %dma_start3A_95] : memref<10240x64xf32, #tpu.memory_space<vmem_shared>> -> memref<640x64xf32, #tpu.memory_space<vmem_shared>>
      %dma_start3A_97 = arith.constant 0 : i32
      %dma_start3A_98 = tpu.memref_slice %arg5[%mul3A_2, %dma_start3A_97] : memref<10240x64xf32, #tpu.memory_space<hbm>> -> memref<640x64xf32, #tpu.memory_space<hbm>>
      tpu.enqueue_dma source(%dma_start3A_98 : memref<640x64xf32, #tpu.memory_space<hbm>>) target(%dma_start3A_96 : memref<640x64xf32, #tpu.memory_space<vmem_shared>>) target_semaphore(%run_scoped3A : memref<!tpu.dma_semaphore, #tpu.memory_space<semaphore_mem>>)
      %dma_wait3A_99 = arith.constant 0 : i32
      %dma_wait3A_100 = tpu.memref_slice %arg10[%mul3A_4, %dma_wait3A_99] : memref<10240x64xf32, #tpu.memory_space<vmem_shared>> -> memref<640x64xf32, #tpu.memory_space<vmem_shared>>
      %dma_wait3A_101 = arith.constant 0 : i32
      %dma_wait3A_102 = tpu.memref_slice %arg5[%mul3A_2, %dma_wait3A_101] : memref<10240x64xf32, #tpu.memory_space<hbm>> -> memref<640x64xf32, #tpu.memory_space<hbm>>
      tpu.wait_dma2 semaphore(%run_scoped3A : memref<!tpu.dma_semaphore, #tpu.memory_space<semaphore_mem>>) src(%dma_wait3A_102 : memref<640x64xf32, #tpu.memory_space<hbm>>) dst(%dma_wait3A_100 : memref<640x64xf32, #tpu.memory_space<vmem_shared>>)
      tpu.yield
    }) : () -> ()
    %barrier3A = arith.constant 0 : index
    tpu.barrier barrier_id(%barrier3A)
    %dma_start3A = arith.constant 0 : i32
    %dma_start3A_5 = arith.constant 0 : i32
    %dma_start3A_6 = arith.constant 0 : i32
    %dma_start3A_7 = arith.constant 0 : i32
    %dma_start3A_8 = arith.constant 0 : i32
    %dma_start3A_9 = tpu.memref_slice %arg9[%dma_start3A_5, %dma_start3A_7, %dma_start3A_8] : memref<5x128x64xf32, #tpu.memory_space<vmem>> -> memref<1x128x64xf32, #tpu.memory_space<vmem>>
    %dma_start3A_10 = tpu.memref_squeeze %dma_start3A_9 : memref<1x128x64xf32, #tpu.memory_space<vmem>> -> memref<128x64xf32, #tpu.memory_space<vmem>>
    %dma_start3A_11 = arith.constant 0 : i32
    %dma_start3A_12 = tpu.memref_slice %arg7[%dma_start3A, %dma_start3A_11] : memref<160x128xi32, #tpu.memory_space<vmem>> -> memref<1x128xi32, #tpu.memory_space<vmem>>
    %dma_start3A_13 = tpu.memref_squeeze %dma_start3A_12 : memref<1x128xi32, #tpu.memory_space<vmem>> -> memref<128xi32, #tpu.memory_space<vmem>>
    %dma_start3A_14 = arith.constant 0 : i32
    %dma_start3A_15 = arith.constant 0 : i32
    %dma_start3A_16 = tpu.memref_slice %arg4[%dma_start3A_14, %dma_start3A_15] : memref<20480x64xf32, #tpu.memory_space<hbm>> -> memref<20480x64xf32, #tpu.memory_space<hbm>>
    %dma_start3A_17 = tpu.memref_slice %arg11[%dma_start3A_6] : memref<5x!tpu.dma_semaphore, #tpu.memory_space<semaphore_mem>> -> memref<1x!tpu.dma_semaphore, #tpu.memory_space<semaphore_mem>>
    %dma_start3A_18 = tpu.memref_squeeze %dma_start3A_17 : memref<1x!tpu.dma_semaphore, #tpu.memory_space<semaphore_mem>> -> memref<!tpu.dma_semaphore, #tpu.memory_space<semaphore_mem>>
    tpu.enqueue_indirect_dma source(%dma_start3A_16 : memref<20480x64xf32, #tpu.memory_space<hbm>>) target(%dma_start3A_10 : memref<128x64xf32, #tpu.memory_space<vmem>>) offsets(%dma_start3A_13 : memref<128xi32, #tpu.memory_space<vmem>>) semaphore(%dma_start3A_18 : memref<!tpu.dma_semaphore, #tpu.memory_space<semaphore_mem>>)
    %dma_start3A_19 = arith.constant 1 : i32
    %dma_start3A_20 = arith.constant 1 : i32
    %dma_start3A_21 = arith.constant 1 : i32
    %dma_start3A_22 = arith.constant 0 : i32
    %dma_start3A_23 = arith.constant 0 : i32
    %dma_start3A_24 = tpu.memref_slice %arg9[%dma_start3A_20, %dma_start3A_22, %dma_start3A_23] : memref<5x128x64xf32, #tpu.memory_space<vmem>> -> memref<1x128x64xf32, #tpu.memory_space<vmem>>
    %dma_start3A_25 = tpu.memref_squeeze %dma_start3A_24 : memref<1x128x64xf32, #tpu.memory_space<vmem>> -> memref<128x64xf32, #tpu.memory_space<vmem>>
    %dma_start3A_26 = arith.constant 0 : i32
    %dma_start3A_27 = tpu.memref_slice %arg7[%dma_start3A_19, %dma_start3A_26] : memref<160x128xi32, #tpu.memory_space<vmem>> -> memref<1x128xi32, #tpu.memory_space<vmem>>
    %dma_start3A_28 = tpu.memref_squeeze %dma_start3A_27 : memref<1x128xi32, #tpu.memory_space<vmem>> -> memref<128xi32, #tpu.memory_space<vmem>>
    %dma_start3A_29 = arith.constant 0 : i32
    %dma_start3A_30 = arith.constant 0 : i32
    %dma_start3A_31 = tpu.memref_slice %arg4[%dma_start3A_29, %dma_start3A_30] : memref<20480x64xf32, #tpu.memory_space<hbm>> -> memref<20480x64xf32, #tpu.memory_space<hbm>>
    %dma_start3A_32 = tpu.memref_slice %arg11[%dma_start3A_21] : memref<5x!tpu.dma_semaphore, #tpu.memory_space<semaphore_mem>> -> memref<1x!tpu.dma_semaphore, #tpu.memory_space<semaphore_mem>>
    %dma_start3A_33 = tpu.memref_squeeze %dma_start3A_32 : memref<1x!tpu.dma_semaphore, #tpu.memory_space<semaphore_mem>> -> memref<!tpu.dma_semaphore, #tpu.memory_space<semaphore_mem>>
    tpu.enqueue_indirect_dma source(%dma_start3A_31 : memref<20480x64xf32, #tpu.memory_space<hbm>>) target(%dma_start3A_25 : memref<128x64xf32, #tpu.memory_space<vmem>>) offsets(%dma_start3A_28 : memref<128xi32, #tpu.memory_space<vmem>>) semaphore(%dma_start3A_33 : memref<!tpu.dma_semaphore, #tpu.memory_space<semaphore_mem>>)
    %dma_start3A_34 = arith.constant 2 : i32
    %dma_start3A_35 = arith.constant 2 : i32
    %dma_start3A_36 = arith.constant 2 : i32
    %dma_start3A_37 = arith.constant 0 : i32
    %dma_start3A_38 = arith.constant 0 : i32
    %dma_start3A_39 = tpu.memref_slice %arg9[%dma_start3A_35, %dma_start3A_37, %dma_start3A_38] : memref<5x128x64xf32, #tpu.memory_space<vmem>> -> memref<1x128x64xf32, #tpu.memory_space<vmem>>
    %dma_start3A_40 = tpu.memref_squeeze %dma_start3A_39 : memref<1x128x64xf32, #tpu.memory_space<vmem>> -> memref<128x64xf32, #tpu.memory_space<vmem>>
    %dma_start3A_41 = arith.constant 0 : i32
    %dma_start3A_42 = tpu.memref_slice %arg7[%dma_start3A_34, %dma_start3A_41] : memref<160x128xi32, #tpu.memory_space<vmem>> -> memref<1x128xi32, #tpu.memory_space<vmem>>
    %dma_start3A_43 = tpu.memref_squeeze %dma_start3A_42 : memref<1x128xi32, #tpu.memory_space<vmem>> -> memref<128xi32, #tpu.memory_space<vmem>>
    %dma_start3A_44 = arith.constant 0 : i32
    %dma_start3A_45 = arith.constant 0 : i32
    %dma_start3A_46 = tpu.memref_slice %arg4[%dma_start3A_44, %dma_start3A_45] : memref<20480x64xf32, #tpu.memory_space<hbm>> -> memref<20480x64xf32, #tpu.memory_space<hbm>>
    %dma_start3A_47 = tpu.memref_slice %arg11[%dma_start3A_36] : memref<5x!tpu.dma_semaphore, #tpu.memory_space<semaphore_mem>> -> memref<1x!tpu.dma_semaphore, #tpu.memory_space<semaphore_mem>>
    %dma_start3A_48 = tpu.memref_squeeze %dma_start3A_47 : memref<1x!tpu.dma_semaphore, #tpu.memory_space<semaphore_mem>> -> memref<!tpu.dma_semaphore, #tpu.memory_space<semaphore_mem>>
    tpu.enqueue_indirect_dma source(%dma_start3A_46 : memref<20480x64xf32, #tpu.memory_space<hbm>>) target(%dma_start3A_40 : memref<128x64xf32, #tpu.memory_space<vmem>>) offsets(%dma_start3A_43 : memref<128xi32, #tpu.memory_space<vmem>>) semaphore(%dma_start3A_48 : memref<!tpu.dma_semaphore, #tpu.memory_space<semaphore_mem>>)
    %dma_start3A_49 = arith.constant 3 : i32
    %dma_start3A_50 = arith.constant 3 : i32
    %dma_start3A_51 = arith.constant 3 : i32
    %dma_start3A_52 = arith.constant 0 : i32
    %dma_start3A_53 = arith.constant 0 : i32
    %dma_start3A_54 = tpu.memref_slice %arg9[%dma_start3A_50, %dma_start3A_52, %dma_start3A_53] : memref<5x128x64xf32, #tpu.memory_space<vmem>> -> memref<1x128x64xf32, #tpu.memory_space<vmem>>
    %dma_start3A_55 = tpu.memref_squeeze %dma_start3A_54 : memref<1x128x64xf32, #tpu.memory_space<vmem>> -> memref<128x64xf32, #tpu.memory_space<vmem>>
    %dma_start3A_56 = arith.constant 0 : i32
    %dma_start3A_57 = tpu.memref_slice %arg7[%dma_start3A_49, %dma_start3A_56] : memref<160x128xi32, #tpu.memory_space<vmem>> -> memref<1x128xi32, #tpu.memory_space<vmem>>
    %dma_start3A_58 = tpu.memref_squeeze %dma_start3A_57 : memref<1x128xi32, #tpu.memory_space<vmem>> -> memref<128xi32, #tpu.memory_space<vmem>>
    %dma_start3A_59 = arith.constant 0 : i32
    %dma_start3A_60 = arith.constant 0 : i32
    %dma_start3A_61 = tpu.memref_slice %arg4[%dma_start3A_59, %dma_start3A_60] : memref<20480x64xf32, #tpu.memory_space<hbm>> -> memref<20480x64xf32, #tpu.memory_space<hbm>>
    %dma_start3A_62 = tpu.memref_slice %arg11[%dma_start3A_51] : memref<5x!tpu.dma_semaphore, #tpu.memory_space<semaphore_mem>> -> memref<1x!tpu.dma_semaphore, #tpu.memory_space<semaphore_mem>>
    %dma_start3A_63 = tpu.memref_squeeze %dma_start3A_62 : memref<1x!tpu.dma_semaphore, #tpu.memory_space<semaphore_mem>> -> memref<!tpu.dma_semaphore, #tpu.memory_space<semaphore_mem>>
    tpu.enqueue_indirect_dma source(%dma_start3A_61 : memref<20480x64xf32, #tpu.memory_space<hbm>>) target(%dma_start3A_55 : memref<128x64xf32, #tpu.memory_space<vmem>>) offsets(%dma_start3A_58 : memref<128xi32, #tpu.memory_space<vmem>>) semaphore(%dma_start3A_63 : memref<!tpu.dma_semaphore, #tpu.memory_space<semaphore_mem>>)
    %scan3A = arith.constant 0 : i32
    %scan3A_64 = arith.constant 160 : i32
    %scan3A_65 = arith.addi %scan3A, %scan3A_64 : i32
    %scan3A_66 = arith.constant 1 : i32
    scf.for %scan3A_95 = %scan3A to %scan3A_65 step %scan3A_66  : i32 {
      %ge3A = arith.constant 1 : i32
      %ge3A_96 = arith.cmpi sge, %scan3A_95, %ge3A : i32
      %convert_element_type3A = arith.extui %ge3A_96 : i1 to i32
      %cond3A = arith.constant 0 : i32
      %cond3A_97 = arith.cmpi ne, %convert_element_type3A, %cond3A : i32
      scf.if %cond3A_97 {
        %sub3A = arith.constant 1 : i32
        %sub3A_161 = arith.subi %scan3A_95, %sub3A : i32
        %jit3A_162 = arith.constant 5 : i32
        %eq3A_163 = arith.constant 0 : i32
        %eq3A_164 = arith.cmpi eq, %jit3A_162, %eq3A_163 : i32
        %jit3A_165 = arith.constant 1 : i32
        %select_n3A_166 = arith.select %eq3A_164, %jit3A_165, %jit3A_162 : i32
        %rem3A_167 = arith.remsi %sub3A_161, %select_n3A_166 : i32
        %ne3A_168 = arith.constant 0 : i32
        %ne3A_169 = arith.cmpi ne, %rem3A_167, %ne3A_168 : i32
        %lt3A_170 = arith.constant 0 : i32
        %lt3A_171 = arith.cmpi slt, %rem3A_167, %lt3A_170 : i32
        %lt3A_172 = arith.constant 0 : i32
        %lt3A_173 = arith.cmpi slt, %select_n3A_166, %lt3A_172 : i32
        %ne3A_174 = arith.xori %lt3A_171, %lt3A_173 : i1
        %and3A_175 = arith.andi %ne3A_174, %ne3A_169 : i1
        %add3A_176 = arith.addi %rem3A_167, %select_n3A_166 : i32
        %select_n3A_177 = arith.select %and3A_175, %add3A_176, %rem3A_167 : i32
        %dma_wait3A_178 = arith.constant 0 : i32
        %dma_wait3A_179 = arith.constant 0 : i32
        %dma_wait3A_180 = tpu.memref_slice %arg9[%select_n3A_177, %dma_wait3A_178, %dma_wait3A_179] : memref<5x128x64xf32, #tpu.memory_space<vmem>> -> memref<1x128x64xf32, #tpu.memory_space<vmem>>
        %dma_wait3A_181 = tpu.memref_squeeze %dma_wait3A_180 : memref<1x128x64xf32, #tpu.memory_space<vmem>> -> memref<128x64xf32, #tpu.memory_space<vmem>>
        %dma_wait3A_182 = arith.constant 0 : i32
        %dma_wait3A_183 = tpu.memref_slice %arg8[%sub3A_161, %dma_wait3A_182] : memref<160x128xi32, #tpu.memory_space<vmem>> -> memref<1x128xi32, #tpu.memory_space<vmem>>
        %dma_wait3A_184 = tpu.memref_squeeze %dma_wait3A_183 : memref<1x128xi32, #tpu.memory_space<vmem>> -> memref<128xi32, #tpu.memory_space<vmem>>
        %dma_wait3A_185 = arith.constant 0 : i32
        %dma_wait3A_186 = arith.constant 0 : i32
        %dma_wait3A_187 = tpu.memref_slice %arg10[%dma_wait3A_185, %dma_wait3A_186] : memref<10240x64xf32, #tpu.memory_space<vmem_shared>> -> memref<10240x64xf32, #tpu.memory_space<vmem_shared>>
        %dma_wait3A_188 = tpu.memref_slice %arg12[%select_n3A_177] : memref<5x!tpu.dma_semaphore, #tpu.memory_space<semaphore_mem>> -> memref<1x!tpu.dma_semaphore, #tpu.memory_space<semaphore_mem>>
        %dma_wait3A_189 = tpu.memref_squeeze %dma_wait3A_188 : memref<1x!tpu.dma_semaphore, #tpu.memory_space<semaphore_mem>> -> memref<!tpu.dma_semaphore, #tpu.memory_space<semaphore_mem>>
        tpu.wait_indirect_dma semaphore(%dma_wait3A_189 : memref<!tpu.dma_semaphore, #tpu.memory_space<semaphore_mem>>) src(%dma_wait3A_181 : memref<128x64xf32, #tpu.memory_space<vmem>>) dst(%dma_wait3A_187 : memref<10240x64xf32, #tpu.memory_space<vmem_shared>>)
      } else {
      }
      %add3A_98 = arith.constant 4 : i32
      %add3A_99 = arith.addi %scan3A_95, %add3A_98 : i32
      %lt3A_100 = arith.constant 160 : i32
      %lt3A_101 = arith.cmpi slt, %add3A_99, %lt3A_100 : i32
      %convert_element_type3A_102 = arith.extui %lt3A_101 : i1 to i32
      %cond3A_103 = arith.constant 0 : i32
      %cond3A_104 = arith.cmpi ne, %convert_element_type3A_102, %cond3A_103 : i32
      scf.if %cond3A_104 {
        %add3A_161 = arith.constant 4 : i32
        %add3A_162 = arith.addi %scan3A_95, %add3A_161 : i32
        %jit3A_163 = arith.constant 5 : i32
        %eq3A_164 = arith.constant 0 : i32
        %eq3A_165 = arith.cmpi eq, %jit3A_163, %eq3A_164 : i32
        %jit3A_166 = arith.constant 1 : i32
        %select_n3A_167 = arith.select %eq3A_165, %jit3A_166, %jit3A_163 : i32
        %rem3A_168 = arith.remsi %add3A_162, %select_n3A_167 : i32
        %ne3A_169 = arith.constant 0 : i32
        %ne3A_170 = arith.cmpi ne, %rem3A_168, %ne3A_169 : i32
        %lt3A_171 = arith.constant 0 : i32
        %lt3A_172 = arith.cmpi slt, %rem3A_168, %lt3A_171 : i32
        %lt3A_173 = arith.constant 0 : i32
        %lt3A_174 = arith.cmpi slt, %select_n3A_167, %lt3A_173 : i32
        %ne3A_175 = arith.xori %lt3A_172, %lt3A_174 : i1
        %and3A_176 = arith.andi %ne3A_175, %ne3A_170 : i1
        %add3A_177 = arith.addi %rem3A_168, %select_n3A_167 : i32
        %select_n3A_178 = arith.select %and3A_176, %add3A_177, %rem3A_168 : i32
        %dma_start3A_179 = arith.constant 0 : i32
        %dma_start3A_180 = arith.constant 0 : i32
        %dma_start3A_181 = tpu.memref_slice %arg9[%select_n3A_178, %dma_start3A_179, %dma_start3A_180] : memref<5x128x64xf32, #tpu.memory_space<vmem>> -> memref<1x128x64xf32, #tpu.memory_space<vmem>>
        %dma_start3A_182 = tpu.memref_squeeze %dma_start3A_181 : memref<1x128x64xf32, #tpu.memory_space<vmem>> -> memref<128x64xf32, #tpu.memory_space<vmem>>
        %dma_start3A_183 = arith.constant 0 : i32
        %dma_start3A_184 = tpu.memref_slice %arg7[%add3A_162, %dma_start3A_183] : memref<160x128xi32, #tpu.memory_space<vmem>> -> memref<1x128xi32, #tpu.memory_space<vmem>>
        %dma_start3A_185 = tpu.memref_squeeze %dma_start3A_184 : memref<1x128xi32, #tpu.memory_space<vmem>> -> memref<128xi32, #tpu.memory_space<vmem>>
        %dma_start3A_186 = arith.constant 0 : i32
        %dma_start3A_187 = arith.constant 0 : i32
        %dma_start3A_188 = tpu.memref_slice %arg4[%dma_start3A_186, %dma_start3A_187] : memref<20480x64xf32, #tpu.memory_space<hbm>> -> memref<20480x64xf32, #tpu.memory_space<hbm>>
        %dma_start3A_189 = tpu.memref_slice %arg11[%select_n3A_178] : memref<5x!tpu.dma_semaphore, #tpu.memory_space<semaphore_mem>> -> memref<1x!tpu.dma_semaphore, #tpu.memory_space<semaphore_mem>>
        %dma_start3A_190 = tpu.memref_squeeze %dma_start3A_189 : memref<1x!tpu.dma_semaphore, #tpu.memory_space<semaphore_mem>> -> memref<!tpu.dma_semaphore, #tpu.memory_space<semaphore_mem>>
        tpu.enqueue_indirect_dma source(%dma_start3A_188 : memref<20480x64xf32, #tpu.memory_space<hbm>>) target(%dma_start3A_182 : memref<128x64xf32, #tpu.memory_space<vmem>>) offsets(%dma_start3A_185 : memref<128xi32, #tpu.memory_space<vmem>>) semaphore(%dma_start3A_190 : memref<!tpu.dma_semaphore, #tpu.memory_space<semaphore_mem>>)
      } else {
      }
      %jit3A_105 = arith.constant 5 : i32
      %eq3A_106 = arith.constant 0 : i32
      %eq3A_107 = arith.cmpi eq, %jit3A_105, %eq3A_106 : i32
      %jit3A_108 = arith.constant 1 : i32
      %select_n3A_109 = arith.select %eq3A_107, %jit3A_108, %jit3A_105 : i32
      %rem3A_110 = arith.remsi %scan3A_95, %select_n3A_109 : i32
      %ne3A_111 = arith.constant 0 : i32
      %ne3A_112 = arith.cmpi ne, %rem3A_110, %ne3A_111 : i32
      %lt3A_113 = arith.constant 0 : i32
      %lt3A_114 = arith.cmpi slt, %rem3A_110, %lt3A_113 : i32
      %lt3A_115 = arith.constant 0 : i32
      %lt3A_116 = arith.cmpi slt, %select_n3A_109, %lt3A_115 : i32
      %ne3A_117 = arith.xori %lt3A_114, %lt3A_116 : i1
      %and3A_118 = arith.andi %ne3A_117, %ne3A_112 : i1
      %add3A_119 = arith.addi %rem3A_110, %select_n3A_109 : i32
      %select_n3A_120 = arith.select %and3A_118, %add3A_119, %rem3A_110 : i32
      %dma_wait3A_121 = arith.constant 0 : i32
      %dma_wait3A_122 = arith.constant 0 : i32
      %dma_wait3A_123 = tpu.memref_slice %arg9[%select_n3A_120, %dma_wait3A_121, %dma_wait3A_122] : memref<5x128x64xf32, #tpu.memory_space<vmem>> -> memref<1x128x64xf32, #tpu.memory_space<vmem>>
      %dma_wait3A_124 = tpu.memref_squeeze %dma_wait3A_123 : memref<1x128x64xf32, #tpu.memory_space<vmem>> -> memref<128x64xf32, #tpu.memory_space<vmem>>
      %dma_wait3A_125 = arith.constant 0 : i32
      %dma_wait3A_126 = tpu.memref_slice %arg7[%scan3A_95, %dma_wait3A_125] : memref<160x128xi32, #tpu.memory_space<vmem>> -> memref<1x128xi32, #tpu.memory_space<vmem>>
      %dma_wait3A_127 = tpu.memref_squeeze %dma_wait3A_126 : memref<1x128xi32, #tpu.memory_space<vmem>> -> memref<128xi32, #tpu.memory_space<vmem>>
      %dma_wait3A_128 = arith.constant 0 : i32
      %dma_wait3A_129 = arith.constant 0 : i32
      %dma_wait3A_130 = tpu.memref_slice %arg4[%dma_wait3A_128, %dma_wait3A_129] : memref<20480x64xf32, #tpu.memory_space<hbm>> -> memref<20480x64xf32, #tpu.memory_space<hbm>>
      %dma_wait3A_131 = tpu.memref_slice %arg11[%select_n3A_120] : memref<5x!tpu.dma_semaphore, #tpu.memory_space<semaphore_mem>> -> memref<1x!tpu.dma_semaphore, #tpu.memory_space<semaphore_mem>>
      %dma_wait3A_132 = tpu.memref_squeeze %dma_wait3A_131 : memref<1x!tpu.dma_semaphore, #tpu.memory_space<semaphore_mem>> -> memref<!tpu.dma_semaphore, #tpu.memory_space<semaphore_mem>>
      tpu.wait_indirect_dma semaphore(%dma_wait3A_132 : memref<!tpu.dma_semaphore, #tpu.memory_space<semaphore_mem>>) src(%dma_wait3A_130 : memref<20480x64xf32, #tpu.memory_space<hbm>>) dst(%dma_wait3A_124 : memref<128x64xf32, #tpu.memory_space<vmem>>)
      %jit3A_133 = arith.constant 5 : i32
      %eq3A_134 = arith.constant 0 : i32
      %eq3A_135 = arith.cmpi eq, %jit3A_133, %eq3A_134 : i32
      %jit3A_136 = arith.constant 1 : i32
      %select_n3A_137 = arith.select %eq3A_135, %jit3A_136, %jit3A_133 : i32
      %rem3A_138 = arith.remsi %scan3A_95, %select_n3A_137 : i32
      %ne3A_139 = arith.constant 0 : i32
      %ne3A_140 = arith.cmpi ne, %rem3A_138, %ne3A_139 : i32
      %lt3A_141 = arith.constant 0 : i32
      %lt3A_142 = arith.cmpi slt, %rem3A_138, %lt3A_141 : i32
      %lt3A_143 = arith.constant 0 : i32
      %lt3A_144 = arith.cmpi slt, %select_n3A_137, %lt3A_143 : i32
      %ne3A_145 = arith.xori %lt3A_142, %lt3A_144 : i1
      %and3A_146 = arith.andi %ne3A_145, %ne3A_140 : i1
      %add3A_147 = arith.addi %rem3A_138, %select_n3A_137 : i32
      %select_n3A_148 = arith.select %and3A_146, %add3A_147, %rem3A_138 : i32
      %dma_start3A_149 = arith.constant 0 : i32
      %dma_start3A_150 = arith.constant 0 : i32
      %dma_start3A_151 = tpu.memref_slice %arg9[%select_n3A_148, %dma_start3A_149, %dma_start3A_150] : memref<5x128x64xf32, #tpu.memory_space<vmem>> -> memref<1x128x64xf32, #tpu.memory_space<vmem>>
      %dma_start3A_152 = tpu.memref_squeeze %dma_start3A_151 : memref<1x128x64xf32, #tpu.memory_space<vmem>> -> memref<128x64xf32, #tpu.memory_space<vmem>>
      %dma_start3A_153 = arith.constant 0 : i32
      %dma_start3A_154 = tpu.memref_slice %arg8[%scan3A_95, %dma_start3A_153] : memref<160x128xi32, #tpu.memory_space<vmem>> -> memref<1x128xi32, #tpu.memory_space<vmem>>
      %dma_start3A_155 = tpu.memref_squeeze %dma_start3A_154 : memref<1x128xi32, #tpu.memory_space<vmem>> -> memref<128xi32, #tpu.memory_space<vmem>>
      %dma_start3A_156 = arith.constant 0 : i32
      %dma_start3A_157 = arith.constant 0 : i32
      %dma_start3A_158 = tpu.memref_slice %arg10[%dma_start3A_156, %dma_start3A_157] : memref<10240x64xf32, #tpu.memory_space<vmem_shared>> -> memref<10240x64xf32, #tpu.memory_space<vmem_shared>>
      %dma_start3A_159 = tpu.memref_slice %arg12[%select_n3A_148] : memref<5x!tpu.dma_semaphore, #tpu.memory_space<semaphore_mem>> -> memref<1x!tpu.dma_semaphore, #tpu.memory_space<semaphore_mem>>
      %dma_start3A_160 = tpu.memref_squeeze %dma_start3A_159 : memref<1x!tpu.dma_semaphore, #tpu.memory_space<semaphore_mem>> -> memref<!tpu.dma_semaphore, #tpu.memory_space<semaphore_mem>>
      tpu.enqueue_indirect_dma source(%dma_start3A_152 : memref<128x64xf32, #tpu.memory_space<vmem>>) target(%dma_start3A_158 : memref<10240x64xf32, #tpu.memory_space<vmem_shared>>) offsets(%dma_start3A_155 : memref<128xi32, #tpu.memory_space<vmem>>) semaphore(%dma_start3A_160 : memref<!tpu.dma_semaphore, #tpu.memory_space<semaphore_mem>>) {add = true}
    }
    %scan3A_67 = arith.constant 160 : i32
    %scan3A_68 = arith.constant 159 : i32
    %jit3A = arith.constant 5 : i32
    %eq3A = arith.constant 0 : i32
    %eq3A_69 = arith.cmpi eq, %jit3A, %eq3A : i32
    %jit3A_70 = arith.constant 1 : i32
    %select_n3A = arith.select %eq3A_69, %jit3A_70, %jit3A : i32
    %rem3A = arith.remsi %scan3A_68, %select_n3A : i32
    %ne3A = arith.constant 0 : i32
    %ne3A_71 = arith.cmpi ne, %rem3A, %ne3A : i32
    %lt3A = arith.constant 0 : i32
    %lt3A_72 = arith.cmpi slt, %rem3A, %lt3A : i32
    %lt3A_73 = arith.constant 0 : i32
    %lt3A_74 = arith.cmpi slt, %select_n3A, %lt3A_73 : i32
    %ne3A_75 = arith.xori %lt3A_72, %lt3A_74 : i1
    %and3A = arith.andi %ne3A_75, %ne3A_71 : i1
    %add3A_76 = arith.addi %rem3A, %select_n3A : i32
    %select_n3A_77 = arith.select %and3A, %add3A_76, %rem3A : i32
    %dma_wait3A = arith.constant 0 : i32
    %dma_wait3A_78 = arith.constant 0 : i32
    %dma_wait3A_79 = tpu.memref_slice %arg9[%select_n3A_77, %dma_wait3A, %dma_wait3A_78] : memref<5x128x64xf32, #tpu.memory_space<vmem>> -> memref<1x128x64xf32, #tpu.memory_space<vmem>>
    %dma_wait3A_80 = tpu.memref_squeeze %dma_wait3A_79 : memref<1x128x64xf32, #tpu.memory_space<vmem>> -> memref<128x64xf32, #tpu.memory_space<vmem>>
    %dma_wait3A_81 = arith.constant 0 : i32
    %dma_wait3A_82 = tpu.memref_slice %arg8[%scan3A_68, %dma_wait3A_81] : memref<160x128xi32, #tpu.memory_space<vmem>> -> memref<1x128xi32, #tpu.memory_space<vmem>>
    %dma_wait3A_83 = tpu.memref_squeeze %dma_wait3A_82 : memref<1x128xi32, #tpu.memory_space<vmem>> -> memref<128xi32, #tpu.memory_space<vmem>>
    %dma_wait3A_84 = arith.constant 0 : i32
    %dma_wait3A_85 = arith.constant 0 : i32
    %dma_wait3A_86 = tpu.memref_slice %arg10[%dma_wait3A_84, %dma_wait3A_85] : memref<10240x64xf32, #tpu.memory_space<vmem_shared>> -> memref<10240x64xf32, #tpu.memory_space<vmem_shared>>
    %dma_wait3A_87 = tpu.memref_slice %arg12[%select_n3A_77] : memref<5x!tpu.dma_semaphore, #tpu.memory_space<semaphore_mem>> -> memref<1x!tpu.dma_semaphore, #tpu.memory_space<semaphore_mem>>
    %dma_wait3A_88 = tpu.memref_squeeze %dma_wait3A_87 : memref<1x!tpu.dma_semaphore, #tpu.memory_space<semaphore_mem>> -> memref<!tpu.dma_semaphore, #tpu.memory_space<semaphore_mem>>
    tpu.wait_indirect_dma semaphore(%dma_wait3A_88 : memref<!tpu.dma_semaphore, #tpu.memory_space<semaphore_mem>>) src(%dma_wait3A_80 : memref<128x64xf32, #tpu.memory_space<vmem>>) dst(%dma_wait3A_86 : memref<10240x64xf32, #tpu.memory_space<vmem_shared>>)
    %scan3A_89 = arith.constant 1 : i32
    %barrier3A_90 = arith.constant 0 : index
    tpu.barrier barrier_id(%barrier3A_90)
    %mul3A_91 = arith.constant 640 : i32
    %mul3A_92 = arith.muli %arg1, %mul3A_91 : i32
    %mul3A_93 = arith.constant 640 : i32
    %mul3A_94 = arith.muli %arg1, %mul3A_93 : i32
    "tpu.region"() ({
      %run_scoped3A = tpu.sem_alloc : memref<!tpu.dma_semaphore, #tpu.memory_space<semaphore_mem>>
      %dma_start3A_95 = arith.constant 0 : i32
      %dma_start3A_96 = tpu.memref_slice %arg6[%arg0, %mul3A_94, %dma_start3A_95] : memref<2x10240x64xf32, #tpu.memory_space<hbm>> -> memref<1x640x64xf32, #tpu.memory_space<hbm>>
      %dma_start3A_97 = tpu.memref_squeeze %dma_start3A_96 : memref<1x640x64xf32, #tpu.memory_space<hbm>> -> memref<640x64xf32, #tpu.memory_space<hbm>>
      %dma_start3A_98 = arith.constant 0 : i32
      %dma_start3A_99 = tpu.memref_slice %arg10[%mul3A_92, %dma_start3A_98] : memref<10240x64xf32, #tpu.memory_space<vmem_shared>> -> memref<640x64xf32, #tpu.memory_space<vmem_shared>>
      tpu.enqueue_dma source(%dma_start3A_99 : memref<640x64xf32, #tpu.memory_space<vmem_shared>>) target(%dma_start3A_97 : memref<640x64xf32, #tpu.memory_space<hbm>>) target_semaphore(%run_scoped3A : memref<!tpu.dma_semaphore, #tpu.memory_space<semaphore_mem>>)
      %dma_wait3A_100 = arith.constant 0 : i32
      %dma_wait3A_101 = tpu.memref_slice %arg6[%arg0, %mul3A_94, %dma_wait3A_100] : memref<2x10240x64xf32, #tpu.memory_space<hbm>> -> memref<1x640x64xf32, #tpu.memory_space<hbm>>
      %dma_wait3A_102 = tpu.memref_squeeze %dma_wait3A_101 : memref<1x640x64xf32, #tpu.memory_space<hbm>> -> memref<640x64xf32, #tpu.memory_space<hbm>>
      %dma_wait3A_103 = arith.constant 0 : i32
      %dma_wait3A_104 = tpu.memref_slice %arg10[%mul3A_92, %dma_wait3A_103] : memref<10240x64xf32, #tpu.memory_space<vmem_shared>> -> memref<640x64xf32, #tpu.memory_space<vmem_shared>>
      tpu.wait_dma2 semaphore(%run_scoped3A : memref<!tpu.dma_semaphore, #tpu.memory_space<semaphore_mem>>) src(%dma_wait3A_104 : memref<640x64xf32, #tpu.memory_space<vmem_shared>>) dst(%dma_wait3A_102 : memref<640x64xf32, #tpu.memory_space<hbm>>)
      tpu.yield
    }) : () -> ()
    return
  }
}

#map = affine_map<(d0, d1) -> (0, 0, 0)>
#map1 = affine_map<(d0, d1) -> (0, 0)>
module attributes {stable_mosaic.version = 14 : i64} {
  func.func @_deg_body(%arg0: i32, %arg1: i32, %arg2: memref<32x80x128xi32, #tpu.memory_space<hbm>>, %arg3: memref<32x10240xf32, #tpu.memory_space<hbm>>, %arg4: memref<80x128xi32, #tpu.memory_space<vmem>>, %arg5: memref<10240xf32, #tpu.memory_space<vmem>>) attributes {dimension_semantics = [#tpu.dimension_semantics<core_parallel>, #tpu.dimension_semantics<subcore_parallel>], iteration_bounds = array<i64: 2, 16>, scalar_prefetch = 0 : i64, scratch_operands = 2 : i64, tpu.core_type = #tpu.core_type<sc_vector_subcore>, window_params = [{transform_indices = #map}, {transform_indices = #map1}]} {
    %mul3A = arith.constant 16 : i32
    %mul3A_0 = arith.muli %arg0, %mul3A : i32
    %add3A = arith.addi %mul3A_0, %arg1 : i32
    "tpu.region"() ({
      %run_scoped3A = tpu.sem_alloc : memref<!tpu.dma_semaphore, #tpu.memory_space<semaphore_mem>>
      %dma_start3A = arith.constant 0 : i32
      %dma_start3A_13 = arith.constant 0 : i32
      %dma_start3A_14 = tpu.memref_slice %arg2[%add3A, %dma_start3A, %dma_start3A_13] : memref<32x80x128xi32, #tpu.memory_space<hbm>> -> memref<1x80x128xi32, #tpu.memory_space<hbm>>
      %dma_start3A_15 = tpu.memref_squeeze %dma_start3A_14 : memref<1x80x128xi32, #tpu.memory_space<hbm>> -> memref<80x128xi32, #tpu.memory_space<hbm>>
      %dma_start3A_16 = arith.constant 0 : i32
      %dma_start3A_17 = arith.constant 0 : i32
      %dma_start3A_18 = tpu.memref_slice %arg2[%add3A, %dma_start3A_16, %dma_start3A_17] : memref<32x80x128xi32, #tpu.memory_space<hbm>> -> memref<1x80x128xi32, #tpu.memory_space<hbm>>
      %dma_start3A_19 = tpu.memref_squeeze %dma_start3A_18 : memref<1x80x128xi32, #tpu.memory_space<hbm>> -> memref<80x128xi32, #tpu.memory_space<hbm>>
      tpu.enqueue_dma source(%dma_start3A_19 : memref<80x128xi32, #tpu.memory_space<hbm>>) target(%arg4 : memref<80x128xi32, #tpu.memory_space<vmem>>) target_semaphore(%run_scoped3A : memref<!tpu.dma_semaphore, #tpu.memory_space<semaphore_mem>>)
      %dma_wait3A = arith.constant 0 : i32
      %dma_wait3A_20 = arith.constant 0 : i32
      %dma_wait3A_21 = tpu.memref_slice %arg2[%add3A, %dma_wait3A, %dma_wait3A_20] : memref<32x80x128xi32, #tpu.memory_space<hbm>> -> memref<1x80x128xi32, #tpu.memory_space<hbm>>
      %dma_wait3A_22 = tpu.memref_squeeze %dma_wait3A_21 : memref<1x80x128xi32, #tpu.memory_space<hbm>> -> memref<80x128xi32, #tpu.memory_space<hbm>>
      %dma_wait3A_23 = arith.constant 0 : i32
      %dma_wait3A_24 = arith.constant 0 : i32
      %dma_wait3A_25 = tpu.memref_slice %arg2[%add3A, %dma_wait3A_23, %dma_wait3A_24] : memref<32x80x128xi32, #tpu.memory_space<hbm>> -> memref<1x80x128xi32, #tpu.memory_space<hbm>>
      %dma_wait3A_26 = tpu.memref_squeeze %dma_wait3A_25 : memref<1x80x128xi32, #tpu.memory_space<hbm>> -> memref<80x128xi32, #tpu.memory_space<hbm>>
      tpu.wait_dma2 semaphore(%run_scoped3A : memref<!tpu.dma_semaphore, #tpu.memory_space<semaphore_mem>>) src(%dma_wait3A_26 : memref<80x128xi32, #tpu.memory_space<hbm>>) dst(%arg4 : memref<80x128xi32, #tpu.memory_space<vmem>>)
      tpu.yield
    }) : () -> ()
    %broadcast_in_dim3A = arith.constant 0.000000e+00 : f32
    %broadcast_in_dim3A_1 = vector.broadcast %broadcast_in_dim3A : f32 to vector<16xf32>
    %scan3A = arith.constant 0 : i32
    %scan3A_2 = arith.constant 640 : i32
    %scan3A_3 = arith.addi %scan3A, %scan3A_2 : i32
    %scan3A_4 = arith.constant 1 : i32
    scf.for %scan3A_13 = %scan3A to %scan3A_3 step %scan3A_4  : i32 {
      %mul3A_14 = arith.constant 16 : i32
      %mul3A_15 = arith.muli %scan3A_13, %mul3A_14 : i32
      %swap3A = arith.index_cast %mul3A_15 : i32 to index
      %swap3A_16 = tpu.vector_load %arg5[%swap3A] {strides = array<i32>} : memref<10240xf32, #tpu.memory_space<vmem>>, vector<16xf32>,
      tpu.vector_store %arg5[%swap3A], %broadcast_in_dim3A_1 {strides = array<i32>} : memref<10240xf32, #tpu.memory_space<vmem>>, vector<16xf32>,
    }
    %scan3A_5 = arith.constant 640 : i32
    %broadcast_in_dim3A_6 = arith.constant 1.000000e+00 : f32
    %broadcast_in_dim3A_7 = vector.broadcast %broadcast_in_dim3A_6 : f32 to vector<16xf32>
    %scan3A_8 = arith.constant 0 : i32
    %scan3A_9 = arith.constant 640 : i32
    %scan3A_10 = arith.addi %scan3A_8, %scan3A_9 : i32
    %scan3A_11 = arith.constant 1 : i32
    scf.for %scan3A_13 = %scan3A_8 to %scan3A_10 step %scan3A_11  : i32 {
      %jit3A = arith.constant 8 : i32
      %div3A = arith.divsi %scan3A_13, %jit3A : i32
      %sign3A = arith.constant 0 : i32
      %sign3A_14 = arith.cmpi sgt, %scan3A_13, %sign3A : i32
      %sign3A_15 = arith.extui %sign3A_14 : i1 to i32
      %sign3A_16 = arith.constant 0 : i32
      %sign3A_17 = arith.cmpi slt, %scan3A_13, %sign3A_16 : i32
      %sign3A_18 = arith.extui %sign3A_17 : i1 to i32
      %sign3A_19 = arith.subi %sign3A_15, %sign3A_18 : i32
      %sign3A_20 = arith.constant 0 : i32
      %sign3A_21 = arith.cmpi sgt, %jit3A, %sign3A_20 : i32
      %sign3A_22 = arith.extui %sign3A_21 : i1 to i32
      %sign3A_23 = arith.constant 0 : i32
      %sign3A_24 = arith.cmpi slt, %jit3A, %sign3A_23 : i32
      %sign3A_25 = arith.extui %sign3A_24 : i1 to i32
      %sign3A_26 = arith.subi %sign3A_22, %sign3A_25 : i32
      %ne3A = arith.cmpi ne, %sign3A_19, %sign3A_26 : i32
      %rem3A = arith.remsi %scan3A_13, %jit3A : i32
      %ne3A_27 = arith.constant 0 : i32
      %ne3A_28 = arith.cmpi ne, %rem3A, %ne3A_27 : i32
      %and3A = arith.andi %ne3A, %ne3A_28 : i1
      %sub3A = arith.constant 1 : i32
      %sub3A_29 = arith.subi %div3A, %sub3A : i32
      %select_n3A = arith.select %and3A, %sub3A_29, %div3A : i32
      %jit3A_30 = arith.constant 8 : i32
      %eq3A = arith.constant 0 : i32
      %eq3A_31 = arith.cmpi eq, %jit3A_30, %eq3A : i32
      %jit3A_32 = arith.constant 1 : i32
      %select_n3A_33 = arith.select %eq3A_31, %jit3A_32, %jit3A_30 : i32
      %rem3A_34 = arith.remsi %scan3A_13, %select_n3A_33 : i32
      %ne3A_35 = arith.constant 0 : i32
      %ne3A_36 = arith.cmpi ne, %rem3A_34, %ne3A_35 : i32
      %lt3A = arith.constant 0 : i32
      %lt3A_37 = arith.cmpi slt, %rem3A_34, %lt3A : i32
      %lt3A_38 = arith.constant 0 : i32
      %lt3A_39 = arith.cmpi slt, %select_n3A_33, %lt3A_38 : i32
      %ne3A_40 = arith.xori %lt3A_37, %lt3A_39 : i1
      %and3A_41 = arith.andi %ne3A_40, %ne3A_36 : i1
      %add3A_42 = arith.addi %rem3A_34, %select_n3A_33 : i32
      %select_n3A_43 = arith.select %and3A_41, %add3A_42, %rem3A_34 : i32
      %mul3A_44 = arith.constant 16 : i32
      %mul3A_45 = arith.muli %select_n3A_43, %mul3A_44 : i32
      %get3A = arith.index_cast %select_n3A : i32 to index
      %get3A_46 = arith.index_cast %mul3A_45 : i32 to index
      %get3A_47 = tpu.vector_load %arg4[%get3A, %get3A_46] {strides = array<i32>} : memref<80x128xi32, #tpu.memory_space<vmem>>, vector<16xi32>,
      tpu.vector_store_idx %arg5[%get3A_47], %broadcast_in_dim3A_7 {add = true} : memref<10240xf32, #tpu.memory_space<vmem>>[vector<16xi32>], vector<16xf32>,
    }
    %scan3A_12 = arith.constant 640 : i32
    "tpu.region"() ({
      %run_scoped3A = tpu.sem_alloc : memref<!tpu.dma_semaphore, #tpu.memory_space<semaphore_mem>>
      %dma_start3A = arith.constant 0 : i32
      %dma_start3A_13 = tpu.memref_slice %arg3[%add3A, %dma_start3A] : memref<32x10240xf32, #tpu.memory_space<hbm>> -> memref<1x10240xf32, #tpu.memory_space<hbm>>
      %dma_start3A_14 = tpu.memref_squeeze %dma_start3A_13 : memref<1x10240xf32, #tpu.memory_space<hbm>> -> memref<10240xf32, #tpu.memory_space<hbm>>
      %dma_start3A_15 = arith.constant 0 : i32
      %dma_start3A_16 = tpu.memref_slice %arg3[%add3A, %dma_start3A_15] : memref<32x10240xf32, #tpu.memory_space<hbm>> -> memref<1x10240xf32, #tpu.memory_space<hbm>>
      %dma_start3A_17 = tpu.memref_squeeze %dma_start3A_16 : memref<1x10240xf32, #tpu.memory_space<hbm>> -> memref<10240xf32, #tpu.memory_space<hbm>>
      tpu.enqueue_dma source(%arg5 : memref<10240xf32, #tpu.memory_space<vmem>>) target(%dma_start3A_17 : memref<10240xf32, #tpu.memory_space<hbm>>) target_semaphore(%run_scoped3A : memref<!tpu.dma_semaphore, #tpu.memory_space<semaphore_mem>>)
      %dma_wait3A = arith.constant 0 : i32
      %dma_wait3A_18 = tpu.memref_slice %arg3[%add3A, %dma_wait3A] : memref<32x10240xf32, #tpu.memory_space<hbm>> -> memref<1x10240xf32, #tpu.memory_space<hbm>>
      %dma_wait3A_19 = tpu.memref_squeeze %dma_wait3A_18 : memref<1x10240xf32, #tpu.memory_space<hbm>> -> memref<10240xf32, #tpu.memory_space<hbm>>
      %dma_wait3A_20 = arith.constant 0 : i32
      %dma_wait3A_21 = tpu.memref_slice %arg3[%add3A, %dma_wait3A_20] : memref<32x10240xf32, #tpu.memory_space<hbm>> -> memref<1x10240xf32, #tpu.memory_space<hbm>>
      %dma_wait3A_22 = tpu.memref_squeeze %dma_wait3A_21 : memref<1x10240xf32, #tpu.memory_space<hbm>> -> memref<10240xf32, #tpu.memory_space<hbm>>
      tpu.wait_dma2 semaphore(%run_scoped3A : memref<!tpu.dma_semaphore, #tpu.memory_space<semaphore_mem>>) src(%arg5 : memref<10240xf32, #tpu.memory_space<vmem>>) dst(%dma_wait3A_22 : memref<10240xf32, #tpu.memory_space<hbm>>)
      tpu.yield
    }) : () -> ()
    return
  }
}

#map = affine_map<(d0, d1) -> (0, 0, 0)>
#map1 = affine_map<(d0, d1) -> (0, 0)>
module attributes {stable_mosaic.version = 14 : i64} {
  func.func @_agg_body(%arg0: i32, %arg1: i32, %arg2: memref<32x160x128xi32, #tpu.memory_space<hbm>>, %arg3: memref<16x160x128xi32, #tpu.memory_space<hbm>>, %arg4: memref<20480x64xf32, #tpu.memory_space<hbm>>, %arg5: memref<10240x64xf32, #tpu.memory_space<hbm>>, %arg6: memref<2x10240x64xf32, #tpu.memory_space<hbm>>, %arg7: memref<160x128xi32, #tpu.memory_space<vmem>>, %arg8: memref<160x128xi32, #tpu.memory_space<vmem>>, %arg9: memref<5x128x64xf32, #tpu.memory_space<vmem>>, %arg10: memref<10240x64xf32, #tpu.memory_space<vmem_shared>>, %arg11: memref<5x!tpu.dma_semaphore, #tpu.memory_space<semaphore_mem>>, %arg12: memref<5x!tpu.dma_semaphore, #tpu.memory_space<semaphore_mem>>) attributes {dimension_semantics = [#tpu.dimension_semantics<core_parallel>, #tpu.dimension_semantics<subcore_parallel>], iteration_bounds = array<i64: 2, 16>, scalar_prefetch = 0 : i64, scratch_operands = 6 : i64, tpu.core_type = #tpu.core_type<sc_vector_subcore>, window_params = [{transform_indices = #map}, {transform_indices = #map}, {transform_indices = #map1}, {transform_indices = #map1}, {transform_indices = #map}]} {
    %mul3A = arith.constant 16 : i32
    %mul3A_0 = arith.muli %arg0, %mul3A : i32
    %add3A = arith.addi %mul3A_0, %arg1 : i32
    "tpu.region"() ({
      %run_scoped3A = tpu.sem_alloc : memref<!tpu.dma_semaphore, #tpu.memory_space<semaphore_mem>>
      %dma_start3A_95 = arith.constant 0 : i32
      %dma_start3A_96 = arith.constant 0 : i32
      %dma_start3A_97 = tpu.memref_slice %arg2[%add3A, %dma_start3A_95, %dma_start3A_96] : memref<32x160x128xi32, #tpu.memory_space<hbm>> -> memref<1x160x128xi32, #tpu.memory_space<hbm>>
      %dma_start3A_98 = tpu.memref_squeeze %dma_start3A_97 : memref<1x160x128xi32, #tpu.memory_space<hbm>> -> memref<160x128xi32, #tpu.memory_space<hbm>>
      %dma_start3A_99 = arith.constant 0 : i32
      %dma_start3A_100 = arith.constant 0 : i32
      %dma_start3A_101 = tpu.memref_slice %arg2[%add3A, %dma_start3A_99, %dma_start3A_100] : memref<32x160x128xi32, #tpu.memory_space<hbm>> -> memref<1x160x128xi32, #tpu.memory_space<hbm>>
      %dma_start3A_102 = tpu.memref_squeeze %dma_start3A_101 : memref<1x160x128xi32, #tpu.memory_space<hbm>> -> memref<160x128xi32, #tpu.memory_space<hbm>>
      tpu.enqueue_dma source(%dma_start3A_102 : memref<160x128xi32, #tpu.memory_space<hbm>>) target(%arg7 : memref<160x128xi32, #tpu.memory_space<vmem>>) target_semaphore(%run_scoped3A : memref<!tpu.dma_semaphore, #tpu.memory_space<semaphore_mem>>)
      %dma_wait3A_103 = arith.constant 0 : i32
      %dma_wait3A_104 = arith.constant 0 : i32
      %dma_wait3A_105 = tpu.memref_slice %arg2[%add3A, %dma_wait3A_103, %dma_wait3A_104] : memref<32x160x128xi32, #tpu.memory_space<hbm>> -> memref<1x160x128xi32, #tpu.memory_space<hbm>>
      %dma_wait3A_106 = tpu.memref_squeeze %dma_wait3A_105 : memref<1x160x128xi32, #tpu.memory_space<hbm>> -> memref<160x128xi32, #tpu.memory_space<hbm>>
      %dma_wait3A_107 = arith.constant 0 : i32
      %dma_wait3A_108 = arith.constant 0 : i32
      %dma_wait3A_109 = tpu.memref_slice %arg2[%add3A, %dma_wait3A_107, %dma_wait3A_108] : memref<32x160x128xi32, #tpu.memory_space<hbm>> -> memref<1x160x128xi32, #tpu.memory_space<hbm>>
      %dma_wait3A_110 = tpu.memref_squeeze %dma_wait3A_109 : memref<1x160x128xi32, #tpu.memory_space<hbm>> -> memref<160x128xi32, #tpu.memory_space<hbm>>
      tpu.wait_dma2 semaphore(%run_scoped3A : memref<!tpu.dma_semaphore, #tpu.memory_space<semaphore_mem>>) src(%dma_wait3A_110 : memref<160x128xi32, #tpu.memory_space<hbm>>) dst(%arg7 : memref<160x128xi32, #tpu.memory_space<vmem>>)
      tpu.yield
    }) : () -> ()
    "tpu.region"() ({
      %run_scoped3A = tpu.sem_alloc : memref<!tpu.dma_semaphore, #tpu.memory_space<semaphore_mem>>
      %dma_start3A_95 = arith.constant 0 : i32
      %dma_start3A_96 = arith.constant 0 : i32
      %dma_start3A_97 = tpu.memref_slice %arg3[%arg1, %dma_start3A_95, %dma_start3A_96] : memref<16x160x128xi32, #tpu.memory_space<hbm>> -> memref<1x160x128xi32, #tpu.memory_space<hbm>>
      %dma_start3A_98 = tpu.memref_squeeze %dma_start3A_97 : memref<1x160x128xi32, #tpu.memory_space<hbm>> -> memref<160x128xi32, #tpu.memory_space<hbm>>
      %dma_start3A_99 = arith.constant 0 : i32
      %dma_start3A_100 = arith.constant 0 : i32
      %dma_start3A_101 = tpu.memref_slice %arg3[%arg1, %dma_start3A_99, %dma_start3A_100] : memref<16x160x128xi32, #tpu.memory_space<hbm>> -> memref<1x160x128xi32, #tpu.memory_space<hbm>>
      %dma_start3A_102 = tpu.memref_squeeze %dma_start3A_101 : memref<1x160x128xi32, #tpu.memory_space<hbm>> -> memref<160x128xi32, #tpu.memory_space<hbm>>
      tpu.enqueue_dma source(%dma_start3A_102 : memref<160x128xi32, #tpu.memory_space<hbm>>) target(%arg8 : memref<160x128xi32, #tpu.memory_space<vmem>>) target_semaphore(%run_scoped3A : memref<!tpu.dma_semaphore, #tpu.memory_space<semaphore_mem>>)
      %dma_wait3A_103 = arith.constant 0 : i32
      %dma_wait3A_104 = arith.constant 0 : i32
      %dma_wait3A_105 = tpu.memref_slice %arg3[%arg1, %dma_wait3A_103, %dma_wait3A_104] : memref<16x160x128xi32, #tpu.memory_space<hbm>> -> memref<1x160x128xi32, #tpu.memory_space<hbm>>
      %dma_wait3A_106 = tpu.memref_squeeze %dma_wait3A_105 : memref<1x160x128xi32, #tpu.memory_space<hbm>> -> memref<160x128xi32, #tpu.memory_space<hbm>>
      %dma_wait3A_107 = arith.constant 0 : i32
      %dma_wait3A_108 = arith.constant 0 : i32
      %dma_wait3A_109 = tpu.memref_slice %arg3[%arg1, %dma_wait3A_107, %dma_wait3A_108] : memref<16x160x128xi32, #tpu.memory_space<hbm>> -> memref<1x160x128xi32, #tpu.memory_space<hbm>>
      %dma_wait3A_110 = tpu.memref_squeeze %dma_wait3A_109 : memref<1x160x128xi32, #tpu.memory_space<hbm>> -> memref<160x128xi32, #tpu.memory_space<hbm>>
      tpu.wait_dma2 semaphore(%run_scoped3A : memref<!tpu.dma_semaphore, #tpu.memory_space<semaphore_mem>>) src(%dma_wait3A_110 : memref<160x128xi32, #tpu.memory_space<hbm>>) dst(%arg8 : memref<160x128xi32, #tpu.memory_space<vmem>>)
      tpu.yield
    }) : () -> ()
    %mul3A_1 = arith.constant 640 : i32
    %mul3A_2 = arith.muli %arg1, %mul3A_1 : i32
    %mul3A_3 = arith.constant 640 : i32
    %mul3A_4 = arith.muli %arg1, %mul3A_3 : i32
    "tpu.region"() ({
      %run_scoped3A = tpu.sem_alloc : memref<!tpu.dma_semaphore, #tpu.memory_space<semaphore_mem>>
      %dma_start3A_95 = arith.constant 0 : i32
      %dma_start3A_96 = tpu.memref_slice %arg10[%mul3A_4, %dma_start3A_95] : memref<10240x64xf32, #tpu.memory_space<vmem_shared>> -> memref<640x64xf32, #tpu.memory_space<vmem_shared>>
      %dma_start3A_97 = arith.constant 0 : i32
      %dma_start3A_98 = tpu.memref_slice %arg5[%mul3A_2, %dma_start3A_97] : memref<10240x64xf32, #tpu.memory_space<hbm>> -> memref<640x64xf32, #tpu.memory_space<hbm>>
      tpu.enqueue_dma source(%dma_start3A_98 : memref<640x64xf32, #tpu.memory_space<hbm>>) target(%dma_start3A_96 : memref<640x64xf32, #tpu.memory_space<vmem_shared>>) target_semaphore(%run_scoped3A : memref<!tpu.dma_semaphore, #tpu.memory_space<semaphore_mem>>)
      %dma_wait3A_99 = arith.constant 0 : i32
      %dma_wait3A_100 = tpu.memref_slice %arg10[%mul3A_4, %dma_wait3A_99] : memref<10240x64xf32, #tpu.memory_space<vmem_shared>> -> memref<640x64xf32, #tpu.memory_space<vmem_shared>>
      %dma_wait3A_101 = arith.constant 0 : i32
      %dma_wait3A_102 = tpu.memref_slice %arg5[%mul3A_2, %dma_wait3A_101] : memref<10240x64xf32, #tpu.memory_space<hbm>> -> memref<640x64xf32, #tpu.memory_space<hbm>>
      tpu.wait_dma2 semaphore(%run_scoped3A : memref<!tpu.dma_semaphore, #tpu.memory_space<semaphore_mem>>) src(%dma_wait3A_102 : memref<640x64xf32, #tpu.memory_space<hbm>>) dst(%dma_wait3A_100 : memref<640x64xf32, #tpu.memory_space<vmem_shared>>)
      tpu.yield
    }) : () -> ()
    %barrier3A = arith.constant 0 : index
    tpu.barrier barrier_id(%barrier3A)
    %dma_start3A = arith.constant 0 : i32
    %dma_start3A_5 = arith.constant 0 : i32
    %dma_start3A_6 = arith.constant 0 : i32
    %dma_start3A_7 = arith.constant 0 : i32
    %dma_start3A_8 = arith.constant 0 : i32
    %dma_start3A_9 = tpu.memref_slice %arg9[%dma_start3A_5, %dma_start3A_7, %dma_start3A_8] : memref<5x128x64xf32, #tpu.memory_space<vmem>> -> memref<1x128x64xf32, #tpu.memory_space<vmem>>
    %dma_start3A_10 = tpu.memref_squeeze %dma_start3A_9 : memref<1x128x64xf32, #tpu.memory_space<vmem>> -> memref<128x64xf32, #tpu.memory_space<vmem>>
    %dma_start3A_11 = arith.constant 0 : i32
    %dma_start3A_12 = tpu.memref_slice %arg7[%dma_start3A, %dma_start3A_11] : memref<160x128xi32, #tpu.memory_space<vmem>> -> memref<1x128xi32, #tpu.memory_space<vmem>>
    %dma_start3A_13 = tpu.memref_squeeze %dma_start3A_12 : memref<1x128xi32, #tpu.memory_space<vmem>> -> memref<128xi32, #tpu.memory_space<vmem>>
    %dma_start3A_14 = arith.constant 0 : i32
    %dma_start3A_15 = arith.constant 0 : i32
    %dma_start3A_16 = tpu.memref_slice %arg4[%dma_start3A_14, %dma_start3A_15] : memref<20480x64xf32, #tpu.memory_space<hbm>> -> memref<20480x64xf32, #tpu.memory_space<hbm>>
    %dma_start3A_17 = tpu.memref_slice %arg11[%dma_start3A_6] : memref<5x!tpu.dma_semaphore, #tpu.memory_space<semaphore_mem>> -> memref<1x!tpu.dma_semaphore, #tpu.memory_space<semaphore_mem>>
    %dma_start3A_18 = tpu.memref_squeeze %dma_start3A_17 : memref<1x!tpu.dma_semaphore, #tpu.memory_space<semaphore_mem>> -> memref<!tpu.dma_semaphore, #tpu.memory_space<semaphore_mem>>
    tpu.enqueue_indirect_dma source(%dma_start3A_16 : memref<20480x64xf32, #tpu.memory_space<hbm>>) target(%dma_start3A_10 : memref<128x64xf32, #tpu.memory_space<vmem>>) offsets(%dma_start3A_13 : memref<128xi32, #tpu.memory_space<vmem>>) semaphore(%dma_start3A_18 : memref<!tpu.dma_semaphore, #tpu.memory_space<semaphore_mem>>)
    %dma_start3A_19 = arith.constant 1 : i32
    %dma_start3A_20 = arith.constant 1 : i32
    %dma_start3A_21 = arith.constant 1 : i32
    %dma_start3A_22 = arith.constant 0 : i32
    %dma_start3A_23 = arith.constant 0 : i32
    %dma_start3A_24 = tpu.memref_slice %arg9[%dma_start3A_20, %dma_start3A_22, %dma_start3A_23] : memref<5x128x64xf32, #tpu.memory_space<vmem>> -> memref<1x128x64xf32, #tpu.memory_space<vmem>>
    %dma_start3A_25 = tpu.memref_squeeze %dma_start3A_24 : memref<1x128x64xf32, #tpu.memory_space<vmem>> -> memref<128x64xf32, #tpu.memory_space<vmem>>
    %dma_start3A_26 = arith.constant 0 : i32
    %dma_start3A_27 = tpu.memref_slice %arg7[%dma_start3A_19, %dma_start3A_26] : memref<160x128xi32, #tpu.memory_space<vmem>> -> memref<1x128xi32, #tpu.memory_space<vmem>>
    %dma_start3A_28 = tpu.memref_squeeze %dma_start3A_27 : memref<1x128xi32, #tpu.memory_space<vmem>> -> memref<128xi32, #tpu.memory_space<vmem>>
    %dma_start3A_29 = arith.constant 0 : i32
    %dma_start3A_30 = arith.constant 0 : i32
    %dma_start3A_31 = tpu.memref_slice %arg4[%dma_start3A_29, %dma_start3A_30] : memref<20480x64xf32, #tpu.memory_space<hbm>> -> memref<20480x64xf32, #tpu.memory_space<hbm>>
    %dma_start3A_32 = tpu.memref_slice %arg11[%dma_start3A_21] : memref<5x!tpu.dma_semaphore, #tpu.memory_space<semaphore_mem>> -> memref<1x!tpu.dma_semaphore, #tpu.memory_space<semaphore_mem>>
    %dma_start3A_33 = tpu.memref_squeeze %dma_start3A_32 : memref<1x!tpu.dma_semaphore, #tpu.memory_space<semaphore_mem>> -> memref<!tpu.dma_semaphore, #tpu.memory_space<semaphore_mem>>
    tpu.enqueue_indirect_dma source(%dma_start3A_31 : memref<20480x64xf32, #tpu.memory_space<hbm>>) target(%dma_start3A_25 : memref<128x64xf32, #tpu.memory_space<vmem>>) offsets(%dma_start3A_28 : memref<128xi32, #tpu.memory_space<vmem>>) semaphore(%dma_start3A_33 : memref<!tpu.dma_semaphore, #tpu.memory_space<semaphore_mem>>)
    %dma_start3A_34 = arith.constant 2 : i32
    %dma_start3A_35 = arith.constant 2 : i32
    %dma_start3A_36 = arith.constant 2 : i32
    %dma_start3A_37 = arith.constant 0 : i32
    %dma_start3A_38 = arith.constant 0 : i32
    %dma_start3A_39 = tpu.memref_slice %arg9[%dma_start3A_35, %dma_start3A_37, %dma_start3A_38] : memref<5x128x64xf32, #tpu.memory_space<vmem>> -> memref<1x128x64xf32, #tpu.memory_space<vmem>>
    %dma_start3A_40 = tpu.memref_squeeze %dma_start3A_39 : memref<1x128x64xf32, #tpu.memory_space<vmem>> -> memref<128x64xf32, #tpu.memory_space<vmem>>
    %dma_start3A_41 = arith.constant 0 : i32
    %dma_start3A_42 = tpu.memref_slice %arg7[%dma_start3A_34, %dma_start3A_41] : memref<160x128xi32, #tpu.memory_space<vmem>> -> memref<1x128xi32, #tpu.memory_space<vmem>>
    %dma_start3A_43 = tpu.memref_squeeze %dma_start3A_42 : memref<1x128xi32, #tpu.memory_space<vmem>> -> memref<128xi32, #tpu.memory_space<vmem>>
    %dma_start3A_44 = arith.constant 0 : i32
    %dma_start3A_45 = arith.constant 0 : i32
    %dma_start3A_46 = tpu.memref_slice %arg4[%dma_start3A_44, %dma_start3A_45] : memref<20480x64xf32, #tpu.memory_space<hbm>> -> memref<20480x64xf32, #tpu.memory_space<hbm>>
    %dma_start3A_47 = tpu.memref_slice %arg11[%dma_start3A_36] : memref<5x!tpu.dma_semaphore, #tpu.memory_space<semaphore_mem>> -> memref<1x!tpu.dma_semaphore, #tpu.memory_space<semaphore_mem>>
    %dma_start3A_48 = tpu.memref_squeeze %dma_start3A_47 : memref<1x!tpu.dma_semaphore, #tpu.memory_space<semaphore_mem>> -> memref<!tpu.dma_semaphore, #tpu.memory_space<semaphore_mem>>
    tpu.enqueue_indirect_dma source(%dma_start3A_46 : memref<20480x64xf32, #tpu.memory_space<hbm>>) target(%dma_start3A_40 : memref<128x64xf32, #tpu.memory_space<vmem>>) offsets(%dma_start3A_43 : memref<128xi32, #tpu.memory_space<vmem>>) semaphore(%dma_start3A_48 : memref<!tpu.dma_semaphore, #tpu.memory_space<semaphore_mem>>)
    %dma_start3A_49 = arith.constant 3 : i32
    %dma_start3A_50 = arith.constant 3 : i32
    %dma_start3A_51 = arith.constant 3 : i32
    %dma_start3A_52 = arith.constant 0 : i32
    %dma_start3A_53 = arith.constant 0 : i32
    %dma_start3A_54 = tpu.memref_slice %arg9[%dma_start3A_50, %dma_start3A_52, %dma_start3A_53] : memref<5x128x64xf32, #tpu.memory_space<vmem>> -> memref<1x128x64xf32, #tpu.memory_space<vmem>>
    %dma_start3A_55 = tpu.memref_squeeze %dma_start3A_54 : memref<1x128x64xf32, #tpu.memory_space<vmem>> -> memref<128x64xf32, #tpu.memory_space<vmem>>
    %dma_start3A_56 = arith.constant 0 : i32
    %dma_start3A_57 = tpu.memref_slice %arg7[%dma_start3A_49, %dma_start3A_56] : memref<160x128xi32, #tpu.memory_space<vmem>> -> memref<1x128xi32, #tpu.memory_space<vmem>>
    %dma_start3A_58 = tpu.memref_squeeze %dma_start3A_57 : memref<1x128xi32, #tpu.memory_space<vmem>> -> memref<128xi32, #tpu.memory_space<vmem>>
    %dma_start3A_59 = arith.constant 0 : i32
    %dma_start3A_60 = arith.constant 0 : i32
    %dma_start3A_61 = tpu.memref_slice %arg4[%dma_start3A_59, %dma_start3A_60] : memref<20480x64xf32, #tpu.memory_space<hbm>> -> memref<20480x64xf32, #tpu.memory_space<hbm>>
    %dma_start3A_62 = tpu.memref_slice %arg11[%dma_start3A_51] : memref<5x!tpu.dma_semaphore, #tpu.memory_space<semaphore_mem>> -> memref<1x!tpu.dma_semaphore, #tpu.memory_space<semaphore_mem>>
    %dma_start3A_63 = tpu.memref_squeeze %dma_start3A_62 : memref<1x!tpu.dma_semaphore, #tpu.memory_space<semaphore_mem>> -> memref<!tpu.dma_semaphore, #tpu.memory_space<semaphore_mem>>
    tpu.enqueue_indirect_dma source(%dma_start3A_61 : memref<20480x64xf32, #tpu.memory_space<hbm>>) target(%dma_start3A_55 : memref<128x64xf32, #tpu.memory_space<vmem>>) offsets(%dma_start3A_58 : memref<128xi32, #tpu.memory_space<vmem>>) semaphore(%dma_start3A_63 : memref<!tpu.dma_semaphore, #tpu.memory_space<semaphore_mem>>)
    %scan3A = arith.constant 0 : i32
    %scan3A_64 = arith.constant 160 : i32
    %scan3A_65 = arith.addi %scan3A, %scan3A_64 : i32
    %scan3A_66 = arith.constant 1 : i32
    scf.for %scan3A_95 = %scan3A to %scan3A_65 step %scan3A_66  : i32 {
      %ge3A = arith.constant 1 : i32
      %ge3A_96 = arith.cmpi sge, %scan3A_95, %ge3A : i32
      %convert_element_type3A = arith.extui %ge3A_96 : i1 to i32
      %cond3A = arith.constant 0 : i32
      %cond3A_97 = arith.cmpi ne, %convert_element_type3A, %cond3A : i32
      scf.if %cond3A_97 {
        %sub3A = arith.constant 1 : i32
        %sub3A_161 = arith.subi %scan3A_95, %sub3A : i32
        %jit3A_162 = arith.constant 5 : i32
        %eq3A_163 = arith.constant 0 : i32
        %eq3A_164 = arith.cmpi eq, %jit3A_162, %eq3A_163 : i32
        %jit3A_165 = arith.constant 1 : i32
        %select_n3A_166 = arith.select %eq3A_164, %jit3A_165, %jit3A_162 : i32
        %rem3A_167 = arith.remsi %sub3A_161, %select_n3A_166 : i32
        %ne3A_168 = arith.constant 0 : i32
        %ne3A_169 = arith.cmpi ne, %rem3A_167, %ne3A_168 : i32
        %lt3A_170 = arith.constant 0 : i32
        %lt3A_171 = arith.cmpi slt, %rem3A_167, %lt3A_170 : i32
        %lt3A_172 = arith.constant 0 : i32
        %lt3A_173 = arith.cmpi slt, %select_n3A_166, %lt3A_172 : i32
        %ne3A_174 = arith.xori %lt3A_171, %lt3A_173 : i1
        %and3A_175 = arith.andi %ne3A_174, %ne3A_169 : i1
        %add3A_176 = arith.addi %rem3A_167, %select_n3A_166 : i32
        %select_n3A_177 = arith.select %and3A_175, %add3A_176, %rem3A_167 : i32
        %dma_wait3A_178 = arith.constant 0 : i32
        %dma_wait3A_179 = arith.constant 0 : i32
        %dma_wait3A_180 = tpu.memref_slice %arg9[%select_n3A_177, %dma_wait3A_178, %dma_wait3A_179] : memref<5x128x64xf32, #tpu.memory_space<vmem>> -> memref<1x128x64xf32, #tpu.memory_space<vmem>>
        %dma_wait3A_181 = tpu.memref_squeeze %dma_wait3A_180 : memref<1x128x64xf32, #tpu.memory_space<vmem>> -> memref<128x64xf32, #tpu.memory_space<vmem>>
        %dma_wait3A_182 = arith.constant 0 : i32
        %dma_wait3A_183 = tpu.memref_slice %arg8[%sub3A_161, %dma_wait3A_182] : memref<160x128xi32, #tpu.memory_space<vmem>> -> memref<1x128xi32, #tpu.memory_space<vmem>>
        %dma_wait3A_184 = tpu.memref_squeeze %dma_wait3A_183 : memref<1x128xi32, #tpu.memory_space<vmem>> -> memref<128xi32, #tpu.memory_space<vmem>>
        %dma_wait3A_185 = arith.constant 0 : i32
        %dma_wait3A_186 = arith.constant 0 : i32
        %dma_wait3A_187 = tpu.memref_slice %arg10[%dma_wait3A_185, %dma_wait3A_186] : memref<10240x64xf32, #tpu.memory_space<vmem_shared>> -> memref<10240x64xf32, #tpu.memory_space<vmem_shared>>
        %dma_wait3A_188 = tpu.memref_slice %arg12[%select_n3A_177] : memref<5x!tpu.dma_semaphore, #tpu.memory_space<semaphore_mem>> -> memref<1x!tpu.dma_semaphore, #tpu.memory_space<semaphore_mem>>
        %dma_wait3A_189 = tpu.memref_squeeze %dma_wait3A_188 : memref<1x!tpu.dma_semaphore, #tpu.memory_space<semaphore_mem>> -> memref<!tpu.dma_semaphore, #tpu.memory_space<semaphore_mem>>
        tpu.wait_indirect_dma semaphore(%dma_wait3A_189 : memref<!tpu.dma_semaphore, #tpu.memory_space<semaphore_mem>>) src(%dma_wait3A_181 : memref<128x64xf32, #tpu.memory_space<vmem>>) dst(%dma_wait3A_187 : memref<10240x64xf32, #tpu.memory_space<vmem_shared>>)
      } else {
      }
      %add3A_98 = arith.constant 4 : i32
      %add3A_99 = arith.addi %scan3A_95, %add3A_98 : i32
      %lt3A_100 = arith.constant 160 : i32
      %lt3A_101 = arith.cmpi slt, %add3A_99, %lt3A_100 : i32
      %convert_element_type3A_102 = arith.extui %lt3A_101 : i1 to i32
      %cond3A_103 = arith.constant 0 : i32
      %cond3A_104 = arith.cmpi ne, %convert_element_type3A_102, %cond3A_103 : i32
      scf.if %cond3A_104 {
        %add3A_161 = arith.constant 4 : i32
        %add3A_162 = arith.addi %scan3A_95, %add3A_161 : i32
        %jit3A_163 = arith.constant 5 : i32
        %eq3A_164 = arith.constant 0 : i32
        %eq3A_165 = arith.cmpi eq, %jit3A_163, %eq3A_164 : i32
        %jit3A_166 = arith.constant 1 : i32
        %select_n3A_167 = arith.select %eq3A_165, %jit3A_166, %jit3A_163 : i32
        %rem3A_168 = arith.remsi %add3A_162, %select_n3A_167 : i32
        %ne3A_169 = arith.constant 0 : i32
        %ne3A_170 = arith.cmpi ne, %rem3A_168, %ne3A_169 : i32
        %lt3A_171 = arith.constant 0 : i32
        %lt3A_172 = arith.cmpi slt, %rem3A_168, %lt3A_171 : i32
        %lt3A_173 = arith.constant 0 : i32
        %lt3A_174 = arith.cmpi slt, %select_n3A_167, %lt3A_173 : i32
        %ne3A_175 = arith.xori %lt3A_172, %lt3A_174 : i1
        %and3A_176 = arith.andi %ne3A_175, %ne3A_170 : i1
        %add3A_177 = arith.addi %rem3A_168, %select_n3A_167 : i32
        %select_n3A_178 = arith.select %and3A_176, %add3A_177, %rem3A_168 : i32
        %dma_start3A_179 = arith.constant 0 : i32
        %dma_start3A_180 = arith.constant 0 : i32
        %dma_start3A_181 = tpu.memref_slice %arg9[%select_n3A_178, %dma_start3A_179, %dma_start3A_180] : memref<5x128x64xf32, #tpu.memory_space<vmem>> -> memref<1x128x64xf32, #tpu.memory_space<vmem>>
        %dma_start3A_182 = tpu.memref_squeeze %dma_start3A_181 : memref<1x128x64xf32, #tpu.memory_space<vmem>> -> memref<128x64xf32, #tpu.memory_space<vmem>>
        %dma_start3A_183 = arith.constant 0 : i32
        %dma_start3A_184 = tpu.memref_slice %arg7[%add3A_162, %dma_start3A_183] : memref<160x128xi32, #tpu.memory_space<vmem>> -> memref<1x128xi32, #tpu.memory_space<vmem>>
        %dma_start3A_185 = tpu.memref_squeeze %dma_start3A_184 : memref<1x128xi32, #tpu.memory_space<vmem>> -> memref<128xi32, #tpu.memory_space<vmem>>
        %dma_start3A_186 = arith.constant 0 : i32
        %dma_start3A_187 = arith.constant 0 : i32
        %dma_start3A_188 = tpu.memref_slice %arg4[%dma_start3A_186, %dma_start3A_187] : memref<20480x64xf32, #tpu.memory_space<hbm>> -> memref<20480x64xf32, #tpu.memory_space<hbm>>
        %dma_start3A_189 = tpu.memref_slice %arg11[%select_n3A_178] : memref<5x!tpu.dma_semaphore, #tpu.memory_space<semaphore_mem>> -> memref<1x!tpu.dma_semaphore, #tpu.memory_space<semaphore_mem>>
        %dma_start3A_190 = tpu.memref_squeeze %dma_start3A_189 : memref<1x!tpu.dma_semaphore, #tpu.memory_space<semaphore_mem>> -> memref<!tpu.dma_semaphore, #tpu.memory_space<semaphore_mem>>
        tpu.enqueue_indirect_dma source(%dma_start3A_188 : memref<20480x64xf32, #tpu.memory_space<hbm>>) target(%dma_start3A_182 : memref<128x64xf32, #tpu.memory_space<vmem>>) offsets(%dma_start3A_185 : memref<128xi32, #tpu.memory_space<vmem>>) semaphore(%dma_start3A_190 : memref<!tpu.dma_semaphore, #tpu.memory_space<semaphore_mem>>)
      } else {
      }
      %jit3A_105 = arith.constant 5 : i32
      %eq3A_106 = arith.constant 0 : i32
      %eq3A_107 = arith.cmpi eq, %jit3A_105, %eq3A_106 : i32
      %jit3A_108 = arith.constant 1 : i32
      %select_n3A_109 = arith.select %eq3A_107, %jit3A_108, %jit3A_105 : i32
      %rem3A_110 = arith.remsi %scan3A_95, %select_n3A_109 : i32
      %ne3A_111 = arith.constant 0 : i32
      %ne3A_112 = arith.cmpi ne, %rem3A_110, %ne3A_111 : i32
      %lt3A_113 = arith.constant 0 : i32
      %lt3A_114 = arith.cmpi slt, %rem3A_110, %lt3A_113 : i32
      %lt3A_115 = arith.constant 0 : i32
      %lt3A_116 = arith.cmpi slt, %select_n3A_109, %lt3A_115 : i32
      %ne3A_117 = arith.xori %lt3A_114, %lt3A_116 : i1
      %and3A_118 = arith.andi %ne3A_117, %ne3A_112 : i1
      %add3A_119 = arith.addi %rem3A_110, %select_n3A_109 : i32
      %select_n3A_120 = arith.select %and3A_118, %add3A_119, %rem3A_110 : i32
      %dma_wait3A_121 = arith.constant 0 : i32
      %dma_wait3A_122 = arith.constant 0 : i32
      %dma_wait3A_123 = tpu.memref_slice %arg9[%select_n3A_120, %dma_wait3A_121, %dma_wait3A_122] : memref<5x128x64xf32, #tpu.memory_space<vmem>> -> memref<1x128x64xf32, #tpu.memory_space<vmem>>
      %dma_wait3A_124 = tpu.memref_squeeze %dma_wait3A_123 : memref<1x128x64xf32, #tpu.memory_space<vmem>> -> memref<128x64xf32, #tpu.memory_space<vmem>>
      %dma_wait3A_125 = arith.constant 0 : i32
      %dma_wait3A_126 = tpu.memref_slice %arg7[%scan3A_95, %dma_wait3A_125] : memref<160x128xi32, #tpu.memory_space<vmem>> -> memref<1x128xi32, #tpu.memory_space<vmem>>
      %dma_wait3A_127 = tpu.memref_squeeze %dma_wait3A_126 : memref<1x128xi32, #tpu.memory_space<vmem>> -> memref<128xi32, #tpu.memory_space<vmem>>
      %dma_wait3A_128 = arith.constant 0 : i32
      %dma_wait3A_129 = arith.constant 0 : i32
      %dma_wait3A_130 = tpu.memref_slice %arg4[%dma_wait3A_128, %dma_wait3A_129] : memref<20480x64xf32, #tpu.memory_space<hbm>> -> memref<20480x64xf32, #tpu.memory_space<hbm>>
      %dma_wait3A_131 = tpu.memref_slice %arg11[%select_n3A_120] : memref<5x!tpu.dma_semaphore, #tpu.memory_space<semaphore_mem>> -> memref<1x!tpu.dma_semaphore, #tpu.memory_space<semaphore_mem>>
      %dma_wait3A_132 = tpu.memref_squeeze %dma_wait3A_131 : memref<1x!tpu.dma_semaphore, #tpu.memory_space<semaphore_mem>> -> memref<!tpu.dma_semaphore, #tpu.memory_space<semaphore_mem>>
      tpu.wait_indirect_dma semaphore(%dma_wait3A_132 : memref<!tpu.dma_semaphore, #tpu.memory_space<semaphore_mem>>) src(%dma_wait3A_130 : memref<20480x64xf32, #tpu.memory_space<hbm>>) dst(%dma_wait3A_124 : memref<128x64xf32, #tpu.memory_space<vmem>>)
      %jit3A_133 = arith.constant 5 : i32
      %eq3A_134 = arith.constant 0 : i32
      %eq3A_135 = arith.cmpi eq, %jit3A_133, %eq3A_134 : i32
      %jit3A_136 = arith.constant 1 : i32
      %select_n3A_137 = arith.select %eq3A_135, %jit3A_136, %jit3A_133 : i32
      %rem3A_138 = arith.remsi %scan3A_95, %select_n3A_137 : i32
      %ne3A_139 = arith.constant 0 : i32
      %ne3A_140 = arith.cmpi ne, %rem3A_138, %ne3A_139 : i32
      %lt3A_141 = arith.constant 0 : i32
      %lt3A_142 = arith.cmpi slt, %rem3A_138, %lt3A_141 : i32
      %lt3A_143 = arith.constant 0 : i32
      %lt3A_144 = arith.cmpi slt, %select_n3A_137, %lt3A_143 : i32
      %ne3A_145 = arith.xori %lt3A_142, %lt3A_144 : i1
      %and3A_146 = arith.andi %ne3A_145, %ne3A_140 : i1
      %add3A_147 = arith.addi %rem3A_138, %select_n3A_137 : i32
      %select_n3A_148 = arith.select %and3A_146, %add3A_147, %rem3A_138 : i32
      %dma_start3A_149 = arith.constant 0 : i32
      %dma_start3A_150 = arith.constant 0 : i32
      %dma_start3A_151 = tpu.memref_slice %arg9[%select_n3A_148, %dma_start3A_149, %dma_start3A_150] : memref<5x128x64xf32, #tpu.memory_space<vmem>> -> memref<1x128x64xf32, #tpu.memory_space<vmem>>
      %dma_start3A_152 = tpu.memref_squeeze %dma_start3A_151 : memref<1x128x64xf32, #tpu.memory_space<vmem>> -> memref<128x64xf32, #tpu.memory_space<vmem>>
      %dma_start3A_153 = arith.constant 0 : i32
      %dma_start3A_154 = tpu.memref_slice %arg8[%scan3A_95, %dma_start3A_153] : memref<160x128xi32, #tpu.memory_space<vmem>> -> memref<1x128xi32, #tpu.memory_space<vmem>>
      %dma_start3A_155 = tpu.memref_squeeze %dma_start3A_154 : memref<1x128xi32, #tpu.memory_space<vmem>> -> memref<128xi32, #tpu.memory_space<vmem>>
      %dma_start3A_156 = arith.constant 0 : i32
      %dma_start3A_157 = arith.constant 0 : i32
      %dma_start3A_158 = tpu.memref_slice %arg10[%dma_start3A_156, %dma_start3A_157] : memref<10240x64xf32, #tpu.memory_space<vmem_shared>> -> memref<10240x64xf32, #tpu.memory_space<vmem_shared>>
      %dma_start3A_159 = tpu.memref_slice %arg12[%select_n3A_148] : memref<5x!tpu.dma_semaphore, #tpu.memory_space<semaphore_mem>> -> memref<1x!tpu.dma_semaphore, #tpu.memory_space<semaphore_mem>>
      %dma_start3A_160 = tpu.memref_squeeze %dma_start3A_159 : memref<1x!tpu.dma_semaphore, #tpu.memory_space<semaphore_mem>> -> memref<!tpu.dma_semaphore, #tpu.memory_space<semaphore_mem>>
      tpu.enqueue_indirect_dma source(%dma_start3A_152 : memref<128x64xf32, #tpu.memory_space<vmem>>) target(%dma_start3A_158 : memref<10240x64xf32, #tpu.memory_space<vmem_shared>>) offsets(%dma_start3A_155 : memref<128xi32, #tpu.memory_space<vmem>>) semaphore(%dma_start3A_160 : memref<!tpu.dma_semaphore, #tpu.memory_space<semaphore_mem>>) {add = true}
    }
    %scan3A_67 = arith.constant 160 : i32
    %scan3A_68 = arith.constant 159 : i32
    %jit3A = arith.constant 5 : i32
    %eq3A = arith.constant 0 : i32
    %eq3A_69 = arith.cmpi eq, %jit3A, %eq3A : i32
    %jit3A_70 = arith.constant 1 : i32
    %select_n3A = arith.select %eq3A_69, %jit3A_70, %jit3A : i32
    %rem3A = arith.remsi %scan3A_68, %select_n3A : i32
    %ne3A = arith.constant 0 : i32
    %ne3A_71 = arith.cmpi ne, %rem3A, %ne3A : i32
    %lt3A = arith.constant 0 : i32
    %lt3A_72 = arith.cmpi slt, %rem3A, %lt3A : i32
    %lt3A_73 = arith.constant 0 : i32
    %lt3A_74 = arith.cmpi slt, %select_n3A, %lt3A_73 : i32
    %ne3A_75 = arith.xori %lt3A_72, %lt3A_74 : i1
    %and3A = arith.andi %ne3A_75, %ne3A_71 : i1
    %add3A_76 = arith.addi %rem3A, %select_n3A : i32
    %select_n3A_77 = arith.select %and3A, %add3A_76, %rem3A : i32
    %dma_wait3A = arith.constant 0 : i32
    %dma_wait3A_78 = arith.constant 0 : i32
    %dma_wait3A_79 = tpu.memref_slice %arg9[%select_n3A_77, %dma_wait3A, %dma_wait3A_78] : memref<5x128x64xf32, #tpu.memory_space<vmem>> -> memref<1x128x64xf32, #tpu.memory_space<vmem>>
    %dma_wait3A_80 = tpu.memref_squeeze %dma_wait3A_79 : memref<1x128x64xf32, #tpu.memory_space<vmem>> -> memref<128x64xf32, #tpu.memory_space<vmem>>
    %dma_wait3A_81 = arith.constant 0 : i32
    %dma_wait3A_82 = tpu.memref_slice %arg8[%scan3A_68, %dma_wait3A_81] : memref<160x128xi32, #tpu.memory_space<vmem>> -> memref<1x128xi32, #tpu.memory_space<vmem>>
    %dma_wait3A_83 = tpu.memref_squeeze %dma_wait3A_82 : memref<1x128xi32, #tpu.memory_space<vmem>> -> memref<128xi32, #tpu.memory_space<vmem>>
    %dma_wait3A_84 = arith.constant 0 : i32
    %dma_wait3A_85 = arith.constant 0 : i32
    %dma_wait3A_86 = tpu.memref_slice %arg10[%dma_wait3A_84, %dma_wait3A_85] : memref<10240x64xf32, #tpu.memory_space<vmem_shared>> -> memref<10240x64xf32, #tpu.memory_space<vmem_shared>>
    %dma_wait3A_87 = tpu.memref_slice %arg12[%select_n3A_77] : memref<5x!tpu.dma_semaphore, #tpu.memory_space<semaphore_mem>> -> memref<1x!tpu.dma_semaphore, #tpu.memory_space<semaphore_mem>>
    %dma_wait3A_88 = tpu.memref_squeeze %dma_wait3A_87 : memref<1x!tpu.dma_semaphore, #tpu.memory_space<semaphore_mem>> -> memref<!tpu.dma_semaphore, #tpu.memory_space<semaphore_mem>>
    tpu.wait_indirect_dma semaphore(%dma_wait3A_88 : memref<!tpu.dma_semaphore, #tpu.memory_space<semaphore_mem>>) src(%dma_wait3A_80 : memref<128x64xf32, #tpu.memory_space<vmem>>) dst(%dma_wait3A_86 : memref<10240x64xf32, #tpu.memory_space<vmem_shared>>)
    %scan3A_89 = arith.constant 1 : i32
    %barrier3A_90 = arith.constant 0 : index
    tpu.barrier barrier_id(%barrier3A_90)
    %mul3A_91 = arith.constant 640 : i32
    %mul3A_92 = arith.muli %arg1, %mul3A_91 : i32
    %mul3A_93 = arith.constant 640 : i32
    %mul3A_94 = arith.muli %arg1, %mul3A_93 : i32
    "tpu.region"() ({
      %run_scoped3A = tpu.sem_alloc : memref<!tpu.dma_semaphore, #tpu.memory_space<semaphore_mem>>
      %dma_start3A_95 = arith.constant 0 : i32
      %dma_start3A_96 = tpu.memref_slice %arg6[%arg0, %mul3A_94, %dma_start3A_95] : memref<2x10240x64xf32, #tpu.memory_space<hbm>> -> memref<1x640x64xf32, #tpu.memory_space<hbm>>
      %dma_start3A_97 = tpu.memref_squeeze %dma_start3A_96 : memref<1x640x64xf32, #tpu.memory_space<hbm>> -> memref<640x64xf32, #tpu.memory_space<hbm>>
      %dma_start3A_98 = arith.constant 0 : i32
      %dma_start3A_99 = tpu.memref_slice %arg10[%mul3A_92, %dma_start3A_98] : memref<10240x64xf32, #tpu.memory_space<vmem_shared>> -> memref<640x64xf32, #tpu.memory_space<vmem_shared>>
      tpu.enqueue_dma source(%dma_start3A_99 : memref<640x64xf32, #tpu.memory_space<vmem_shared>>) target(%dma_start3A_97 : memref<640x64xf32, #tpu.memory_space<hbm>>) target_semaphore(%run_scoped3A : memref<!tpu.dma_semaphore, #tpu.memory_space<semaphore_mem>>)
      %dma_wait3A_100 = arith.constant 0 : i32
      %dma_wait3A_101 = tpu.memref_slice %arg6[%arg0, %mul3A_94, %dma_wait3A_100] : memref<2x10240x64xf32, #tpu.memory_space<hbm>> -> memref<1x640x64xf32, #tpu.memory_space<hbm>>
      %dma_wait3A_102 = tpu.memref_squeeze %dma_wait3A_101 : memref<1x640x64xf32, #tpu.memory_space<hbm>> -> memref<640x64xf32, #tpu.memory_space<hbm>>
      %dma_wait3A_103 = arith.constant 0 : i32
      %dma_wait3A_104 = tpu.memref_slice %arg10[%mul3A_92, %dma_wait3A_103] : memref<10240x64xf32, #tpu.memory_space<vmem_shared>> -> memref<640x64xf32, #tpu.memory_space<vmem_shared>>
      tpu.wait_dma2 semaphore(%run_scoped3A : memref<!tpu.dma_semaphore, #tpu.memory_space<semaphore_mem>>) src(%dma_wait3A_104 : memref<640x64xf32, #tpu.memory_space<vmem_shared>>) dst(%dma_wait3A_102 : memref<640x64xf32, #tpu.memory_space<hbm>>)
      tpu.yield
    }) : () -> ()
    return
  }
}

#map = affine_map<(d0, d1) -> (0, 0, 0)>
#map1 = affine_map<(d0, d1) -> (0, 0)>
module attributes {stable_mosaic.version = 14 : i64} {
  func.func @_agg_body(%arg0: i32, %arg1: i32, %arg2: memref<32x160x128xi32, #tpu.memory_space<hbm>>, %arg3: memref<16x160x128xi32, #tpu.memory_space<hbm>>, %arg4: memref<20480x64xf32, #tpu.memory_space<hbm>>, %arg5: memref<10240x64xf32, #tpu.memory_space<hbm>>, %arg6: memref<2x10240x64xf32, #tpu.memory_space<hbm>>, %arg7: memref<160x128xi32, #tpu.memory_space<vmem>>, %arg8: memref<160x128xi32, #tpu.memory_space<vmem>>, %arg9: memref<5x128x64xf32, #tpu.memory_space<vmem>>, %arg10: memref<10240x64xf32, #tpu.memory_space<vmem_shared>>, %arg11: memref<5x!tpu.dma_semaphore, #tpu.memory_space<semaphore_mem>>, %arg12: memref<5x!tpu.dma_semaphore, #tpu.memory_space<semaphore_mem>>) attributes {dimension_semantics = [#tpu.dimension_semantics<core_parallel>, #tpu.dimension_semantics<subcore_parallel>], iteration_bounds = array<i64: 2, 16>, scalar_prefetch = 0 : i64, scratch_operands = 6 : i64, tpu.core_type = #tpu.core_type<sc_vector_subcore>, window_params = [{transform_indices = #map}, {transform_indices = #map}, {transform_indices = #map1}, {transform_indices = #map1}, {transform_indices = #map}]} {
    %mul3A = arith.constant 16 : i32
    %mul3A_0 = arith.muli %arg0, %mul3A : i32
    %add3A = arith.addi %mul3A_0, %arg1 : i32
    "tpu.region"() ({
      %run_scoped3A = tpu.sem_alloc : memref<!tpu.dma_semaphore, #tpu.memory_space<semaphore_mem>>
      %dma_start3A_95 = arith.constant 0 : i32
      %dma_start3A_96 = arith.constant 0 : i32
      %dma_start3A_97 = tpu.memref_slice %arg2[%add3A, %dma_start3A_95, %dma_start3A_96] : memref<32x160x128xi32, #tpu.memory_space<hbm>> -> memref<1x160x128xi32, #tpu.memory_space<hbm>>
      %dma_start3A_98 = tpu.memref_squeeze %dma_start3A_97 : memref<1x160x128xi32, #tpu.memory_space<hbm>> -> memref<160x128xi32, #tpu.memory_space<hbm>>
      %dma_start3A_99 = arith.constant 0 : i32
      %dma_start3A_100 = arith.constant 0 : i32
      %dma_start3A_101 = tpu.memref_slice %arg2[%add3A, %dma_start3A_99, %dma_start3A_100] : memref<32x160x128xi32, #tpu.memory_space<hbm>> -> memref<1x160x128xi32, #tpu.memory_space<hbm>>
      %dma_start3A_102 = tpu.memref_squeeze %dma_start3A_101 : memref<1x160x128xi32, #tpu.memory_space<hbm>> -> memref<160x128xi32, #tpu.memory_space<hbm>>
      tpu.enqueue_dma source(%dma_start3A_102 : memref<160x128xi32, #tpu.memory_space<hbm>>) target(%arg7 : memref<160x128xi32, #tpu.memory_space<vmem>>) target_semaphore(%run_scoped3A : memref<!tpu.dma_semaphore, #tpu.memory_space<semaphore_mem>>)
      %dma_wait3A_103 = arith.constant 0 : i32
      %dma_wait3A_104 = arith.constant 0 : i32
      %dma_wait3A_105 = tpu.memref_slice %arg2[%add3A, %dma_wait3A_103, %dma_wait3A_104] : memref<32x160x128xi32, #tpu.memory_space<hbm>> -> memref<1x160x128xi32, #tpu.memory_space<hbm>>
      %dma_wait3A_106 = tpu.memref_squeeze %dma_wait3A_105 : memref<1x160x128xi32, #tpu.memory_space<hbm>> -> memref<160x128xi32, #tpu.memory_space<hbm>>
      %dma_wait3A_107 = arith.constant 0 : i32
      %dma_wait3A_108 = arith.constant 0 : i32
      %dma_wait3A_109 = tpu.memref_slice %arg2[%add3A, %dma_wait3A_107, %dma_wait3A_108] : memref<32x160x128xi32, #tpu.memory_space<hbm>> -> memref<1x160x128xi32, #tpu.memory_space<hbm>>
      %dma_wait3A_110 = tpu.memref_squeeze %dma_wait3A_109 : memref<1x160x128xi32, #tpu.memory_space<hbm>> -> memref<160x128xi32, #tpu.memory_space<hbm>>
      tpu.wait_dma2 semaphore(%run_scoped3A : memref<!tpu.dma_semaphore, #tpu.memory_space<semaphore_mem>>) src(%dma_wait3A_110 : memref<160x128xi32, #tpu.memory_space<hbm>>) dst(%arg7 : memref<160x128xi32, #tpu.memory_space<vmem>>)
      tpu.yield
    }) : () -> ()
    "tpu.region"() ({
      %run_scoped3A = tpu.sem_alloc : memref<!tpu.dma_semaphore, #tpu.memory_space<semaphore_mem>>
      %dma_start3A_95 = arith.constant 0 : i32
      %dma_start3A_96 = arith.constant 0 : i32
      %dma_start3A_97 = tpu.memref_slice %arg3[%arg1, %dma_start3A_95, %dma_start3A_96] : memref<16x160x128xi32, #tpu.memory_space<hbm>> -> memref<1x160x128xi32, #tpu.memory_space<hbm>>
      %dma_start3A_98 = tpu.memref_squeeze %dma_start3A_97 : memref<1x160x128xi32, #tpu.memory_space<hbm>> -> memref<160x128xi32, #tpu.memory_space<hbm>>
      %dma_start3A_99 = arith.constant 0 : i32
      %dma_start3A_100 = arith.constant 0 : i32
      %dma_start3A_101 = tpu.memref_slice %arg3[%arg1, %dma_start3A_99, %dma_start3A_100] : memref<16x160x128xi32, #tpu.memory_space<hbm>> -> memref<1x160x128xi32, #tpu.memory_space<hbm>>
      %dma_start3A_102 = tpu.memref_squeeze %dma_start3A_101 : memref<1x160x128xi32, #tpu.memory_space<hbm>> -> memref<160x128xi32, #tpu.memory_space<hbm>>
      tpu.enqueue_dma source(%dma_start3A_102 : memref<160x128xi32, #tpu.memory_space<hbm>>) target(%arg8 : memref<160x128xi32, #tpu.memory_space<vmem>>) target_semaphore(%run_scoped3A : memref<!tpu.dma_semaphore, #tpu.memory_space<semaphore_mem>>)
      %dma_wait3A_103 = arith.constant 0 : i32
      %dma_wait3A_104 = arith.constant 0 : i32
      %dma_wait3A_105 = tpu.memref_slice %arg3[%arg1, %dma_wait3A_103, %dma_wait3A_104] : memref<16x160x128xi32, #tpu.memory_space<hbm>> -> memref<1x160x128xi32, #tpu.memory_space<hbm>>
      %dma_wait3A_106 = tpu.memref_squeeze %dma_wait3A_105 : memref<1x160x128xi32, #tpu.memory_space<hbm>> -> memref<160x128xi32, #tpu.memory_space<hbm>>
      %dma_wait3A_107 = arith.constant 0 : i32
      %dma_wait3A_108 = arith.constant 0 : i32
      %dma_wait3A_109 = tpu.memref_slice %arg3[%arg1, %dma_wait3A_107, %dma_wait3A_108] : memref<16x160x128xi32, #tpu.memory_space<hbm>> -> memref<1x160x128xi32, #tpu.memory_space<hbm>>
      %dma_wait3A_110 = tpu.memref_squeeze %dma_wait3A_109 : memref<1x160x128xi32, #tpu.memory_space<hbm>> -> memref<160x128xi32, #tpu.memory_space<hbm>>
      tpu.wait_dma2 semaphore(%run_scoped3A : memref<!tpu.dma_semaphore, #tpu.memory_space<semaphore_mem>>) src(%dma_wait3A_110 : memref<160x128xi32, #tpu.memory_space<hbm>>) dst(%arg8 : memref<160x128xi32, #tpu.memory_space<vmem>>)
      tpu.yield
    }) : () -> ()
    %mul3A_1 = arith.constant 640 : i32
    %mul3A_2 = arith.muli %arg1, %mul3A_1 : i32
    %mul3A_3 = arith.constant 640 : i32
    %mul3A_4 = arith.muli %arg1, %mul3A_3 : i32
    "tpu.region"() ({
      %run_scoped3A = tpu.sem_alloc : memref<!tpu.dma_semaphore, #tpu.memory_space<semaphore_mem>>
      %dma_start3A_95 = arith.constant 0 : i32
      %dma_start3A_96 = tpu.memref_slice %arg10[%mul3A_4, %dma_start3A_95] : memref<10240x64xf32, #tpu.memory_space<vmem_shared>> -> memref<640x64xf32, #tpu.memory_space<vmem_shared>>
      %dma_start3A_97 = arith.constant 0 : i32
      %dma_start3A_98 = tpu.memref_slice %arg5[%mul3A_2, %dma_start3A_97] : memref<10240x64xf32, #tpu.memory_space<hbm>> -> memref<640x64xf32, #tpu.memory_space<hbm>>
      tpu.enqueue_dma source(%dma_start3A_98 : memref<640x64xf32, #tpu.memory_space<hbm>>) target(%dma_start3A_96 : memref<640x64xf32, #tpu.memory_space<vmem_shared>>) target_semaphore(%run_scoped3A : memref<!tpu.dma_semaphore, #tpu.memory_space<semaphore_mem>>)
      %dma_wait3A_99 = arith.constant 0 : i32
      %dma_wait3A_100 = tpu.memref_slice %arg10[%mul3A_4, %dma_wait3A_99] : memref<10240x64xf32, #tpu.memory_space<vmem_shared>> -> memref<640x64xf32, #tpu.memory_space<vmem_shared>>
      %dma_wait3A_101 = arith.constant 0 : i32
      %dma_wait3A_102 = tpu.memref_slice %arg5[%mul3A_2, %dma_wait3A_101] : memref<10240x64xf32, #tpu.memory_space<hbm>> -> memref<640x64xf32, #tpu.memory_space<hbm>>
      tpu.wait_dma2 semaphore(%run_scoped3A : memref<!tpu.dma_semaphore, #tpu.memory_space<semaphore_mem>>) src(%dma_wait3A_102 : memref<640x64xf32, #tpu.memory_space<hbm>>) dst(%dma_wait3A_100 : memref<640x64xf32, #tpu.memory_space<vmem_shared>>)
      tpu.yield
    }) : () -> ()
    %barrier3A = arith.constant 0 : index
    tpu.barrier barrier_id(%barrier3A)
    %dma_start3A = arith.constant 0 : i32
    %dma_start3A_5 = arith.constant 0 : i32
    %dma_start3A_6 = arith.constant 0 : i32
    %dma_start3A_7 = arith.constant 0 : i32
    %dma_start3A_8 = arith.constant 0 : i32
    %dma_start3A_9 = tpu.memref_slice %arg9[%dma_start3A_5, %dma_start3A_7, %dma_start3A_8] : memref<5x128x64xf32, #tpu.memory_space<vmem>> -> memref<1x128x64xf32, #tpu.memory_space<vmem>>
    %dma_start3A_10 = tpu.memref_squeeze %dma_start3A_9 : memref<1x128x64xf32, #tpu.memory_space<vmem>> -> memref<128x64xf32, #tpu.memory_space<vmem>>
    %dma_start3A_11 = arith.constant 0 : i32
    %dma_start3A_12 = tpu.memref_slice %arg7[%dma_start3A, %dma_start3A_11] : memref<160x128xi32, #tpu.memory_space<vmem>> -> memref<1x128xi32, #tpu.memory_space<vmem>>
    %dma_start3A_13 = tpu.memref_squeeze %dma_start3A_12 : memref<1x128xi32, #tpu.memory_space<vmem>> -> memref<128xi32, #tpu.memory_space<vmem>>
    %dma_start3A_14 = arith.constant 0 : i32
    %dma_start3A_15 = arith.constant 0 : i32
    %dma_start3A_16 = tpu.memref_slice %arg4[%dma_start3A_14, %dma_start3A_15] : memref<20480x64xf32, #tpu.memory_space<hbm>> -> memref<20480x64xf32, #tpu.memory_space<hbm>>
    %dma_start3A_17 = tpu.memref_slice %arg11[%dma_start3A_6] : memref<5x!tpu.dma_semaphore, #tpu.memory_space<semaphore_mem>> -> memref<1x!tpu.dma_semaphore, #tpu.memory_space<semaphore_mem>>
    %dma_start3A_18 = tpu.memref_squeeze %dma_start3A_17 : memref<1x!tpu.dma_semaphore, #tpu.memory_space<semaphore_mem>> -> memref<!tpu.dma_semaphore, #tpu.memory_space<semaphore_mem>>
    tpu.enqueue_indirect_dma source(%dma_start3A_16 : memref<20480x64xf32, #tpu.memory_space<hbm>>) target(%dma_start3A_10 : memref<128x64xf32, #tpu.memory_space<vmem>>) offsets(%dma_start3A_13 : memref<128xi32, #tpu.memory_space<vmem>>) semaphore(%dma_start3A_18 : memref<!tpu.dma_semaphore, #tpu.memory_space<semaphore_mem>>)
    %dma_start3A_19 = arith.constant 1 : i32
    %dma_start3A_20 = arith.constant 1 : i32
    %dma_start3A_21 = arith.constant 1 : i32
    %dma_start3A_22 = arith.constant 0 : i32
    %dma_start3A_23 = arith.constant 0 : i32
    %dma_start3A_24 = tpu.memref_slice %arg9[%dma_start3A_20, %dma_start3A_22, %dma_start3A_23] : memref<5x128x64xf32, #tpu.memory_space<vmem>> -> memref<1x128x64xf32, #tpu.memory_space<vmem>>
    %dma_start3A_25 = tpu.memref_squeeze %dma_start3A_24 : memref<1x128x64xf32, #tpu.memory_space<vmem>> -> memref<128x64xf32, #tpu.memory_space<vmem>>
    %dma_start3A_26 = arith.constant 0 : i32
    %dma_start3A_27 = tpu.memref_slice %arg7[%dma_start3A_19, %dma_start3A_26] : memref<160x128xi32, #tpu.memory_space<vmem>> -> memref<1x128xi32, #tpu.memory_space<vmem>>
    %dma_start3A_28 = tpu.memref_squeeze %dma_start3A_27 : memref<1x128xi32, #tpu.memory_space<vmem>> -> memref<128xi32, #tpu.memory_space<vmem>>
    %dma_start3A_29 = arith.constant 0 : i32
    %dma_start3A_30 = arith.constant 0 : i32
    %dma_start3A_31 = tpu.memref_slice %arg4[%dma_start3A_29, %dma_start3A_30] : memref<20480x64xf32, #tpu.memory_space<hbm>> -> memref<20480x64xf32, #tpu.memory_space<hbm>>
    %dma_start3A_32 = tpu.memref_slice %arg11[%dma_start3A_21] : memref<5x!tpu.dma_semaphore, #tpu.memory_space<semaphore_mem>> -> memref<1x!tpu.dma_semaphore, #tpu.memory_space<semaphore_mem>>
    %dma_start3A_33 = tpu.memref_squeeze %dma_start3A_32 : memref<1x!tpu.dma_semaphore, #tpu.memory_space<semaphore_mem>> -> memref<!tpu.dma_semaphore, #tpu.memory_space<semaphore_mem>>
    tpu.enqueue_indirect_dma source(%dma_start3A_31 : memref<20480x64xf32, #tpu.memory_space<hbm>>) target(%dma_start3A_25 : memref<128x64xf32, #tpu.memory_space<vmem>>) offsets(%dma_start3A_28 : memref<128xi32, #tpu.memory_space<vmem>>) semaphore(%dma_start3A_33 : memref<!tpu.dma_semaphore, #tpu.memory_space<semaphore_mem>>)
    %dma_start3A_34 = arith.constant 2 : i32
    %dma_start3A_35 = arith.constant 2 : i32
    %dma_start3A_36 = arith.constant 2 : i32
    %dma_start3A_37 = arith.constant 0 : i32
    %dma_start3A_38 = arith.constant 0 : i32
    %dma_start3A_39 = tpu.memref_slice %arg9[%dma_start3A_35, %dma_start3A_37, %dma_start3A_38] : memref<5x128x64xf32, #tpu.memory_space<vmem>> -> memref<1x128x64xf32, #tpu.memory_space<vmem>>
    %dma_start3A_40 = tpu.memref_squeeze %dma_start3A_39 : memref<1x128x64xf32, #tpu.memory_space<vmem>> -> memref<128x64xf32, #tpu.memory_space<vmem>>
    %dma_start3A_41 = arith.constant 0 : i32
    %dma_start3A_42 = tpu.memref_slice %arg7[%dma_start3A_34, %dma_start3A_41] : memref<160x128xi32, #tpu.memory_space<vmem>> -> memref<1x128xi32, #tpu.memory_space<vmem>>
    %dma_start3A_43 = tpu.memref_squeeze %dma_start3A_42 : memref<1x128xi32, #tpu.memory_space<vmem>> -> memref<128xi32, #tpu.memory_space<vmem>>
    %dma_start3A_44 = arith.constant 0 : i32
    %dma_start3A_45 = arith.constant 0 : i32
    %dma_start3A_46 = tpu.memref_slice %arg4[%dma_start3A_44, %dma_start3A_45] : memref<20480x64xf32, #tpu.memory_space<hbm>> -> memref<20480x64xf32, #tpu.memory_space<hbm>>
    %dma_start3A_47 = tpu.memref_slice %arg11[%dma_start3A_36] : memref<5x!tpu.dma_semaphore, #tpu.memory_space<semaphore_mem>> -> memref<1x!tpu.dma_semaphore, #tpu.memory_space<semaphore_mem>>
    %dma_start3A_48 = tpu.memref_squeeze %dma_start3A_47 : memref<1x!tpu.dma_semaphore, #tpu.memory_space<semaphore_mem>> -> memref<!tpu.dma_semaphore, #tpu.memory_space<semaphore_mem>>
    tpu.enqueue_indirect_dma source(%dma_start3A_46 : memref<20480x64xf32, #tpu.memory_space<hbm>>) target(%dma_start3A_40 : memref<128x64xf32, #tpu.memory_space<vmem>>) offsets(%dma_start3A_43 : memref<128xi32, #tpu.memory_space<vmem>>) semaphore(%dma_start3A_48 : memref<!tpu.dma_semaphore, #tpu.memory_space<semaphore_mem>>)
    %dma_start3A_49 = arith.constant 3 : i32
    %dma_start3A_50 = arith.constant 3 : i32
    %dma_start3A_51 = arith.constant 3 : i32
    %dma_start3A_52 = arith.constant 0 : i32
    %dma_start3A_53 = arith.constant 0 : i32
    %dma_start3A_54 = tpu.memref_slice %arg9[%dma_start3A_50, %dma_start3A_52, %dma_start3A_53] : memref<5x128x64xf32, #tpu.memory_space<vmem>> -> memref<1x128x64xf32, #tpu.memory_space<vmem>>
    %dma_start3A_55 = tpu.memref_squeeze %dma_start3A_54 : memref<1x128x64xf32, #tpu.memory_space<vmem>> -> memref<128x64xf32, #tpu.memory_space<vmem>>
    %dma_start3A_56 = arith.constant 0 : i32
    %dma_start3A_57 = tpu.memref_slice %arg7[%dma_start3A_49, %dma_start3A_56] : memref<160x128xi32, #tpu.memory_space<vmem>> -> memref<1x128xi32, #tpu.memory_space<vmem>>
    %dma_start3A_58 = tpu.memref_squeeze %dma_start3A_57 : memref<1x128xi32, #tpu.memory_space<vmem>> -> memref<128xi32, #tpu.memory_space<vmem>>
    %dma_start3A_59 = arith.constant 0 : i32
    %dma_start3A_60 = arith.constant 0 : i32
    %dma_start3A_61 = tpu.memref_slice %arg4[%dma_start3A_59, %dma_start3A_60] : memref<20480x64xf32, #tpu.memory_space<hbm>> -> memref<20480x64xf32, #tpu.memory_space<hbm>>
    %dma_start3A_62 = tpu.memref_slice %arg11[%dma_start3A_51] : memref<5x!tpu.dma_semaphore, #tpu.memory_space<semaphore_mem>> -> memref<1x!tpu.dma_semaphore, #tpu.memory_space<semaphore_mem>>
    %dma_start3A_63 = tpu.memref_squeeze %dma_start3A_62 : memref<1x!tpu.dma_semaphore, #tpu.memory_space<semaphore_mem>> -> memref<!tpu.dma_semaphore, #tpu.memory_space<semaphore_mem>>
    tpu.enqueue_indirect_dma source(%dma_start3A_61 : memref<20480x64xf32, #tpu.memory_space<hbm>>) target(%dma_start3A_55 : memref<128x64xf32, #tpu.memory_space<vmem>>) offsets(%dma_start3A_58 : memref<128xi32, #tpu.memory_space<vmem>>) semaphore(%dma_start3A_63 : memref<!tpu.dma_semaphore, #tpu.memory_space<semaphore_mem>>)
    %scan3A = arith.constant 0 : i32
    %scan3A_64 = arith.constant 160 : i32
    %scan3A_65 = arith.addi %scan3A, %scan3A_64 : i32
    %scan3A_66 = arith.constant 1 : i32
    scf.for %scan3A_95 = %scan3A to %scan3A_65 step %scan3A_66  : i32 {
      %ge3A = arith.constant 1 : i32
      %ge3A_96 = arith.cmpi sge, %scan3A_95, %ge3A : i32
      %convert_element_type3A = arith.extui %ge3A_96 : i1 to i32
      %cond3A = arith.constant 0 : i32
      %cond3A_97 = arith.cmpi ne, %convert_element_type3A, %cond3A : i32
      scf.if %cond3A_97 {
        %sub3A = arith.constant 1 : i32
        %sub3A_161 = arith.subi %scan3A_95, %sub3A : i32
        %jit3A_162 = arith.constant 5 : i32
        %eq3A_163 = arith.constant 0 : i32
        %eq3A_164 = arith.cmpi eq, %jit3A_162, %eq3A_163 : i32
        %jit3A_165 = arith.constant 1 : i32
        %select_n3A_166 = arith.select %eq3A_164, %jit3A_165, %jit3A_162 : i32
        %rem3A_167 = arith.remsi %sub3A_161, %select_n3A_166 : i32
        %ne3A_168 = arith.constant 0 : i32
        %ne3A_169 = arith.cmpi ne, %rem3A_167, %ne3A_168 : i32
        %lt3A_170 = arith.constant 0 : i32
        %lt3A_171 = arith.cmpi slt, %rem3A_167, %lt3A_170 : i32
        %lt3A_172 = arith.constant 0 : i32
        %lt3A_173 = arith.cmpi slt, %select_n3A_166, %lt3A_172 : i32
        %ne3A_174 = arith.xori %lt3A_171, %lt3A_173 : i1
        %and3A_175 = arith.andi %ne3A_174, %ne3A_169 : i1
        %add3A_176 = arith.addi %rem3A_167, %select_n3A_166 : i32
        %select_n3A_177 = arith.select %and3A_175, %add3A_176, %rem3A_167 : i32
        %dma_wait3A_178 = arith.constant 0 : i32
        %dma_wait3A_179 = arith.constant 0 : i32
        %dma_wait3A_180 = tpu.memref_slice %arg9[%select_n3A_177, %dma_wait3A_178, %dma_wait3A_179] : memref<5x128x64xf32, #tpu.memory_space<vmem>> -> memref<1x128x64xf32, #tpu.memory_space<vmem>>
        %dma_wait3A_181 = tpu.memref_squeeze %dma_wait3A_180 : memref<1x128x64xf32, #tpu.memory_space<vmem>> -> memref<128x64xf32, #tpu.memory_space<vmem>>
        %dma_wait3A_182 = arith.constant 0 : i32
        %dma_wait3A_183 = tpu.memref_slice %arg8[%sub3A_161, %dma_wait3A_182] : memref<160x128xi32, #tpu.memory_space<vmem>> -> memref<1x128xi32, #tpu.memory_space<vmem>>
        %dma_wait3A_184 = tpu.memref_squeeze %dma_wait3A_183 : memref<1x128xi32, #tpu.memory_space<vmem>> -> memref<128xi32, #tpu.memory_space<vmem>>
        %dma_wait3A_185 = arith.constant 0 : i32
        %dma_wait3A_186 = arith.constant 0 : i32
        %dma_wait3A_187 = tpu.memref_slice %arg10[%dma_wait3A_185, %dma_wait3A_186] : memref<10240x64xf32, #tpu.memory_space<vmem_shared>> -> memref<10240x64xf32, #tpu.memory_space<vmem_shared>>
        %dma_wait3A_188 = tpu.memref_slice %arg12[%select_n3A_177] : memref<5x!tpu.dma_semaphore, #tpu.memory_space<semaphore_mem>> -> memref<1x!tpu.dma_semaphore, #tpu.memory_space<semaphore_mem>>
        %dma_wait3A_189 = tpu.memref_squeeze %dma_wait3A_188 : memref<1x!tpu.dma_semaphore, #tpu.memory_space<semaphore_mem>> -> memref<!tpu.dma_semaphore, #tpu.memory_space<semaphore_mem>>
        tpu.wait_indirect_dma semaphore(%dma_wait3A_189 : memref<!tpu.dma_semaphore, #tpu.memory_space<semaphore_mem>>) src(%dma_wait3A_181 : memref<128x64xf32, #tpu.memory_space<vmem>>) dst(%dma_wait3A_187 : memref<10240x64xf32, #tpu.memory_space<vmem_shared>>)
      } else {
      }
      %add3A_98 = arith.constant 4 : i32
      %add3A_99 = arith.addi %scan3A_95, %add3A_98 : i32
      %lt3A_100 = arith.constant 160 : i32
      %lt3A_101 = arith.cmpi slt, %add3A_99, %lt3A_100 : i32
      %convert_element_type3A_102 = arith.extui %lt3A_101 : i1 to i32
      %cond3A_103 = arith.constant 0 : i32
      %cond3A_104 = arith.cmpi ne, %convert_element_type3A_102, %cond3A_103 : i32
      scf.if %cond3A_104 {
        %add3A_161 = arith.constant 4 : i32
        %add3A_162 = arith.addi %scan3A_95, %add3A_161 : i32
        %jit3A_163 = arith.constant 5 : i32
        %eq3A_164 = arith.constant 0 : i32
        %eq3A_165 = arith.cmpi eq, %jit3A_163, %eq3A_164 : i32
        %jit3A_166 = arith.constant 1 : i32
        %select_n3A_167 = arith.select %eq3A_165, %jit3A_166, %jit3A_163 : i32
        %rem3A_168 = arith.remsi %add3A_162, %select_n3A_167 : i32
        %ne3A_169 = arith.constant 0 : i32
        %ne3A_170 = arith.cmpi ne, %rem3A_168, %ne3A_169 : i32
        %lt3A_171 = arith.constant 0 : i32
        %lt3A_172 = arith.cmpi slt, %rem3A_168, %lt3A_171 : i32
        %lt3A_173 = arith.constant 0 : i32
        %lt3A_174 = arith.cmpi slt, %select_n3A_167, %lt3A_173 : i32
        %ne3A_175 = arith.xori %lt3A_172, %lt3A_174 : i1
        %and3A_176 = arith.andi %ne3A_175, %ne3A_170 : i1
        %add3A_177 = arith.addi %rem3A_168, %select_n3A_167 : i32
        %select_n3A_178 = arith.select %and3A_176, %add3A_177, %rem3A_168 : i32
        %dma_start3A_179 = arith.constant 0 : i32
        %dma_start3A_180 = arith.constant 0 : i32
        %dma_start3A_181 = tpu.memref_slice %arg9[%select_n3A_178, %dma_start3A_179, %dma_start3A_180] : memref<5x128x64xf32, #tpu.memory_space<vmem>> -> memref<1x128x64xf32, #tpu.memory_space<vmem>>
        %dma_start3A_182 = tpu.memref_squeeze %dma_start3A_181 : memref<1x128x64xf32, #tpu.memory_space<vmem>> -> memref<128x64xf32, #tpu.memory_space<vmem>>
        %dma_start3A_183 = arith.constant 0 : i32
        %dma_start3A_184 = tpu.memref_slice %arg7[%add3A_162, %dma_start3A_183] : memref<160x128xi32, #tpu.memory_space<vmem>> -> memref<1x128xi32, #tpu.memory_space<vmem>>
        %dma_start3A_185 = tpu.memref_squeeze %dma_start3A_184 : memref<1x128xi32, #tpu.memory_space<vmem>> -> memref<128xi32, #tpu.memory_space<vmem>>
        %dma_start3A_186 = arith.constant 0 : i32
        %dma_start3A_187 = arith.constant 0 : i32
        %dma_start3A_188 = tpu.memref_slice %arg4[%dma_start3A_186, %dma_start3A_187] : memref<20480x64xf32, #tpu.memory_space<hbm>> -> memref<20480x64xf32, #tpu.memory_space<hbm>>
        %dma_start3A_189 = tpu.memref_slice %arg11[%select_n3A_178] : memref<5x!tpu.dma_semaphore, #tpu.memory_space<semaphore_mem>> -> memref<1x!tpu.dma_semaphore, #tpu.memory_space<semaphore_mem>>
        %dma_start3A_190 = tpu.memref_squeeze %dma_start3A_189 : memref<1x!tpu.dma_semaphore, #tpu.memory_space<semaphore_mem>> -> memref<!tpu.dma_semaphore, #tpu.memory_space<semaphore_mem>>
        tpu.enqueue_indirect_dma source(%dma_start3A_188 : memref<20480x64xf32, #tpu.memory_space<hbm>>) target(%dma_start3A_182 : memref<128x64xf32, #tpu.memory_space<vmem>>) offsets(%dma_start3A_185 : memref<128xi32, #tpu.memory_space<vmem>>) semaphore(%dma_start3A_190 : memref<!tpu.dma_semaphore, #tpu.memory_space<semaphore_mem>>)
      } else {
      }
      %jit3A_105 = arith.constant 5 : i32
      %eq3A_106 = arith.constant 0 : i32
      %eq3A_107 = arith.cmpi eq, %jit3A_105, %eq3A_106 : i32
      %jit3A_108 = arith.constant 1 : i32
      %select_n3A_109 = arith.select %eq3A_107, %jit3A_108, %jit3A_105 : i32
      %rem3A_110 = arith.remsi %scan3A_95, %select_n3A_109 : i32
      %ne3A_111 = arith.constant 0 : i32
      %ne3A_112 = arith.cmpi ne, %rem3A_110, %ne3A_111 : i32
      %lt3A_113 = arith.constant 0 : i32
      %lt3A_114 = arith.cmpi slt, %rem3A_110, %lt3A_113 : i32
      %lt3A_115 = arith.constant 0 : i32
      %lt3A_116 = arith.cmpi slt, %select_n3A_109, %lt3A_115 : i32
      %ne3A_117 = arith.xori %lt3A_114, %lt3A_116 : i1
      %and3A_118 = arith.andi %ne3A_117, %ne3A_112 : i1
      %add3A_119 = arith.addi %rem3A_110, %select_n3A_109 : i32
      %select_n3A_120 = arith.select %and3A_118, %add3A_119, %rem3A_110 : i32
      %dma_wait3A_121 = arith.constant 0 : i32
      %dma_wait3A_122 = arith.constant 0 : i32
      %dma_wait3A_123 = tpu.memref_slice %arg9[%select_n3A_120, %dma_wait3A_121, %dma_wait3A_122] : memref<5x128x64xf32, #tpu.memory_space<vmem>> -> memref<1x128x64xf32, #tpu.memory_space<vmem>>
      %dma_wait3A_124 = tpu.memref_squeeze %dma_wait3A_123 : memref<1x128x64xf32, #tpu.memory_space<vmem>> -> memref<128x64xf32, #tpu.memory_space<vmem>>
      %dma_wait3A_125 = arith.constant 0 : i32
      %dma_wait3A_126 = tpu.memref_slice %arg7[%scan3A_95, %dma_wait3A_125] : memref<160x128xi32, #tpu.memory_space<vmem>> -> memref<1x128xi32, #tpu.memory_space<vmem>>
      %dma_wait3A_127 = tpu.memref_squeeze %dma_wait3A_126 : memref<1x128xi32, #tpu.memory_space<vmem>> -> memref<128xi32, #tpu.memory_space<vmem>>
      %dma_wait3A_128 = arith.constant 0 : i32
      %dma_wait3A_129 = arith.constant 0 : i32
      %dma_wait3A_130 = tpu.memref_slice %arg4[%dma_wait3A_128, %dma_wait3A_129] : memref<20480x64xf32, #tpu.memory_space<hbm>> -> memref<20480x64xf32, #tpu.memory_space<hbm>>
      %dma_wait3A_131 = tpu.memref_slice %arg11[%select_n3A_120] : memref<5x!tpu.dma_semaphore, #tpu.memory_space<semaphore_mem>> -> memref<1x!tpu.dma_semaphore, #tpu.memory_space<semaphore_mem>>
      %dma_wait3A_132 = tpu.memref_squeeze %dma_wait3A_131 : memref<1x!tpu.dma_semaphore, #tpu.memory_space<semaphore_mem>> -> memref<!tpu.dma_semaphore, #tpu.memory_space<semaphore_mem>>
      tpu.wait_indirect_dma semaphore(%dma_wait3A_132 : memref<!tpu.dma_semaphore, #tpu.memory_space<semaphore_mem>>) src(%dma_wait3A_130 : memref<20480x64xf32, #tpu.memory_space<hbm>>) dst(%dma_wait3A_124 : memref<128x64xf32, #tpu.memory_space<vmem>>)
      %jit3A_133 = arith.constant 5 : i32
      %eq3A_134 = arith.constant 0 : i32
      %eq3A_135 = arith.cmpi eq, %jit3A_133, %eq3A_134 : i32
      %jit3A_136 = arith.constant 1 : i32
      %select_n3A_137 = arith.select %eq3A_135, %jit3A_136, %jit3A_133 : i32
      %rem3A_138 = arith.remsi %scan3A_95, %select_n3A_137 : i32
      %ne3A_139 = arith.constant 0 : i32
      %ne3A_140 = arith.cmpi ne, %rem3A_138, %ne3A_139 : i32
      %lt3A_141 = arith.constant 0 : i32
      %lt3A_142 = arith.cmpi slt, %rem3A_138, %lt3A_141 : i32
      %lt3A_143 = arith.constant 0 : i32
      %lt3A_144 = arith.cmpi slt, %select_n3A_137, %lt3A_143 : i32
      %ne3A_145 = arith.xori %lt3A_142, %lt3A_144 : i1
      %and3A_146 = arith.andi %ne3A_145, %ne3A_140 : i1
      %add3A_147 = arith.addi %rem3A_138, %select_n3A_137 : i32
      %select_n3A_148 = arith.select %and3A_146, %add3A_147, %rem3A_138 : i32
      %dma_start3A_149 = arith.constant 0 : i32
      %dma_start3A_150 = arith.constant 0 : i32
      %dma_start3A_151 = tpu.memref_slice %arg9[%select_n3A_148, %dma_start3A_149, %dma_start3A_150] : memref<5x128x64xf32, #tpu.memory_space<vmem>> -> memref<1x128x64xf32, #tpu.memory_space<vmem>>
      %dma_start3A_152 = tpu.memref_squeeze %dma_start3A_151 : memref<1x128x64xf32, #tpu.memory_space<vmem>> -> memref<128x64xf32, #tpu.memory_space<vmem>>
      %dma_start3A_153 = arith.constant 0 : i32
      %dma_start3A_154 = tpu.memref_slice %arg8[%scan3A_95, %dma_start3A_153] : memref<160x128xi32, #tpu.memory_space<vmem>> -> memref<1x128xi32, #tpu.memory_space<vmem>>
      %dma_start3A_155 = tpu.memref_squeeze %dma_start3A_154 : memref<1x128xi32, #tpu.memory_space<vmem>> -> memref<128xi32, #tpu.memory_space<vmem>>
      %dma_start3A_156 = arith.constant 0 : i32
      %dma_start3A_157 = arith.constant 0 : i32
      %dma_start3A_158 = tpu.memref_slice %arg10[%dma_start3A_156, %dma_start3A_157] : memref<10240x64xf32, #tpu.memory_space<vmem_shared>> -> memref<10240x64xf32, #tpu.memory_space<vmem_shared>>
      %dma_start3A_159 = tpu.memref_slice %arg12[%select_n3A_148] : memref<5x!tpu.dma_semaphore, #tpu.memory_space<semaphore_mem>> -> memref<1x!tpu.dma_semaphore, #tpu.memory_space<semaphore_mem>>
      %dma_start3A_160 = tpu.memref_squeeze %dma_start3A_159 : memref<1x!tpu.dma_semaphore, #tpu.memory_space<semaphore_mem>> -> memref<!tpu.dma_semaphore, #tpu.memory_space<semaphore_mem>>
      tpu.enqueue_indirect_dma source(%dma_start3A_152 : memref<128x64xf32, #tpu.memory_space<vmem>>) target(%dma_start3A_158 : memref<10240x64xf32, #tpu.memory_space<vmem_shared>>) offsets(%dma_start3A_155 : memref<128xi32, #tpu.memory_space<vmem>>) semaphore(%dma_start3A_160 : memref<!tpu.dma_semaphore, #tpu.memory_space<semaphore_mem>>) {add = true}
    }
    %scan3A_67 = arith.constant 160 : i32
    %scan3A_68 = arith.constant 159 : i32
    %jit3A = arith.constant 5 : i32
    %eq3A = arith.constant 0 : i32
    %eq3A_69 = arith.cmpi eq, %jit3A, %eq3A : i32
    %jit3A_70 = arith.constant 1 : i32
    %select_n3A = arith.select %eq3A_69, %jit3A_70, %jit3A : i32
    %rem3A = arith.remsi %scan3A_68, %select_n3A : i32
    %ne3A = arith.constant 0 : i32
    %ne3A_71 = arith.cmpi ne, %rem3A, %ne3A : i32
    %lt3A = arith.constant 0 : i32
    %lt3A_72 = arith.cmpi slt, %rem3A, %lt3A : i32
    %lt3A_73 = arith.constant 0 : i32
    %lt3A_74 = arith.cmpi slt, %select_n3A, %lt3A_73 : i32
    %ne3A_75 = arith.xori %lt3A_72, %lt3A_74 : i1
    %and3A = arith.andi %ne3A_75, %ne3A_71 : i1
    %add3A_76 = arith.addi %rem3A, %select_n3A : i32
    %select_n3A_77 = arith.select %and3A, %add3A_76, %rem3A : i32
    %dma_wait3A = arith.constant 0 : i32
    %dma_wait3A_78 = arith.constant 0 : i32
    %dma_wait3A_79 = tpu.memref_slice %arg9[%select_n3A_77, %dma_wait3A, %dma_wait3A_78] : memref<5x128x64xf32, #tpu.memory_space<vmem>> -> memref<1x128x64xf32, #tpu.memory_space<vmem>>
    %dma_wait3A_80 = tpu.memref_squeeze %dma_wait3A_79 : memref<1x128x64xf32, #tpu.memory_space<vmem>> -> memref<128x64xf32, #tpu.memory_space<vmem>>
    %dma_wait3A_81 = arith.constant 0 : i32
    %dma_wait3A_82 = tpu.memref_slice %arg8[%scan3A_68, %dma_wait3A_81] : memref<160x128xi32, #tpu.memory_space<vmem>> -> memref<1x128xi32, #tpu.memory_space<vmem>>
    %dma_wait3A_83 = tpu.memref_squeeze %dma_wait3A_82 : memref<1x128xi32, #tpu.memory_space<vmem>> -> memref<128xi32, #tpu.memory_space<vmem>>
    %dma_wait3A_84 = arith.constant 0 : i32
    %dma_wait3A_85 = arith.constant 0 : i32
    %dma_wait3A_86 = tpu.memref_slice %arg10[%dma_wait3A_84, %dma_wait3A_85] : memref<10240x64xf32, #tpu.memory_space<vmem_shared>> -> memref<10240x64xf32, #tpu.memory_space<vmem_shared>>
    %dma_wait3A_87 = tpu.memref_slice %arg12[%select_n3A_77] : memref<5x!tpu.dma_semaphore, #tpu.memory_space<semaphore_mem>> -> memref<1x!tpu.dma_semaphore, #tpu.memory_space<semaphore_mem>>
    %dma_wait3A_88 = tpu.memref_squeeze %dma_wait3A_87 : memref<1x!tpu.dma_semaphore, #tpu.memory_space<semaphore_mem>> -> memref<!tpu.dma_semaphore, #tpu.memory_space<semaphore_mem>>
    tpu.wait_indirect_dma semaphore(%dma_wait3A_88 : memref<!tpu.dma_semaphore, #tpu.memory_space<semaphore_mem>>) src(%dma_wait3A_80 : memref<128x64xf32, #tpu.memory_space<vmem>>) dst(%dma_wait3A_86 : memref<10240x64xf32, #tpu.memory_space<vmem_shared>>)
    %scan3A_89 = arith.constant 1 : i32
    %barrier3A_90 = arith.constant 0 : index
    tpu.barrier barrier_id(%barrier3A_90)
    %mul3A_91 = arith.constant 640 : i32
    %mul3A_92 = arith.muli %arg1, %mul3A_91 : i32
    %mul3A_93 = arith.constant 640 : i32
    %mul3A_94 = arith.muli %arg1, %mul3A_93 : i32
    "tpu.region"() ({
      %run_scoped3A = tpu.sem_alloc : memref<!tpu.dma_semaphore, #tpu.memory_space<semaphore_mem>>
      %dma_start3A_95 = arith.constant 0 : i32
      %dma_start3A_96 = tpu.memref_slice %arg6[%arg0, %mul3A_94, %dma_start3A_95] : memref<2x10240x64xf32, #tpu.memory_space<hbm>> -> memref<1x640x64xf32, #tpu.memory_space<hbm>>
      %dma_start3A_97 = tpu.memref_squeeze %dma_start3A_96 : memref<1x640x64xf32, #tpu.memory_space<hbm>> -> memref<640x64xf32, #tpu.memory_space<hbm>>
      %dma_start3A_98 = arith.constant 0 : i32
      %dma_start3A_99 = tpu.memref_slice %arg10[%mul3A_92, %dma_start3A_98] : memref<10240x64xf32, #tpu.memory_space<vmem_shared>> -> memref<640x64xf32, #tpu.memory_space<vmem_shared>>
      tpu.enqueue_dma source(%dma_start3A_99 : memref<640x64xf32, #tpu.memory_space<vmem_shared>>) target(%dma_start3A_97 : memref<640x64xf32, #tpu.memory_space<hbm>>) target_semaphore(%run_scoped3A : memref<!tpu.dma_semaphore, #tpu.memory_space<semaphore_mem>>)
      %dma_wait3A_100 = arith.constant 0 : i32
      %dma_wait3A_101 = tpu.memref_slice %arg6[%arg0, %mul3A_94, %dma_wait3A_100] : memref<2x10240x64xf32, #tpu.memory_space<hbm>> -> memref<1x640x64xf32, #tpu.memory_space<hbm>>
      %dma_wait3A_102 = tpu.memref_squeeze %dma_wait3A_101 : memref<1x640x64xf32, #tpu.memory_space<hbm>> -> memref<640x64xf32, #tpu.memory_space<hbm>>
      %dma_wait3A_103 = arith.constant 0 : i32
      %dma_wait3A_104 = tpu.memref_slice %arg10[%mul3A_92, %dma_wait3A_103] : memref<10240x64xf32, #tpu.memory_space<vmem_shared>> -> memref<640x64xf32, #tpu.memory_space<vmem_shared>>
      tpu.wait_dma2 semaphore(%run_scoped3A : memref<!tpu.dma_semaphore, #tpu.memory_space<semaphore_mem>>) src(%dma_wait3A_104 : memref<640x64xf32, #tpu.memory_space<vmem_shared>>) dst(%dma_wait3A_102 : memref<640x64xf32, #tpu.memory_space<hbm>>)
      tpu.yield
    }) : () -> ()
    return
  }
}

module attributes {stable_mosaic.version = 14 : i64} {
  func.func @_prep_kernel(%arg0: memref<10240x32xf32, #tpu.memory_space<vmem>>, %arg1: memref<10000x128xf32, #tpu.memory_space<vmem>>, %arg2: memref<128x128xf32, #tpu.memory_space<vmem>>, %arg3: memref<10240x1xf32, #tpu.memory_space<vmem>>, %arg4: memref<2x10240x64xf32, #tpu.memory_space<vmem>>) attributes {dimension_semantics = [], scalar_prefetch = 0 : i64, scratch_operands = 0 : i64, tpu.core_type = #tpu.core_type<tc>} {
    %get3A = arith.constant 0 : index
    %get3A_0 = arith.constant 0 : index
    %get3A_1 = vector.load %arg0[%get3A, %get3A_0] : memref<10240x32xf32, #tpu.memory_space<vmem>>, vector<10240x32xf32>
    %reduce_sum3A = arith.constant dense<0.000000e+00> : vector<10240xf32>
    %reduce_sum3A_2 = vector.multi_reduction <add>, %get3A_1, %reduce_sum3A [1] : vector<10240x32xf32> to vector<10240xf32>
    %broadcast_in_dim3A = vector.shape_cast %reduce_sum3A_2 : vector<10240xf32> to vector<10240x1xf32>
    %add3A = arith.constant 1.000000e+00 : f32
    %add3A_3 = vector.broadcast %add3A : f32 to vector<10240x1xf32>
    %add3A_4 = arith.addf %broadcast_in_dim3A, %add3A_3 : vector<10240x1xf32>
    %iota3A = tpu.iota {dimensions = array<i32: 0>} : vector<10240x1xi32>
    %lt3A = arith.constant 10000 : i32
    %lt3A_5 = vector.broadcast %lt3A : i32 to vector<10240x1xi32>
    %lt3A_6 = arith.cmpi slt, %iota3A, %lt3A_5 : vector<10240x1xi32>
    %rsqrt3A = math.rsqrt %add3A_4 : vector<10240x1xf32>
    %jit3A = arith.constant 0.000000e+00 : f32
    %broadcast_in_dim3A_7 = vector.broadcast %jit3A : f32 to vector<10240x1xf32>
    %select_n3A = arith.select %lt3A_6, %rsqrt3A, %broadcast_in_dim3A_7 : vector<10240x1xi1>, vector<10240x1xf32>
    %swap3A = arith.constant 0 : index
    %swap3A_8 = arith.constant 0 : index
    %swap3A_9 = vector.load %arg3[%swap3A, %swap3A_8] : memref<10240x1xf32, #tpu.memory_space<vmem>>, vector<10240x1xf32>
    tpu.vector_store %arg3[%swap3A, %swap3A_8], %select_n3A {strides = array<i32>} : memref<10240x1xf32, #tpu.memory_space<vmem>>, vector<10240x1xf32>,
    %get3A_10 = arith.constant 0 : index
    %get3A_11 = arith.constant 0 : index
    %get3A_12 = vector.load %arg1[%get3A_10, %get3A_11] : memref<10000x128xf32, #tpu.memory_space<vmem>>, vector<10000x128xf32>
    %get3A_13 = arith.constant 0 : index
    %get3A_14 = arith.constant 0 : index
    %get3A_15 = vector.load %arg2[%get3A_13, %get3A_14] : memref<128x128xf32, #tpu.memory_space<vmem>>, vector<128x128xf32>
    %dot_general3A = arith.constant dense<0.000000e+00> : vector<10000x128xf32>
    %dot_general3A_16 = tpu.matmul %get3A_12, %get3A_15, %dot_general3A {dimension_numbers = #tpu.dot_dimension_numbers<[1], [0], [0], [1], [0, 0, 1, 1], [], []>, transpose_lhs_hint = false} : vector<10000x128xf32>, vector<128x128xf32>, vector<10000x128xf32> -> vector<10000x128xf32>
    %slice3A = vector.extract_strided_slice %select_n3A {offsets = [0, 0], sizes = [10000, 1], strides = [1, 1]} : vector<10240x1xf32> to vector<10000x1xf32>
    %mul3A = vector.broadcast %slice3A : vector<10000x1xf32> to vector<10000x128xf32>
    %mul3A_17 = arith.mulf %mul3A, %dot_general3A_16 : vector<10000x128xf32>
    %slice3A_18 = vector.extract_strided_slice %mul3A_17 {offsets = [0, 0], sizes = [10000, 64], strides = [1, 1]} : vector<10000x128xf32> to vector<10000x64xf32>
    %swap3A_19 = arith.constant 0 : index
    %swap3A_20 = arith.constant 0 : index
    %swap3A_21 = arith.constant 0 : index
    %swap3A_22 = vector.load %arg4[%swap3A_19, %swap3A_20, %swap3A_21] : memref<2x10240x64xf32, #tpu.memory_space<vmem>>, vector<1x10000x64xf32>
    %swap3A_23 = vector.shape_cast %swap3A_22 : vector<1x10000x64xf32> to vector<10000x64xf32>
    %swap3A_24 = vector.shape_cast %slice3A_18 : vector<10000x64xf32> to vector<1x10000x64xf32>
    tpu.vector_store %arg4[%swap3A_19, %swap3A_20, %swap3A_21], %swap3A_24 {strides = array<i32>} : memref<2x10240x64xf32, #tpu.memory_space<vmem>>, vector<1x10000x64xf32>,
    %slice3A_25 = vector.extract_strided_slice %mul3A_17 {offsets = [0, 64], sizes = [10000, 64], strides = [1, 1]} : vector<10000x128xf32> to vector<10000x64xf32>
    %swap3A_26 = arith.constant 1 : index
    %swap3A_27 = arith.constant 0 : index
    %swap3A_28 = arith.constant 0 : index
    %swap3A_29 = vector.load %arg4[%swap3A_26, %swap3A_27, %swap3A_28] : memref<2x10240x64xf32, #tpu.memory_space<vmem>>, vector<1x10000x64xf32>
    %swap3A_30 = vector.shape_cast %swap3A_29 : vector<1x10000x64xf32> to vector<10000x64xf32>
    %swap3A_31 = vector.shape_cast %slice3A_25 : vector<10000x64xf32> to vector<1x10000x64xf32>
    tpu.vector_store %arg4[%swap3A_26, %swap3A_27, %swap3A_28], %swap3A_31 {strides = array<i32>} : memref<2x10240x64xf32, #tpu.memory_space<vmem>>, vector<1x10000x64xf32>,
    %broadcast_in_dim3A_32 = arith.constant 0.000000e+00 : f32
    %broadcast_in_dim3A_33 = vector.broadcast %broadcast_in_dim3A_32 : f32 to vector<2x240x64xf32>
    %swap3A_34 = arith.constant 0 : index
    %swap3A_35 = arith.constant 10000 : index
    %swap3A_36 = arith.constant 0 : index
    %swap3A_37 = vector.load %arg4[%swap3A_34, %swap3A_35, %swap3A_36] : memref<2x10240x64xf32, #tpu.memory_space<vmem>>, vector<2x240x64xf32>
    tpu.vector_store %arg4[%swap3A_34, %swap3A_35, %swap3A_36], %broadcast_in_dim3A_33 {strides = array<i32>} : memref<2x10240x64xf32, #tpu.memory_space<vmem>>, vector<2x240x64xf32>,
    return
  }
}

module attributes {stable_mosaic.version = 14 : i64} {
  func.func @_combine_kernel(%arg0: i32, %arg1: memref<2x1280x64xf32, #tpu.memory_space<vmem>>, %arg2: memref<2x1280x64xf32, #tpu.memory_space<vmem>>, %arg3: memref<1280x1xf32, #tpu.memory_space<vmem>>, %arg4: memref<1x128xf32, #tpu.memory_space<vmem>>, %arg5: memref<1280x128xf32, #tpu.memory_space<vmem>>, %arg6: memref<2x128xf32, #tpu.memory_space<vmem>>, %arg7: memref<2x128xf32, #tpu.memory_space<vmem>>) attributes {dimension_semantics = [#tpu.dimension_semantics<arbitrary>], iteration_bounds = array<i64: 8>, scalar_prefetch = 0 : i64, scratch_operands = 1 : i64, tpu.core_type = #tpu.core_type<tc>, window_params = [{transform_indices = @transform_0, window_bounds = array<i64: 2, 1280, 64>}, {transform_indices = @transform_1, window_bounds = array<i64: 2, 1280, 64>}, {transform_indices = @transform_2, window_bounds = array<i64: 1280, 1>}, {pipeline_mode = #tpu.pipeline_mode<synchronous>, transform_indices = @transform_3, window_bounds = array<i64: 1, 128>}, {transform_indices = @transform_4, window_bounds = array<i64: 1280, 128>}, {pipeline_mode = #tpu.pipeline_mode<synchronous>, transform_indices = @transform_5, window_bounds = array<i64: 2, 128>}]} {
    %get3A = arith.constant 0 : index
    %get3A_0 = arith.constant 0 : index
    %get3A_1 = arith.constant 0 : index
    %get3A_2 = vector.load %arg1[%get3A, %get3A_0, %get3A_1] : memref<2x1280x64xf32, #tpu.memory_space<vmem>>, vector<1x1280x64xf32>
    %get3A_3 = vector.shape_cast %get3A_2 : vector<1x1280x64xf32> to vector<1280x64xf32>
    %get3A_4 = arith.constant 0 : index
    %get3A_5 = arith.constant 0 : index
    %get3A_6 = arith.constant 0 : index
    %get3A_7 = vector.load %arg2[%get3A_4, %get3A_5, %get3A_6] : memref<2x1280x64xf32, #tpu.memory_space<vmem>>, vector<1x1280x64xf32>
    %get3A_8 = vector.shape_cast %get3A_7 : vector<1x1280x64xf32> to vector<1280x64xf32>
    %add3A = arith.addf %get3A_3, %get3A_8 : vector<1280x64xf32>
    %get3A_9 = arith.constant 1 : index
    %get3A_10 = arith.constant 0 : index
    %get3A_11 = arith.constant 0 : index
    %get3A_12 = vector.load %arg1[%get3A_9, %get3A_10, %get3A_11] : memref<2x1280x64xf32, #tpu.memory_space<vmem>>, vector<1x1280x64xf32>
    %get3A_13 = vector.shape_cast %get3A_12 : vector<1x1280x64xf32> to vector<1280x64xf32>
    %get3A_14 = arith.constant 1 : index
    %get3A_15 = arith.constant 0 : index
    %get3A_16 = arith.constant 0 : index
    %get3A_17 = vector.load %arg2[%get3A_14, %get3A_15, %get3A_16] : memref<2x1280x64xf32, #tpu.memory_space<vmem>>, vector<1x1280x64xf32>
    %get3A_18 = vector.shape_cast %get3A_17 : vector<1x1280x64xf32> to vector<1280x64xf32>
    %add3A_19 = arith.addf %get3A_13, %get3A_18 : vector<1280x64xf32>
    %concatenate3A = tpu.concatenate %add3A, %add3A_19 in 1 : vector<1280x64xf32>, vector<1280x64xf32> -> vector<1280x128xf32>
    %get3A_20 = arith.constant 0 : index
    %get3A_21 = arith.constant 0 : index
    %get3A_22 = vector.load %arg3[%get3A_20, %get3A_21] : memref<1280x1xf32, #tpu.memory_space<vmem>>, vector<1280x1xf32>
    %mul3A = vector.broadcast %get3A_22 : vector<1280x1xf32> to vector<1280x128xf32>
    %mul3A_23 = arith.mulf %mul3A, %concatenate3A : vector<1280x128xf32>
    %get3A_24 = arith.constant 0 : index
    %get3A_25 = arith.constant 0 : index
    %get3A_26 = vector.load %arg4[%get3A_24, %get3A_25] : memref<1x128xf32, #tpu.memory_space<vmem>>, vector<1x128xf32>
    %add3A_27 = vector.broadcast %get3A_26 : vector<1x128xf32> to vector<1280x128xf32>
    %add3A_28 = arith.addf %mul3A_23, %add3A_27 : vector<1280x128xf32>
    %swap3A = arith.constant 0 : index
    %swap3A_29 = arith.constant 0 : index
    %swap3A_30 = vector.load %arg5[%swap3A, %swap3A_29] : memref<1280x128xf32, #tpu.memory_space<vmem>>, vector<1280x128xf32>
    tpu.vector_store %arg5[%swap3A, %swap3A_29], %add3A_28 {strides = array<i32>} : memref<1280x128xf32, #tpu.memory_space<vmem>>, vector<1280x128xf32>,
    %mul3A_31 = arith.constant 1280 : i32
    %mul3A_32 = arith.muli %arg0, %mul3A_31 : i32
    %iota3A = tpu.iota {dimensions = array<i32: 0>} : vector<1280x1xi32>
    %add3A_33 = vector.broadcast %mul3A_32 : i32 to vector<1280x1xi32>
    %add3A_34 = arith.addi %add3A_33, %iota3A : vector<1280x1xi32>
    %lt3A = arith.constant 10000 : i32
    %lt3A_35 = vector.broadcast %lt3A : i32 to vector<1280x1xi32>
    %lt3A_36 = arith.cmpi slt, %add3A_34, %lt3A_35 : vector<1280x1xi32>
    %jit3A = arith.constant 0.000000e+00 : f32
    %broadcast_in_dim3A = vector.shape_cast %lt3A_36 : vector<1280x1xi1> to vector<1280x1xi1>
    %broadcast_in_dim3A_37 = vector.broadcast %broadcast_in_dim3A : vector<1280x1xi1> to vector<1280x128xi1>
    %broadcast_in_dim3A_38 = vector.broadcast %jit3A : f32 to vector<1280x128xf32>
    %select_n3A = arith.select %broadcast_in_dim3A_37, %add3A_28, %broadcast_in_dim3A_38 : vector<1280x128xi1>, vector<1280x128xf32>
    %reduce_sum3A = arith.constant dense<0.000000e+00> : vector<128xf32>
    %reduce_sum3A_39 = vector.multi_reduction <add>, %select_n3A, %reduce_sum3A [0] : vector<1280x128xf32> to vector<128xf32>
    %broadcast_in_dim3A_40 = vector.shape_cast %reduce_sum3A_39 : vector<128xf32> to vector<1x128xf32>
    %mul3A_41 = arith.mulf %add3A_28, %add3A_28 : vector<1280x128xf32>
    %jit3A_42 = arith.constant 0.000000e+00 : f32
    %broadcast_in_dim3A_43 = vector.shape_cast %lt3A_36 : vector<1280x1xi1> to vector<1280x1xi1>
    %broadcast_in_dim3A_44 = vector.broadcast %broadcast_in_dim3A_43 : vector<1280x1xi1> to vector<1280x128xi1>
    %broadcast_in_dim3A_45 = vector.broadcast %jit3A_42 : f32 to vector<1280x128xf32>
    %select_n3A_46 = arith.select %broadcast_in_dim3A_44, %mul3A_41, %broadcast_in_dim3A_45 : vector<1280x128xi1>, vector<1280x128xf32>
    %reduce_sum3A_47 = arith.constant dense<0.000000e+00> : vector<128xf32>
    %reduce_sum3A_48 = vector.multi_reduction <add>, %select_n3A_46, %reduce_sum3A_47 [0] : vector<1280x128xf32> to vector<128xf32>
    %broadcast_in_dim3A_49 = vector.shape_cast %reduce_sum3A_48 : vector<128xf32> to vector<1x128xf32>
    %eq3A = arith.constant 0 : i32
    %eq3A_50 = arith.cmpi eq, %arg0, %eq3A : i32
    %convert_element_type3A = arith.extui %eq3A_50 : i1 to i32
    %cond3A = arith.constant 0 : i32
    %cond3A_51 = arith.cmpi ne, %convert_element_type3A, %cond3A : i32
    scf.if %cond3A_51 {
      %broadcast_in_dim3A_71 = arith.constant 0.000000e+00 : f32
      %broadcast_in_dim3A_72 = vector.broadcast %broadcast_in_dim3A_71 : f32 to vector<2x128xf32>
      %swap3A_73 = arith.constant 0 : index
      %swap3A_74 = arith.constant 0 : index
      %swap3A_75 = vector.load %arg7[%swap3A_73, %swap3A_74] : memref<2x128xf32, #tpu.memory_space<vmem>>, vector<2x128xf32>
      tpu.vector_store %arg7[%swap3A_73, %swap3A_74], %broadcast_in_dim3A_72 {strides = array<i32>} : memref<2x128xf32, #tpu.memory_space<vmem>>, vector<2x128xf32>,
    } else {
    }
    %get3A_52 = arith.constant 0 : index
    %get3A_53 = arith.constant 0 : index
    %get3A_54 = vector.load %arg7[%get3A_52, %get3A_53] : memref<2x128xf32, #tpu.memory_space<vmem>>, vector<1x128xf32>
    %add3A_55 = arith.addf %get3A_54, %broadcast_in_dim3A_40 : vector<1x128xf32>
    %swap3A_56 = arith.constant 0 : index
    %swap3A_57 = arith.constant 0 : index
    %swap3A_58 = vector.load %arg7[%swap3A_56, %swap3A_57] : memref<2x128xf32, #tpu.memory_space<vmem>>, vector<1x128xf32>
    tpu.vector_store %arg7[%swap3A_56, %swap3A_57], %add3A_55 {strides = array<i32>} : memref<2x128xf32, #tpu.memory_space<vmem>>, vector<1x128xf32>,
    %get3A_59 = arith.constant 1 : index
    %get3A_60 = arith.constant 0 : index
    %get3A_61 = vector.load %arg7[%get3A_59, %get3A_60] : memref<2x128xf32, #tpu.memory_space<vmem>>, vector<1x128xf32>
    %add3A_62 = arith.addf %get3A_61, %broadcast_in_dim3A_49 : vector<1x128xf32>
    %swap3A_63 = arith.constant 1 : index
    %swap3A_64 = arith.constant 0 : index
    %swap3A_65 = vector.load %arg7[%swap3A_63, %swap3A_64] : memref<2x128xf32, #tpu.memory_space<vmem>>, vector<1x128xf32>
    tpu.vector_store %arg7[%swap3A_63, %swap3A_64], %add3A_62 {strides = array<i32>} : memref<2x128xf32, #tpu.memory_space<vmem>>, vector<1x128xf32>,
    %eq3A_66 = arith.constant 7 : i32
    %eq3A_67 = arith.cmpi eq, %arg0, %eq3A_66 : i32
    %convert_element_type3A_68 = arith.extui %eq3A_67 : i1 to i32
    %cond3A_69 = arith.constant 0 : i32
    %cond3A_70 = arith.cmpi ne, %convert_element_type3A_68, %cond3A_69 : i32
    scf.if %cond3A_70 {
      %get3A_71 = arith.constant 0 : index
      %get3A_72 = arith.constant 0 : index
      %get3A_73 = vector.load %arg7[%get3A_71, %get3A_72] : memref<2x128xf32, #tpu.memory_space<vmem>>, vector<2x128xf32>
      %swap3A_74 = arith.constant 0 : index
      %swap3A_75 = arith.constant 0 : index
      %swap3A_76 = vector.load %arg6[%swap3A_74, %swap3A_75] : memref<2x128xf32, #tpu.memory_space<vmem>>, vector<2x128xf32>
      tpu.vector_store %arg6[%swap3A_74, %swap3A_75], %get3A_73 {strides = array<i32>} : memref<2x128xf32, #tpu.memory_space<vmem>>, vector<2x128xf32>,
    } else {
    }
    return
  }
  func.func @transform_0(%arg0: i32) -> (i32, i32, i32) {
    %c0_i32 = arith.constant 0 : i32
    %c0_i32_0 = arith.constant 0 : i32
    %c0_i32_1 = arith.constant 0 : i32
    return %c0_i32, %arg0, %c0_i32_0 : i32, i32, i32
  }
  func.func @transform_1(%arg0: i32) -> (i32, i32, i32) {
    %c0_i32 = arith.constant 0 : i32
    %c0_i32_0 = arith.constant 0 : i32
    %c0_i32_1 = arith.constant 0 : i32
    return %c0_i32, %arg0, %c0_i32_0 : i32, i32, i32
  }
  func.func @transform_2(%arg0: i32) -> (i32, i32) {
    %c0_i32 = arith.constant 0 : i32
    %c0_i32_0 = arith.constant 0 : i32
    return %arg0, %c0_i32 : i32, i32
  }
  func.func @transform_3(%arg0: i32) -> (i32, i32) {
    %c0_i32 = arith.constant 0 : i32
    %c0_i32_0 = arith.constant 0 : i32
    %c0_i32_1 = arith.constant 0 : i32
    return %c0_i32, %c0_i32_0 : i32, i32
  }
  func.func @transform_4(%arg0: i32) -> (i32, i32) {
    %c0_i32 = arith.constant 0 : i32
    %c0_i32_0 = arith.constant 0 : i32
    return %arg0, %c0_i32 : i32, i32
  }
  func.func @transform_5(%arg0: i32) -> (i32, i32) {
    %c0_i32 = arith.constant 0 : i32
    %c0_i32_0 = arith.constant 0 : i32
    %c0_i32_1 = arith.constant 0 : i32
    return %c0_i32, %c0_i32_0 : i32, i32
  }
}

module attributes {stable_mosaic.version = 14 : i64} {
  func.func @_bnmm_kernel(%arg0: i32, %arg1: memref<1280x128xf32, #tpu.memory_space<vmem>>, %arg2: memref<2x128xf32, #tpu.memory_space<vmem>>, %arg3: memref<1280x1xf32, #tpu.memory_space<vmem>>, %arg4: memref<1x128xf32, #tpu.memory_space<vmem>>, %arg5: memref<1x128xf32, #tpu.memory_space<vmem>>, %arg6: memref<128x128xf32, #tpu.memory_space<vmem>>, %arg7: memref<2x1280x64xf32, #tpu.memory_space<vmem>>) attributes {dimension_semantics = [#tpu.dimension_semantics<arbitrary>], iteration_bounds = array<i64: 8>, scalar_prefetch = 0 : i64, scratch_operands = 0 : i64, tpu.core_type = #tpu.core_type<tc>, window_params = [{transform_indices = @transform_0, window_bounds = array<i64: 1280, 128>}, {pipeline_mode = #tpu.pipeline_mode<synchronous>, transform_indices = @transform_1, window_bounds = array<i64: 2, 128>}, {transform_indices = @transform_2, window_bounds = array<i64: 1280, 1>}, {pipeline_mode = #tpu.pipeline_mode<synchronous>, transform_indices = @transform_3, window_bounds = array<i64: 1, 128>}, {pipeline_mode = #tpu.pipeline_mode<synchronous>, transform_indices = @transform_4, window_bounds = array<i64: 1, 128>}, {pipeline_mode = #tpu.pipeline_mode<synchronous>, transform_indices = @transform_5, window_bounds = array<i64: 128, 128>}, {transform_indices = @transform_6, window_bounds = array<i64: 2, 1280, 64>}]} {
    %get3A = arith.constant 0 : index
    %get3A_0 = arith.constant 0 : index
    %get3A_1 = vector.load %arg2[%get3A, %get3A_0] : memref<2x128xf32, #tpu.memory_space<vmem>>, vector<1x128xf32>
    %div3A = arith.constant 1.000000e+04 : f32
    %div3A_2 = vector.broadcast %div3A : f32 to vector<1x128xf32>
    %div3A_3 = arith.divf %get3A_1, %div3A_2 : vector<1x128xf32>
    %get3A_4 = arith.constant 1 : index
    %get3A_5 = arith.constant 0 : index
    %get3A_6 = vector.load %arg2[%get3A_4, %get3A_5] : memref<2x128xf32, #tpu.memory_space<vmem>>, vector<1x128xf32>
    %div3A_7 = arith.constant 1.000000e+04 : f32
    %div3A_8 = vector.broadcast %div3A_7 : f32 to vector<1x128xf32>
    %div3A_9 = arith.divf %get3A_6, %div3A_8 : vector<1x128xf32>
    %mul3A = arith.mulf %div3A_3, %div3A_3 : vector<1x128xf32>
    %sub3A = arith.subf %div3A_9, %mul3A : vector<1x128xf32>
    %add3A = arith.constant 9.99999974E-6 : f32
    %add3A_10 = vector.broadcast %add3A : f32 to vector<1x128xf32>
    %add3A_11 = arith.addf %sub3A, %add3A_10 : vector<1x128xf32>
    %rsqrt3A = math.rsqrt %add3A_11 : vector<1x128xf32>
    %get3A_12 = arith.constant 0 : index
    %get3A_13 = arith.constant 0 : index
    %get3A_14 = vector.load %arg1[%get3A_12, %get3A_13] : memref<1280x128xf32, #tpu.memory_space<vmem>>, vector<1280x128xf32>
    %sub3A_15 = vector.broadcast %div3A_3 : vector<1x128xf32> to vector<1280x128xf32>
    %sub3A_16 = arith.subf %get3A_14, %sub3A_15 : vector<1280x128xf32>
    %mul3A_17 = vector.broadcast %rsqrt3A : vector<1x128xf32> to vector<1280x128xf32>
    %mul3A_18 = arith.mulf %sub3A_16, %mul3A_17 : vector<1280x128xf32>
    %get3A_19 = arith.constant 0 : index
    %get3A_20 = arith.constant 0 : index
    %get3A_21 = vector.load %arg4[%get3A_19, %get3A_20] : memref<1x128xf32, #tpu.memory_space<vmem>>, vector<1x128xf32>
    %mul3A_22 = vector.broadcast %get3A_21 : vector<1x128xf32> to vector<1280x128xf32>
    %mul3A_23 = arith.mulf %mul3A_18, %mul3A_22 : vector<1280x128xf32>
    %get3A_24 = arith.constant 0 : index
    %get3A_25 = arith.constant 0 : index
    %get3A_26 = vector.load %arg5[%get3A_24, %get3A_25] : memref<1x128xf32, #tpu.memory_space<vmem>>, vector<1x128xf32>
    %add3A_27 = vector.broadcast %get3A_26 : vector<1x128xf32> to vector<1280x128xf32>
    %add3A_28 = arith.addf %mul3A_23, %add3A_27 : vector<1280x128xf32>
    %max3A = arith.constant 0.000000e+00 : f32
    %max3A_29 = vector.broadcast %max3A : f32 to vector<1280x128xf32>
    %max3A_30 = arith.maximumf %add3A_28, %max3A_29 : vector<1280x128xf32>
    %get3A_31 = arith.constant 0 : index
    %get3A_32 = arith.constant 0 : index
    %get3A_33 = vector.load %arg3[%get3A_31, %get3A_32] : memref<1280x1xf32, #tpu.memory_space<vmem>>, vector<1280x1xf32>
    %get3A_34 = arith.constant 0 : index
    %get3A_35 = arith.constant 0 : index
    %get3A_36 = vector.load %arg6[%get3A_34, %get3A_35] : memref<128x128xf32, #tpu.memory_space<vmem>>, vector<128x128xf32>
    %dot_general3A = arith.constant dense<0.000000e+00> : vector<1280x128xf32>
    %dot_general3A_37 = tpu.matmul %max3A_30, %get3A_36, %dot_general3A {dimension_numbers = #tpu.dot_dimension_numbers<[1], [0], [0], [1], [0, 0, 1, 1], [], []>, transpose_lhs_hint = false} : vector<1280x128xf32>, vector<128x128xf32>, vector<1280x128xf32> -> vector<1280x128xf32>
    %mul3A_38 = vector.broadcast %get3A_33 : vector<1280x1xf32> to vector<1280x128xf32>
    %mul3A_39 = arith.mulf %mul3A_38, %dot_general3A_37 : vector<1280x128xf32>
    %slice3A = vector.extract_strided_slice %mul3A_39 {offsets = [0, 0], sizes = [1280, 64], strides = [1, 1]} : vector<1280x128xf32> to vector<1280x64xf32>
    %swap3A = arith.constant 0 : index
    %swap3A_40 = arith.constant 0 : index
    %swap3A_41 = arith.constant 0 : index
    %swap3A_42 = vector.load %arg7[%swap3A, %swap3A_40, %swap3A_41] : memref<2x1280x64xf32, #tpu.memory_space<vmem>>, vector<1x1280x64xf32>
    %swap3A_43 = vector.shape_cast %swap3A_42 : vector<1x1280x64xf32> to vector<1280x64xf32>
    %swap3A_44 = vector.shape_cast %slice3A : vector<1280x64xf32> to vector<1x1280x64xf32>
    tpu.vector_store %arg7[%swap3A, %swap3A_40, %swap3A_41], %swap3A_44 {strides = array<i32>} : memref<2x1280x64xf32, #tpu.memory_space<vmem>>, vector<1x1280x64xf32>,
    %slice3A_45 = vector.extract_strided_slice %mul3A_39 {offsets = [0, 64], sizes = [1280, 64], strides = [1, 1]} : vector<1280x128xf32> to vector<1280x64xf32>
    %swap3A_46 = arith.constant 1 : index
    %swap3A_47 = arith.constant 0 : index
    %swap3A_48 = arith.constant 0 : index
    %swap3A_49 = vector.load %arg7[%swap3A_46, %swap3A_47, %swap3A_48] : memref<2x1280x64xf32, #tpu.memory_space<vmem>>, vector<1x1280x64xf32>
    %swap3A_50 = vector.shape_cast %swap3A_49 : vector<1x1280x64xf32> to vector<1280x64xf32>
    %swap3A_51 = vector.shape_cast %slice3A_45 : vector<1280x64xf32> to vector<1x1280x64xf32>
    tpu.vector_store %arg7[%swap3A_46, %swap3A_47, %swap3A_48], %swap3A_51 {strides = array<i32>} : memref<2x1280x64xf32, #tpu.memory_space<vmem>>, vector<1x1280x64xf32>,
    return
  }
  func.func @transform_0(%arg0: i32) -> (i32, i32) {
    %c0_i32 = arith.constant 0 : i32
    %c0_i32_0 = arith.constant 0 : i32
    return %arg0, %c0_i32 : i32, i32
  }
  func.func @transform_1(%arg0: i32) -> (i32, i32) {
    %c0_i32 = arith.constant 0 : i32
    %c0_i32_0 = arith.constant 0 : i32
    %c0_i32_1 = arith.constant 0 : i32
    return %c0_i32, %c0_i32_0 : i32, i32
  }
  func.func @transform_2(%arg0: i32) -> (i32, i32) {
    %c0_i32 = arith.constant 0 : i32
    %c0_i32_0 = arith.constant 0 : i32
    return %arg0, %c0_i32 : i32, i32
  }
  func.func @transform_3(%arg0: i32) -> (i32, i32) {
    %c0_i32 = arith.constant 0 : i32
    %c0_i32_0 = arith.constant 0 : i32
    %c0_i32_1 = arith.constant 0 : i32
    return %c0_i32, %c0_i32_0 : i32, i32
  }
  func.func @transform_4(%arg0: i32) -> (i32, i32) {
    %c0_i32 = arith.constant 0 : i32
    %c0_i32_0 = arith.constant 0 : i32
    %c0_i32_1 = arith.constant 0 : i32
    return %c0_i32, %c0_i32_0 : i32, i32
  }
  func.func @transform_5(%arg0: i32) -> (i32, i32) {
    %c0_i32 = arith.constant 0 : i32
    %c0_i32_0 = arith.constant 0 : i32
    %c0_i32_1 = arith.constant 0 : i32
    return %c0_i32, %c0_i32_0 : i32, i32
  }
  func.func @transform_6(%arg0: i32) -> (i32, i32, i32) {
    %c0_i32 = arith.constant 0 : i32
    %c0_i32_0 = arith.constant 0 : i32
    %c0_i32_1 = arith.constant 0 : i32
    return %c0_i32, %arg0, %c0_i32_0 : i32, i32, i32
  }
}

module attributes {stable_mosaic.version = 14 : i64} {
  func.func @_final_kernel(%arg0: memref<10240x128xf32, #tpu.memory_space<vmem>>, %arg1: memref<2x128xf32, #tpu.memory_space<vmem>>, %arg2: memref<1x128xf32, #tpu.memory_space<vmem>>, %arg3: memref<1x128xf32, #tpu.memory_space<vmem>>, %arg4: memref<10240x1xi32, #tpu.memory_space<vmem>>, %arg5: memref<128x256xf32, #tpu.memory_space<vmem>>, %arg6: memref<1x256xf32, #tpu.memory_space<vmem>>, %arg7: memref<256x256xf32, #tpu.memory_space<vmem>>, %arg8: memref<1x256xf32, #tpu.memory_space<vmem>>, %arg9: memref<256x256xf32, #tpu.memory_space<vmem>>, %arg10: memref<1x256xf32, #tpu.memory_space<vmem>>, %arg11: memref<256x9xf32, #tpu.memory_space<vmem>>, %arg12: memref<1x9xf32, #tpu.memory_space<vmem>>, %arg13: memref<64x9xf32, #tpu.memory_space<vmem>>) attributes {dimension_semantics = [], scalar_prefetch = 0 : i64, scratch_operands = 0 : i64, tpu.core_type = #tpu.core_type<tc>} {
    %get3A = arith.constant 0 : index
    %get3A_0 = arith.constant 0 : index
    %get3A_1 = vector.load %arg0[%get3A, %get3A_0] : memref<10240x128xf32, #tpu.memory_space<vmem>>, vector<10240x128xf32>
    %get3A_2 = arith.constant 0 : index
    %get3A_3 = arith.constant 0 : index
    %get3A_4 = vector.load %arg1[%get3A_2, %get3A_3] : memref<2x128xf32, #tpu.memory_space<vmem>>, vector<1x128xf32>
    %div3A = arith.constant 1.000000e+04 : f32
    %div3A_5 = vector.broadcast %div3A : f32 to vector<1x128xf32>
    %div3A_6 = arith.divf %get3A_4, %div3A_5 : vector<1x128xf32>
    %get3A_7 = arith.constant 1 : index
    %get3A_8 = arith.constant 0 : index
    %get3A_9 = vector.load %arg1[%get3A_7, %get3A_8] : memref<2x128xf32, #tpu.memory_space<vmem>>, vector<1x128xf32>
    %div3A_10 = arith.constant 1.000000e+04 : f32
    %div3A_11 = vector.broadcast %div3A_10 : f32 to vector<1x128xf32>
    %div3A_12 = arith.divf %get3A_9, %div3A_11 : vector<1x128xf32>
    %mul3A = arith.mulf %div3A_6, %div3A_6 : vector<1x128xf32>
    %sub3A = arith.subf %div3A_12, %mul3A : vector<1x128xf32>
    %add3A = arith.constant 9.99999974E-6 : f32
    %add3A_13 = vector.broadcast %add3A : f32 to vector<1x128xf32>
    %add3A_14 = arith.addf %sub3A, %add3A_13 : vector<1x128xf32>
    %rsqrt3A = math.rsqrt %add3A_14 : vector<1x128xf32>
    %sub3A_15 = vector.broadcast %div3A_6 : vector<1x128xf32> to vector<10240x128xf32>
    %sub3A_16 = arith.subf %get3A_1, %sub3A_15 : vector<10240x128xf32>
    %mul3A_17 = vector.broadcast %rsqrt3A : vector<1x128xf32> to vector<10240x128xf32>
    %mul3A_18 = arith.mulf %sub3A_16, %mul3A_17 : vector<10240x128xf32>
    %get3A_19 = arith.constant 0 : index
    %get3A_20 = arith.constant 0 : index
    %get3A_21 = vector.load %arg2[%get3A_19, %get3A_20] : memref<1x128xf32, #tpu.memory_space<vmem>>, vector<1x128xf32>
    %mul3A_22 = vector.broadcast %get3A_21 : vector<1x128xf32> to vector<10240x128xf32>
    %mul3A_23 = arith.mulf %mul3A_18, %mul3A_22 : vector<10240x128xf32>
    %get3A_24 = arith.constant 0 : index
    %get3A_25 = arith.constant 0 : index
    %get3A_26 = vector.load %arg3[%get3A_24, %get3A_25] : memref<1x128xf32, #tpu.memory_space<vmem>>, vector<1x128xf32>
    %add3A_27 = vector.broadcast %get3A_26 : vector<1x128xf32> to vector<10240x128xf32>
    %add3A_28 = arith.addf %mul3A_23, %add3A_27 : vector<10240x128xf32>
    %iota3A = tpu.iota {dimensions = array<i32: 1>} : vector<10240x64xi32>
    %get3A_29 = arith.constant 0 : index
    %get3A_30 = arith.constant 0 : index
    %get3A_31 = vector.load %arg4[%get3A_29, %get3A_30] : memref<10240x1xi32, #tpu.memory_space<vmem>>, vector<10240x1xi32>
    %eq3A = vector.broadcast %get3A_31 : vector<10240x1xi32> to vector<10240x64xi32>
    %eq3A_32 = arith.cmpi eq, %eq3A, %iota3A : vector<10240x64xi32>
    %jit3A = arith.constant 1.000000e+00 : f32
    %jit3A_33 = arith.constant 0.000000e+00 : f32
    %broadcast_in_dim3A = vector.broadcast %jit3A : f32 to vector<10240x64xf32>
    %broadcast_in_dim3A_34 = vector.broadcast %jit3A_33 : f32 to vector<10240x64xf32>
    %select_n3A = arith.select %eq3A_32, %broadcast_in_dim3A, %broadcast_in_dim3A_34 : vector<10240x64xi1>, vector<10240x64xf32>
    %dot_general3A = arith.constant dense<0.000000e+00> : vector<64x128xf32>
    %dot_general3A_35 = tpu.matmul %select_n3A, %add3A_28, %dot_general3A {dimension_numbers = #tpu.dot_dimension_numbers<[0], [0], [1], [1], [0, 1, 1, 1], [], []>, transpose_lhs_hint = false} : vector<10240x64xf32>, vector<10240x128xf32>, vector<64x128xf32> -> vector<64x128xf32>
    %broadcast_in_dim3A_36 = arith.constant 1.000000e+00 : f32
    %broadcast_in_dim3A_37 = vector.broadcast %broadcast_in_dim3A_36 : f32 to vector<10240x1xf32>
    %dot_general3A_38 = arith.constant dense<0.000000e+00> : vector<64x1xf32>
    %dot_general3A_39 = tpu.matmul %select_n3A, %broadcast_in_dim3A_37, %dot_general3A_38 {dimension_numbers = #tpu.dot_dimension_numbers<[0], [0], [1], [1], [0, 1, 1, 1], [], []>, transpose_lhs_hint = false} : vector<10240x64xf32>, vector<10240x1xf32>, vector<64x1xf32> -> vector<64x1xf32>
    %max3A = arith.constant 1.000000e+00 : f32
    %max3A_40 = vector.broadcast %max3A : f32 to vector<64x1xf32>
    %max3A_41 = arith.maximumf %dot_general3A_39, %max3A_40 : vector<64x1xf32>
    %div3A_42 = vector.broadcast %max3A_41 : vector<64x1xf32> to vector<64x128xf32>
    %div3A_43 = arith.divf %dot_general3A_35, %div3A_42 : vector<64x128xf32>
    %get3A_44 = arith.constant 0 : index
    %get3A_45 = arith.constant 0 : index
    %get3A_46 = vector.load %arg5[%get3A_44, %get3A_45] : memref<128x256xf32, #tpu.memory_space<vmem>>, vector<128x256xf32>
    %dot_general3A_47 = arith.constant dense<0.000000e+00> : vector<64x256xf32>
    %dot_general3A_48 = tpu.matmul %div3A_43, %get3A_46, %dot_general3A_47 {dimension_numbers = #tpu.dot_dimension_numbers<[1], [0], [0], [1], [0, 0, 1, 1], [], []>, transpose_lhs_hint = false} : vector<64x128xf32>, vector<128x256xf32>, vector<64x256xf32> -> vector<64x256xf32>
    %get3A_49 = arith.constant 0 : index
    %get3A_50 = arith.constant 0 : index
    %get3A_51 = vector.load %arg6[%get3A_49, %get3A_50] : memref<1x256xf32, #tpu.memory_space<vmem>>, vector<1x256xf32>
    %add3A_52 = vector.broadcast %get3A_51 : vector<1x256xf32> to vector<64x256xf32>
    %add3A_53 = arith.addf %dot_general3A_48, %add3A_52 : vector<64x256xf32>
    %max3A_54 = arith.constant 0.000000e+00 : f32
    %max3A_55 = vector.broadcast %max3A_54 : f32 to vector<64x256xf32>
    %max3A_56 = arith.maximumf %add3A_53, %max3A_55 : vector<64x256xf32>
    %get3A_57 = arith.constant 0 : index
    %get3A_58 = arith.constant 0 : index
    %get3A_59 = vector.load %arg7[%get3A_57, %get3A_58] : memref<256x256xf32, #tpu.memory_space<vmem>>, vector<256x256xf32>
    %dot_general3A_60 = arith.constant dense<0.000000e+00> : vector<64x256xf32>
    %dot_general3A_61 = tpu.matmul %max3A_56, %get3A_59, %dot_general3A_60 {dimension_numbers = #tpu.dot_dimension_numbers<[1], [0], [0], [1], [0, 0, 1, 1], [], []>, transpose_lhs_hint = false} : vector<64x256xf32>, vector<256x256xf32>, vector<64x256xf32> -> vector<64x256xf32>
    %get3A_62 = arith.constant 0 : index
    %get3A_63 = arith.constant 0 : index
    %get3A_64 = vector.load %arg8[%get3A_62, %get3A_63] : memref<1x256xf32, #tpu.memory_space<vmem>>, vector<1x256xf32>
    %add3A_65 = vector.broadcast %get3A_64 : vector<1x256xf32> to vector<64x256xf32>
    %add3A_66 = arith.addf %dot_general3A_61, %add3A_65 : vector<64x256xf32>
    %max3A_67 = arith.constant 0.000000e+00 : f32
    %max3A_68 = vector.broadcast %max3A_67 : f32 to vector<64x256xf32>
    %max3A_69 = arith.maximumf %add3A_66, %max3A_68 : vector<64x256xf32>
    %get3A_70 = arith.constant 0 : index
    %get3A_71 = arith.constant 0 : index
    %get3A_72 = vector.load %arg9[%get3A_70, %get3A_71] : memref<256x256xf32, #tpu.memory_space<vmem>>, vector<256x256xf32>
    %dot_general3A_73 = arith.constant dense<0.000000e+00> : vector<64x256xf32>
    %dot_general3A_74 = tpu.matmul %max3A_69, %get3A_72, %dot_general3A_73 {dimension_numbers = #tpu.dot_dimension_numbers<[1], [0], [0], [1], [0, 0, 1, 1], [], []>, transpose_lhs_hint = false} : vector<64x256xf32>, vector<256x256xf32>, vector<64x256xf32> -> vector<64x256xf32>
    %get3A_75 = arith.constant 0 : index
    %get3A_76 = arith.constant 0 : index
    %get3A_77 = vector.load %arg10[%get3A_75, %get3A_76] : memref<1x256xf32, #tpu.memory_space<vmem>>, vector<1x256xf32>
    %add3A_78 = vector.broadcast %get3A_77 : vector<1x256xf32> to vector<64x256xf32>
    %add3A_79 = arith.addf %dot_general3A_74, %add3A_78 : vector<64x256xf32>
    %max3A_80 = arith.constant 0.000000e+00 : f32
    %max3A_81 = vector.broadcast %max3A_80 : f32 to vector<64x256xf32>
    %max3A_82 = arith.maximumf %add3A_79, %max3A_81 : vector<64x256xf32>
    %get3A_83 = arith.constant 0 : index
    %get3A_84 = arith.constant 0 : index
    %get3A_85 = vector.load %arg11[%get3A_83, %get3A_84] : memref<256x9xf32, #tpu.memory_space<vmem>>, vector<256x9xf32>
    %dot_general3A_86 = arith.constant dense<0.000000e+00> : vector<64x9xf32>
    %dot_general3A_87 = tpu.matmul %max3A_82, %get3A_85, %dot_general3A_86 {dimension_numbers = #tpu.dot_dimension_numbers<[1], [0], [0], [1], [0, 0, 1, 1], [], []>, transpose_lhs_hint = false} : vector<64x256xf32>, vector<256x9xf32>, vector<64x9xf32> -> vector<64x9xf32>
    %get3A_88 = arith.constant 0 : index
    %get3A_89 = arith.constant 0 : index
    %get3A_90 = vector.load %arg12[%get3A_88, %get3A_89] : memref<1x9xf32, #tpu.memory_space<vmem>>, vector<1x9xf32>
    %add3A_91 = vector.broadcast %get3A_90 : vector<1x9xf32> to vector<64x9xf32>
    %add3A_92 = arith.addf %dot_general3A_87, %add3A_91 : vector<64x9xf32>
    %swap3A = arith.constant 0 : index
    %swap3A_93 = arith.constant 0 : index
    %swap3A_94 = vector.load %arg13[%swap3A, %swap3A_93] : memref<64x9xf32, #tpu.memory_space<vmem>>, vector<64x9xf32>
    tpu.vector_store %arg13[%swap3A, %swap3A_93], %add3A_92 {strides = array<i32>} : memref<64x9xf32, #tpu.memory_space<vmem>>, vector<64x9xf32>,
    return
  }
}

</mosaic_0001>

<sc_bundles>
// kernel: kernel.13.cloned.1.call-start
scs
__scs_entry_jumppad:
0x0: {  	(pc) =	sbr.rel $0x88, $3  }
0x1: {  	(tag) =	ssettag $0x0;
	lr =	simm.s32 $0x1  }
0x2: {  	[smem:$0x3F8A] =	sst lr;
	_ =	strace $0xD0000000  }
0x3: {  	_ = 	snop  }
0x4: {  	_ = 	snop  }
0x5: {  	_ = 	snop  }
0x6: {  	_ = 	snop  }
0x7: {  	_ = 	snop  }
__scs_overlays_trampoline_lowered:
0x8: {  	[smem:$0x3F99] =	sst s0  }
0x9: {  	[smem:$0x3F9A] =	sst s1  }
0xa: {  	[smem:$0x3F9B] =	sst s2  }
0xb: {  	[smem:$0x3F9C] =	sst s3  }
0xc: {  	[smem:$0x3F9D] =	sst s4  }
0xd: {  	[smem:$0x3F9E] =	sst s5  }
0xe: {  	[smem:$0x3F9F] =	sst s6  }
0xf: {  	[smem:$0x3FA0] =	sst s7  }
0x10: {  	[smem:$0x3FA1] =	sst s8  }
0x11: {  	[smem:$0x3FA2] =	sst s9;
	s0 =	simm.s32 @!p0 $0x0  }
0x12: {  	s1 =	sld [smem:$0x3F88];
	s0 =	simm.s32 @p0 $0x1  }
0x13: {  	[smem:$0x3FA3] =	sst s0;
	s0 =	simm.s32 @!p1 $0x0  }
0x14: {  	s2 =	sld [smem:$0x3F87];
	s0 =	simm.s32 @p1 $0x1  }
0x15: {  	[smem:$0x3FA4] =	sst s0;
	s0 =	simm.s32 @!p2 $0x0  }
0x16: {  	s3 =	sld [smem:$0x3FDB];
	s0 =	simm.s32 @p2 $0x1  }
0x17: {  	s4 =	simm.s32 $0x1BF5;
	[smem:$0x3FA6] =	sst s0  }
0x18: {  	s0 =	sld [smem:$0x3F89];
	_ =	swait.ge [sflag:s4], $0x0  }
0x19: {  	s7 =	sld [smem:$0x3F8A]  }
0x1a: {  	s8 =	sadd.s32 $0xFFFFE003, lr  }
0x1b: {  	s9 =	sadd.s32 $0xFFFFFEF7, lr;
	s5 =	simm.s32 $0xFFFFFFFF;
	p2 =	slt.u32 s8, $0xFFFFF086  }
0x1c: {  	p1 =	slt.u32 s9, $0xF7A;
	s5 =	simm.s32 @!p2 $0x0  }
0x1d: {  	s5 =	simm.s32 @p1 $0x1;
	p0 =	seq.s32 s7, s2  }
0x1e: {  	s7 =	smul.u32 @!p0 $0xF7A, s2;
	p2 =	seq.s32 @!p0 s5, $0x0  }
0x1f: {  	s9 =	smul.u32 $0xF7A, s1;
	s8 =	simm.s32 @!p0 $0x1BF5;
	p2 =	por !p2, p0  }
0x20: {  	[sflag:s8] =	ssyncset.s32 @!p0 $0xFFFFF086;
	s6 =	sadd.s32 @!p0 s3, s7;
	s7 =	simm.s32 @!p0 $0x108  }
0x21: {  	s3 =	sadd.s32 s3, s9;
	s6 =	sadd.s32 @!p0 $0x88, s6;
	s7 =	simm.s32 @p2 $0x1082  }
0x22: {  	[simem:s7], [sflag:s8] =	dma.local @!p0 [hbm:s6], $0xF7A  }
0x23: {  	s9 =	sor.u32 $0xD0000000, s2;
	s6 =	simm.s32 $0x108;
	_ =	swait.ge @!p0 [sflag:s8], $0x0  }
0x24: {  	s3 =	sadd.s32 $0x88, s3;
	s6 =	simm.s32 @!p1 $0x1082;
	[sflag:s4] =	ssyncset.s32 $0xFFFFF086  }
0x25: {  	[simem:s6], [sflag:s4] =	dma.local [hbm:s3], $0xF7A  }
0x26: {  	[smem:$0x3F8A] =	sst s1;
	(tag) =	ssettag s2;
	_ =	strace s9  }
0x27: {  	s1 =	sld [smem:$0x3F9A]  }
0x28: {  	s2 =	sld [smem:$0x3F9B]  }
0x29: {  	s4 =	sld [smem:$0x3F9D]  }
0x2a: {  	p0 =	seq.s32 s5, $0x0;
	s5 =	sld [smem:$0x3F9E]  }
0x2b: {  	s6 =	sld [smem:$0x3F9F]  }
0x2c: {  	s7 =	sld [smem:$0x3FA0]  }
0x2d: {  	s3 =	simm.s32 $0x108;
	s8 =	sld [smem:$0x3FA1]  }
0x2e: {  	s3 =	simm.s32 @!p0 $0x1082;
	s9 =	sld [smem:$0x3FA2]  }
0x2f: {  	lr =	sadd.s32 s0, s3;
	s0 =	sld [smem:$0x3F99]  }
0x30: {  	s3 =	sld [smem:$0x3F9C]  }
0x31: {  	[smem:$0x3FA5] =	sst s10  }
0x32: {  	s10 =	sld [smem:$0x3FA3];
	_ =	sdelay $0x3  }
0x33: {  	p0 =	seq.s32 s10, $0x1;
	s10 =	sld [smem:$0x3FA5];
	_ =	sdelay $0x3  }
0x34: {  	[smem:$0x3FA5] =	sst s10  }
0x35: {  	s10 =	sld [smem:$0x3FA4];
	_ =	sdelay $0x3  }
0x36: {  	p1 =	seq.s32 s10, $0x1;
	s10 =	sld [smem:$0x3FA5];
	_ =	sdelay $0x3  }
0x37: {  	[smem:$0x3FA5] =	sst s10  }
0x38: {  	s10 =	sld [smem:$0x3FA6]  }
0x39: {  	_ = 	snop;
	(pc) =	sbr.ind lr, $3  }
0x3a: {  	_ = 	snop  }
0x3b: {  	_ = 	snop  }
0x3c: {  	p2 =	seq.s32 s10, $0x1;
	s10 =	sld [smem:$0x3FA5]  }
0x3d: {  	_ =	shalt  }
0x3e: {  	_ =	shalt  }
0x3f: {  	_ =	shalt  }
0x40: {  	_ =	shalt  }
0x41: {  	_ =	shalt  }
0x42: {  	_ =	shalt  }
0x43: {  	_ =	shalt  }
0x44: {  	_ =	shalt  }
0x45: {  	_ =	shalt  }
0x46: {  	_ =	shalt  }
0x47: {  	_ =	shalt  }
0x48: {  	_ =	shalt  }
0x49: {  	_ =	shalt  }
0x4a: {  	_ =	shalt  }
0x4b: {  	_ =	shalt  }
0x4c: {  	_ =	shalt  }
0x4d: {  	_ =	shalt  }
0x4e: {  	_ =	shalt  }
0x4f: {  	_ =	shalt  }
0x50: {  	_ =	shalt  }
0x51: {  	_ =	shalt  }
0x52: {  	_ =	shalt  }
0x53: {  	_ =	shalt  }
0x54: {  	_ =	shalt  }
0x55: {  	_ =	shalt  }
0x56: {  	_ =	shalt  }
0x57: {  	_ =	shalt  }
0x58: {  	_ =	shalt  }
0x59: {  	_ =	shalt  }
0x5a: {  	_ =	shalt  }
0x5b: {  	_ =	shalt  }
0x5c: {  	_ =	shalt  }
0x5d: {  	_ =	shalt  }
0x5e: {  	_ =	shalt  }
0x5f: {  	_ =	shalt  }
0x60: {  	_ =	shalt  }
0x61: {  	_ =	shalt  }
0x62: {  	_ =	shalt  }
0x63: {  	_ =	shalt  }
0x64: {  	_ =	shalt  }
0x65: {  	_ =	shalt  }
0x66: {  	_ =	shalt  }
0x67: {  	_ =	shalt  }
0x68: {  	_ =	shalt  }
0x69: {  	_ =	shalt  }
0x6a: {  	_ =	shalt  }
0x6b: {  	_ =	shalt  }
0x6c: {  	_ =	shalt  }
0x6d: {  	_ =	shalt  }
0x6e: {  	_ =	shalt  }
0x6f: {  	_ =	shalt  }
0x70: {  	_ =	shalt  }
0x71: {  	_ =	shalt  }
0x72: {  	_ =	shalt  }
0x73: {  	_ =	shalt  }
0x74: {  	_ =	shalt  }
0x75: {  	_ =	shalt  }
0x76: {  	_ =	shalt  }
0x77: {  	_ =	shalt  }
0x78: {  	_ =	shalt  }
0x79: {  	_ =	shalt  }
0x7a: {  	_ =	shalt  }
0x7b: {  	_ =	shalt  }
0x7c: {  	_ =	shalt  }
0x7d: {  	_ =	shalt  }
0x7e: {  	_ =	shalt  }
0x7f: {  	_ =	shalt  }
0x80: {  	_ =	shalt  }
0x81: {  	_ =	shalt  }
0x82: {  	_ =	shalt  }
0x83: {  	_ =	shalt  }
0x84: {  	_ =	shalt  }
0x85: {  	_ =	shalt  }
0x86: {  	_ =	shalt  }
0x87: {  	_ =	shalt  }
.Lfunc_end0:
.L_simem_size_0:
called_computation_lowered:
.L_overlay_start_0:
0x88: {  	s2 =	sld [smem:$0x3FD9]  }
0x89: {  	s3 =	sld [smem:$0x3FFE];
	_ =	sdelay $0x1  }
0x8a: {  	s1 =	srdreg.scid  }
0x8b: {  	s0 =	sand.u32 $0x1, s1  }
0x8c: {  	s16 =	sshll.u32 s0, $0xA;
	s2 =	sadd.s32 s3, s2  }
0x8d: {  	s2 =	sadd.s32 s2, s16  }
0x8e: {  	[smem:$0x3FB1] =	sst s2  }
0x8f: {  	_ = 	snop  }
0x90: {  	(tm) =	ssettm $0x1  }
0x91: {  	s17 =	sld [smem:$0x3FFB];
	_ =	sdelay $0x3  }
0x92: {  	_ =	strace s17  }
0x93: {  	s2 =	sld [smem:$0x3FFC];
	_ =	sdelay $0x3  }
0x94: {  	_ =	strace s2  }
0x95: {  	s2 =	sld [smem:$0x3FFD];
	_ =	sdelay $0x3  }
0x96: {  	_ =	strace s2  }
0x97: {  	_ =	strace $0x8FFFFFFF  }
0x98: {  	s18 =	sld [smem:$0x3FDB];
	_ =	sdelay $0x1  }
0x99: {  	s19 =	simm.s32 $_scs_section_size  }
0x9a: {  	s4 =	simm.s32 $_size__tile_overlayer_lowered;
	s5 =	simm.s32 $_tile_overlayer_lowered  }
0x9b: {  	s22 =	simm.s32 $0x1BFF;
	s21 =	sshll.u32 s5, $0x1;
	s2 =	sadd.s32 s19, s18  }
0x9c: {  	s6 =	simm.s32 $0x0;
	s20 =	sshll.u32 s4, $0x1;
	s4 =	sadd.s32 s21, s2  }
0x9d: {  	[timem:s6], [sflag:s22] =	dma.local [hbm:s4], s20  }
0x9e: {  	_ =	swait.ge [sflag:s22], s20  }
0x9f: {  	s3 =	ssub.s32 $0x0, s20;
	[sflag:s22] =	ssyncset.done $0x0  }
0xa0: {  	[sflag:s22] =	ssyncadd.s32 s3;
	_ =	sdelay $0x1  }
0xa1: {  	s23 =	simm.s32 $0x1B8B  }
0xa2: {  	_ =	swait.ge [sflag:s23], $0x1  }
0xa3: {  	[sflag:s23] =	ssyncset.done $0x0  }
0xa4: {  	s25 =	simm.s32 $0x1B8E;
	s24 =	sld [smem:$0x3FFE];
	[sflag:s23] =	ssyncadd.s32 $0xFFFFFFFF  }
0xa5: {  	s26 =	simm.s32 $execute0_lowered;
	[smem:$0x3FD2] =	sst s25  }
0xa6: {  	s4 =	sshll.u32 s26, $0x1;
	_ =	strace $0x80000046;
	[dreg:$0x1] =	wrdreg $0xFFFFFFFF  }
0xa7: {  	s28 =	simm.s32 $_size_execute0_lowered;
	s2 =	sadd.s32 s2, s4;
	[dreg:$0x0] =	wrdreg $0x0  }
0xa8: {  	s4 =	sshll.u32 s28, $0x1;
	[dreg:$0x2] =	wrdreg s2  }
0xa9: {  	[dreg:$0x3] =	wrdreg s4  }
0xaa: {  	[dreg:$0x4] =	wrdreg $0xC0  }
0xab: {  	_ =	task [dreg:s6], $0x5FFFF  }
0xac: {  	[dreg:$0x1] =	wrdreg $0xFFFFFFFF  }
0xad: {  	[dreg:$0x0] =	wrdreg $0x60  }
0xae: {  	[dreg:$0x2] =	wrdreg s24  }
0xaf: {  	[dreg:$0x3] =	wrdreg $0x9  }
0xb0: {  	_ =	task.clear_ibuf [dreg:s6], $0x4FFFF;
	_ =	strace $0x90000046  }
0xb1: {  	s29 =	simm.s32 $0x9;
	_ =	strace $0x80000048  }
0xb2: {  	_ =	swait.ge [sflag:s29], $0x1  }
0xb3: {  	[sflag:s29] =	ssyncadd.s32 $0xFFFFFFFF  }
0xb4: {  	_ =	strace $0x90000048  }
0xb5: {  	_ =	sfence  }
0xb6: {  	s30 =	sld [smem:$0x0];
	_ =	sdelay $0x2  }
0xb7: {  	s31 =	sshll.u32 s1, $0xD;
	s1 =	sshrl.u32 s1, $0x2  }
0xb8: {  	s3 =	sand.u32 $0x4000, s31;
	s1 =	sadd.s32 s1, s30  }
0xb9: {  	s0 =	sor.u32 s3, s0;
	s1 =	sshll.u32 s1, $0x11  }
0xba: {  	s0 =	sor.u32 s1, s0  }
0xbb: {  	s0 =	sadd.s32 $0x8F2B, s0  }
0xbc: {  	[sflag:s0] =	ssyncadd.remote.s32 $0x1  }
0xbd: {  	_ =	sfence.sel $0xFFFF  }
0xbe: {  	[dreg:$0x0] =	wrdreg $0xFFFFFFFF;
	(pc) =	sbr.abs _section_cstart, $3  }
0xbf: {  	[dreg:$0x1] =	wrdreg $0xFFFFFFFF  }
0xc0: {  	_ =	task.clear_ibuf [dreg:s6], $0x2FFFF;
	_ =	strace $0x9FFFFFFF  }
0xc1: {  	(tm) =	ssettm $0x7FFFFFFF  }
tec
execute0_lowered:
.L_overlay_start_1:
0x0: {  	(tag) =	ssettag $0x1  }
0x1: {  	s0 =	srdreg.scid  }
0x2: {  	s5 =	rddreg [dreg:$0x0];
	s3 =	sand.u32 $0x1, s0  }
0x3: {  	s2 =	simm.s32 $0x0;
	s0 =	stileid.u32;
	s1 =	sshll.u32 s3, $0x4  }
0x4: {  	s8 =	simm.s32 $0x80;
	s9 =	simm.s32 $0x400;
	s4 =	sor.u32 s0, s1  }
0x5: {  	s10 =	simm.s32 $0x0;
	[smem:$0x7FF] =	sst s2;
	s1 =	sshrl.u32 s4, $0x3  }
0x6: {  	s7 =	sshll.u32 s0, $0x7;
	s3 =	ssub.s32 $0x2, s3;
	s6 =	smul.u32 $0x14000, s1  }
0x7: {  	s7 =	sand.u32 $0x380, s7;
	s31 =	sshrl.u32 s3, $0x1;
	s4 =	smul.u32 $0x500, s4  }
0x8: {  	s1 =	rddreg [dreg:$0x1];
	_ =	strace $0x80000047;
	s6 =	sor.u32 s7, s6  }
0x9: {  	s4 =	sadd.s32 s4, s5;
	s7 =	simm.s32 $0x2800;
	s6 =	sshrl.u32 s6, $0x3  }
0xa: {  	s5 =	sadd.s32 s6, s5;
	s6 =	ssub.s32 s3, s31;
	s3 =	sadd.s32 $0x4600, s4  }
0xb: {  	v0 =	vimm.f32 $0.0e+00;
	v1 =	vimm.f32 $1.000000000e+00;
	s4 =	sadd.s32 $0xE600, s5;
	s5 =	smax.u32 s6, $0x1;
	s6 =	simm.s32 $0x1  }
.LBB2_1:
0xc: {  	[tilespmem:s2], [sflag:$0x1] =	stream.linear.gather [hbm4b:s3+s2], $0x2800, $0x38;
	[tilespmem:$0x5000] =	vst v63  }
0xd: {  	_ =	swait.ge [sflag:s6], $0x2800  }
0xe: {  	[sflag:s6] =	ssyncset.done $0x0  }
0xf: {  	s11 =	simm.s32 $0x0;
	[sflag:s6] =	ssyncadd.s32 $0xFFFFD800  }
.LBB2_2:
0x10: {  	p0 =	sne.s32 s11, $0x9FC0  }
.Ltmp0:
0x11: {  	_ = 	snop;
	(pc) =	sbr.rel @p0 .LBB2_2-.Ltmp0, $3  }
0x12: {  	_ =	sdelay $0x1  }
0x13: {  	s12 =	sshra.s32 s11, $0x2  }
0x14: {  	s11 =	sadd.s32 $0x40, s11;
	[tilespmem:s12+$0x2800] =	vst v0  }
0x15: {  	s11 =	simm.s32 $0x0  }
0x16: {  	s12 =	sand.u32 $0xFE00, s11  }
0x17: {  	s11 =	sand.u32 $0x70, s11;
	s12 =	sshrl.u32 s12, $0x2  }
0x18: {  	s11 =	sor.u32 s11, s12  }
0x19: {  	v2 =	vld [tilespmem:s11+$0x0];
	_ =	sdelay $0x4  }
0x1a: {  	s13 =	simm.s32 $0x40  }
0x1b: {  	s13 =	sand.u32 $0xFE00, s13;
	s12 =	simm.s32 $0x80;
	s11 =	simm.s32 $0x10  }
.LBB2_4:
0x1c: {  	p0 =	sne.s32 s12, $0x9FC0;
	s14 =	sand.u32 $0x70, s11;
	s13 =	sshrl.u32 s13, $0x2  }
0x1d: {  	s13 =	sor.u32 s14, s13;
	[tilespmem:v2+s7+$0x0] =	vst.idx.add.f32.msk $0xffff, v1  }
0x1e: {  	v2 =	vld [tilespmem:s13+$0x0];
	_ =	sdelay $0x1  }
.Ltmp1:
0x1f: {  	(pc) =	sbr.rel @p0 .LBB2_4-.Ltmp1, $2  }
0x20: {  	_ =	sdelay $0x2  }
0x21: {  	s11 =	sadd.s32 $0x10, s11;
	s13 =	sand.u32 $0xFE00, s12;
	s12 =	sadd.s32 $0x40, s12  }
0x22: {  	_ =	sdelay $0x2  }
0x23: {  	s11 =	sand.u32 $0x70, s11;
	s12 =	sshrl.u32 s13, $0x2  }
0x24: {  	[tilespmem:v2+s7+$0x0] =	vst.idx.add.f32.msk $0xffff, v1;
	s11 =	sor.u32 s11, s12  }
0x25: {  	v2 =	vld [tilespmem:s11+$0x0];
	_ =	sdelay $0x5  }
0x26: {  	s10 =	sadd.s32 $0x1, s10  }
0x27: {  	p0 =	sne.s32 s10, s5  }
.Ltmp2:
0x28: {  	[tilespmem:v2+s7+$0x0] =	vst.idx.add.f32.msk $0xffff, v1;
	(pc) =	sbr.rel @p0 .LBB2_1-.Ltmp2, $4  }
0x29: {  	[hbm4b:s4+s8] =	stream.strided.scatter [tilespmem:s7], [sflag:$0x1], $0x2800, s9, s8, $0x38;
	[tilespmem:$0x5000] =	vst v63  }
0x2a: {  	_ =	swait.ge [sflag:s6], $0x2800  }
0x2b: {  	[sflag:s6] =	ssyncset.done $0x0  }
0x2c: {  	[sflag:s6] =	ssyncadd.s32 $0xFFFFD800  }
0x2d: {  	_ =	sfence.sel $0x180000  }
0x2e: {  	[bflag:$0x0] =	sbarrier.arrive $0xFFFF  }
0x2f: {  	p0 =	sne.s32 s0, $0x0;
	_ =	strace $0x90000047  }
0x30: {  	s0 =	sadd.s32 @!p0 $0x100000, s1;
	[bflag:$0x2] =	sbarrier.arrive $0xFFFF  }
0x31: {  	[sflag:s0] =	ssyncadd.tile.s32 @!p0 $0x1;
	_ =	shalt  }
.Lfunc_end2:
_tile_overlayer_lowered:
.L_overlay_start_2:
0x32: {  	(tag) =	ssettag $0x2  }
0x33: {  	s0 =	rddreg [dreg:$0x0];
	s2 =	stileid.u32  }
0x34: {  	s1 =	rddreg [dreg:$0x1];
	p0 =	sne.s32 s2, $0x0  }
0x35: {  	s3 =	rddreg [dreg:$0x2];
	[bflag:$0x3] =	sbarrier.arrive $0xFFFF;
	s2 =	simm.s32 @!p0 $0x1C01  }
0x36: {  	[timem:s3], [sflag:s2] =	dma.local @!p0 [hbm:s0], s1  }
0x37: {  	s0 =	simm.s32 @!p0 $0x1  }
0x38: {  	_ =	swait.ge @!p0 [sflag:s0], s1  }
0x39: {  	s1 =	ssub.s32 @!p0 $0x0, s1;
	[sflag:s0] =	ssyncset.done @!p0 $0x0  }
0x3a: {  	[sflag:s0] =	ssyncadd.s32 @!p0 s1  }
0x3b: {  	[bflag:$0x3] =	sbarrier.arrive $0xFFFF  }
0x3c: {  	_ =	shalt  }

// kernel: kernel.16.cloned.1.call-start
scs
__scs_entry_jumppad:
0x0: {  	(pc) =	sbr.rel $0x88, $3  }
0x1: {  	(tag) =	ssettag $0x0;
	lr =	simm.s32 $0x1  }
0x2: {  	[smem:$0x3F8A] =	sst lr;
	_ =	strace $0xD0000000  }
0x3: {  	_ = 	snop  }
0x4: {  	_ = 	snop  }
0x5: {  	_ = 	snop  }
0x6: {  	_ = 	snop  }
0x7: {  	_ = 	snop  }
__scs_overlays_trampoline_lowered:
0x8: {  	[smem:$0x3F99] =	sst s0  }
0x9: {  	[smem:$0x3F9A] =	sst s1  }
0xa: {  	[smem:$0x3F9B] =	sst s2  }
0xb: {  	[smem:$0x3F9C] =	sst s3  }
0xc: {  	[smem:$0x3F9D] =	sst s4  }
0xd: {  	[smem:$0x3F9E] =	sst s5  }
0xe: {  	[smem:$0x3F9F] =	sst s6  }
0xf: {  	[smem:$0x3FA0] =	sst s7  }
0x10: {  	[smem:$0x3FA1] =	sst s8  }
0x11: {  	[smem:$0x3FA2] =	sst s9;
	s0 =	simm.s32 @!p0 $0x0  }
0x12: {  	s1 =	sld [smem:$0x3F88];
	s0 =	simm.s32 @p0 $0x1  }
0x13: {  	[smem:$0x3FA3] =	sst s0;
	s0 =	simm.s32 @!p1 $0x0  }
0x14: {  	s2 =	sld [smem:$0x3F87];
	s0 =	simm.s32 @p1 $0x1  }
0x15: {  	[smem:$0x3FA4] =	sst s0;
	s0 =	simm.s32 @!p2 $0x0  }
0x16: {  	s3 =	sld [smem:$0x3FDB];
	s0 =	simm.s32 @p2 $0x1  }
0x17: {  	s4 =	simm.s32 $0x1BF5;
	[smem:$0x3FA6] =	sst s0  }
0x18: {  	s0 =	sld [smem:$0x3F89];
	_ =	swait.ge [sflag:s4], $0x0  }
0x19: {  	s7 =	sld [smem:$0x3F8A]  }
0x1a: {  	s8 =	sadd.s32 $0xFFFFE003, lr  }
0x1b: {  	s9 =	sadd.s32 $0xFFFFFEF7, lr;
	s5 =	simm.s32 $0xFFFFFFFF;
	p2 =	slt.u32 s8, $0xFFFFF086  }
0x1c: {  	p1 =	slt.u32 s9, $0xF7A;
	s5 =	simm.s32 @!p2 $0x0  }
0x1d: {  	s5 =	simm.s32 @p1 $0x1;
	p0 =	seq.s32 s7, s2  }
0x1e: {  	s7 =	smul.u32 @!p0 $0xF7A, s2;
	p2 =	seq.s32 @!p0 s5, $0x0  }
0x1f: {  	s9 =	smul.u32 $0xF7A, s1;
	s8 =	simm.s32 @!p0 $0x1BF5;
	p2 =	por !p2, p0  }
0x20: {  	[sflag:s8] =	ssyncset.s32 @!p0 $0xFFFFF086;
	s6 =	sadd.s32 @!p0 s3, s7;
	s7 =	simm.s32 @!p0 $0x108  }
0x21: {  	s3 =	sadd.s32 s3, s9;
	s6 =	sadd.s32 @!p0 $0x88, s6;
	s7 =	simm.s32 @p2 $0x1082  }
0x22: {  	[simem:s7], [sflag:s8] =	dma.local @!p0 [hbm:s6], $0xF7A  }
0x23: {  	s9 =	sor.u32 $0xD0000000, s2;
	s6 =	simm.s32 $0x108;
	_ =	swait.ge @!p0 [sflag:s8], $0x0  }
0x24: {  	s3 =	sadd.s32 $0x88, s3;
	s6 =	simm.s32 @!p1 $0x1082;
	[sflag:s4] =	ssyncset.s32 $0xFFFFF086  }
0x25: {  	[simem:s6], [sflag:s4] =	dma.local [hbm:s3], $0xF7A  }
0x26: {  	[smem:$0x3F8A] =	sst s1;
	(tag) =	ssettag s2;
	_ =	strace s9  }
0x27: {  	s1 =	sld [smem:$0x3F9A]  }
0x28: {  	s2 =	sld [smem:$0x3F9B]  }
0x29: {  	s4 =	sld [smem:$0x3F9D]  }
0x2a: {  	p0 =	seq.s32 s5, $0x0;
	s5 =	sld [smem:$0x3F9E]  }
0x2b: {  	s6 =	sld [smem:$0x3F9F]  }
0x2c: {  	s7 =	sld [smem:$0x3FA0]  }
0x2d: {  	s3 =	simm.s32 $0x108;
	s8 =	sld [smem:$0x3FA1]  }
0x2e: {  	s3 =	simm.s32 @!p0 $0x1082;
	s9 =	sld [smem:$0x3FA2]  }
0x2f: {  	lr =	sadd.s32 s0, s3;
	s0 =	sld [smem:$0x3F99]  }
0x30: {  	s3 =	sld [smem:$0x3F9C]  }
0x31: {  	[smem:$0x3FA5] =	sst s10  }
0x32: {  	s10 =	sld [smem:$0x3FA3];
	_ =	sdelay $0x3  }
0x33: {  	p0 =	seq.s32 s10, $0x1;
	s10 =	sld [smem:$0x3FA5];
	_ =	sdelay $0x3  }
0x34: {  	[smem:$0x3FA5] =	sst s10  }
0x35: {  	s10 =	sld [smem:$0x3FA4];
	_ =	sdelay $0x3  }
0x36: {  	p1 =	seq.s32 s10, $0x1;
	s10 =	sld [smem:$0x3FA5];
	_ =	sdelay $0x3  }
0x37: {  	[smem:$0x3FA5] =	sst s10  }
0x38: {  	s10 =	sld [smem:$0x3FA6]  }
0x39: {  	_ = 	snop;
	(pc) =	sbr.ind lr, $3  }
0x3a: {  	_ = 	snop  }
0x3b: {  	_ = 	snop  }
0x3c: {  	p2 =	seq.s32 s10, $0x1;
	s10 =	sld [smem:$0x3FA5]  }
0x3d: {  	_ =	shalt  }
0x3e: {  	_ =	shalt  }
0x3f: {  	_ =	shalt  }
0x40: {  	_ =	shalt  }
0x41: {  	_ =	shalt  }
0x42: {  	_ =	shalt  }
0x43: {  	_ =	shalt  }
0x44: {  	_ =	shalt  }
0x45: {  	_ =	shalt  }
0x46: {  	_ =	shalt  }
0x47: {  	_ =	shalt  }
0x48: {  	_ =	shalt  }
0x49: {  	_ =	shalt  }
0x4a: {  	_ =	shalt  }
0x4b: {  	_ =	shalt  }
0x4c: {  	_ =	shalt  }
0x4d: {  	_ =	shalt  }
0x4e: {  	_ =	shalt  }
0x4f: {  	_ =	shalt  }
0x50: {  	_ =	shalt  }
0x51: {  	_ =	shalt  }
0x52: {  	_ =	shalt  }
0x53: {  	_ =	shalt  }
0x54: {  	_ =	shalt  }
0x55: {  	_ =	shalt  }
0x56: {  	_ =	shalt  }
0x57: {  	_ =	shalt  }
0x58: {  	_ =	shalt  }
0x59: {  	_ =	shalt  }
0x5a: {  	_ =	shalt  }
0x5b: {  	_ =	shalt  }
0x5c: {  	_ =	shalt  }
0x5d: {  	_ =	shalt  }
0x5e: {  	_ =	shalt  }
0x5f: {  	_ =	shalt  }
0x60: {  	_ =	shalt  }
0x61: {  	_ =	shalt  }
0x62: {  	_ =	shalt  }
0x63: {  	_ =	shalt  }
0x64: {  	_ =	shalt  }
0x65: {  	_ =	shalt  }
0x66: {  	_ =	shalt  }
0x67: {  	_ =	shalt  }
0x68: {  	_ =	shalt  }
0x69: {  	_ =	shalt  }
0x6a: {  	_ =	shalt  }
0x6b: {  	_ =	shalt  }
0x6c: {  	_ =	shalt  }
0x6d: {  	_ =	shalt  }
0x6e: {  	_ =	shalt  }
0x6f: {  	_ =	shalt  }
0x70: {  	_ =	shalt  }
0x71: {  	_ =	shalt  }
0x72: {  	_ =	shalt  }
0x73: {  	_ =	shalt  }
0x74: {  	_ =	shalt  }
0x75: {  	_ =	shalt  }
0x76: {  	_ =	shalt  }
0x77: {  	_ =	shalt  }
0x78: {  	_ =	shalt  }
0x79: {  	_ =	shalt  }
0x7a: {  	_ =	shalt  }
0x7b: {  	_ =	shalt  }
0x7c: {  	_ =	shalt  }
0x7d: {  	_ =	shalt  }
0x7e: {  	_ =	shalt  }
0x7f: {  	_ =	shalt  }
0x80: {  	_ =	shalt  }
0x81: {  	_ =	shalt  }
0x82: {  	_ =	shalt  }
0x83: {  	_ =	shalt  }
0x84: {  	_ =	shalt  }
0x85: {  	_ =	shalt  }
0x86: {  	_ =	shalt  }
0x87: {  	_ =	shalt  }
.Lfunc_end0:
.L_simem_size_0:
called_computation.1_lowered:
.L_overlay_start_0:
0x88: {  	s2 =	sld [smem:$0x3FD9]  }
0x89: {  	s3 =	sld [smem:$0x3FFE];
	_ =	sdelay $0x1  }
0x8a: {  	s1 =	srdreg.scid  }
0x8b: {  	s0 =	sand.u32 $0x1, s1  }
0x8c: {  	s16 =	sshll.u32 s0, $0xA;
	s2 =	sadd.s32 s3, s2  }
0x8d: {  	s2 =	sadd.s32 s2, s16  }
0x8e: {  	[smem:$0x3FB1] =	sst s2  }
0x8f: {  	_ = 	snop  }
0x90: {  	(tm) =	ssettm $0x1  }
0x91: {  	s17 =	sld [smem:$0x3FFB];
	_ =	sdelay $0x3  }
0x92: {  	_ =	strace s17  }
0x93: {  	s2 =	sld [smem:$0x3FFC];
	_ =	sdelay $0x3  }
0x94: {  	_ =	strace s2  }
0x95: {  	s2 =	sld [smem:$0x3FFD];
	_ =	sdelay $0x3  }
0x96: {  	_ =	strace s2  }
0x97: {  	_ =	strace $0x8FFFFFFF  }
0x98: {  	s18 =	sld [smem:$0x3FDB];
	_ =	sdelay $0x1  }
0x99: {  	s19 =	simm.s32 $_scs_section_size  }
0x9a: {  	s4 =	simm.s32 $_size__tile_overlayer_lowered;
	s5 =	simm.s32 $_tile_overlayer_lowered  }
0x9b: {  	s22 =	simm.s32 $0x1BFF;
	s21 =	sshll.u32 s5, $0x1;
	s2 =	sadd.s32 s19, s18  }
0x9c: {  	s6 =	simm.s32 $0x0;
	s20 =	sshll.u32 s4, $0x1;
	s4 =	sadd.s32 s21, s2  }
0x9d: {  	[timem:s6], [sflag:s22] =	dma.local [hbm:s4], s20  }
0x9e: {  	_ =	swait.ge [sflag:s22], s20  }
0x9f: {  	s3 =	ssub.s32 $0x0, s20;
	[sflag:s22] =	ssyncset.done $0x0  }
0xa0: {  	[sflag:s22] =	ssyncadd.s32 s3;
	_ =	sdelay $0x1  }
0xa1: {  	s23 =	simm.s32 $0x1B8B  }
0xa2: {  	_ =	swait.ge [sflag:s23], $0x1  }
0xa3: {  	[sflag:s23] =	ssyncset.done $0x0  }
0xa4: {  	s25 =	simm.s32 $0x1B8E;
	s24 =	sld [smem:$0x3FFE];
	[sflag:s23] =	ssyncadd.s32 $0xFFFFFFFF  }
0xa5: {  	s26 =	simm.s32 $execute0_lowered;
	[smem:$0x3FD2] =	sst s25  }
0xa6: {  	s4 =	sshll.u32 s26, $0x1;
	_ =	strace $0x80000049;
	[dreg:$0x1] =	wrdreg $0xFFFFFFFF  }
0xa7: {  	s28 =	simm.s32 $_size_execute0_lowered;
	s2 =	sadd.s32 s2, s4;
	[dreg:$0x0] =	wrdreg $0x0  }
0xa8: {  	s4 =	sshll.u32 s28, $0x1;
	[dreg:$0x2] =	wrdreg s2  }
0xa9: {  	[dreg:$0x3] =	wrdreg s4  }
0xaa: {  	[dreg:$0x4] =	wrdreg $0xC0  }
0xab: {  	_ =	task [dreg:s6], $0x5FFFF  }
0xac: {  	[dreg:$0x1] =	wrdreg $0xFFFFFFFF  }
0xad: {  	[dreg:$0x0] =	wrdreg $0x60  }
0xae: {  	[dreg:$0x2] =	wrdreg s24  }
0xaf: {  	[dreg:$0x3] =	wrdreg $0x140000  }
0xb0: {  	[dreg:$0x4] =	wrdreg $0x9  }
0xb1: {  	_ =	task.clear_ibuf [dreg:s6], $0x5FFFF;
	_ =	strace $0x90000049  }
0xb2: {  	s29 =	simm.s32 $0x9;
	_ =	strace $0x8000004B  }
0xb3: {  	_ =	swait.ge [sflag:s29], $0x1  }
0xb4: {  	[sflag:s29] =	ssyncadd.s32 $0xFFFFFFFF  }
0xb5: {  	_ =	strace $0x9000004B  }
0xb6: {  	_ =	sfence  }
0xb7: {  	s30 =	sld [smem:$0x0];
	_ =	sdelay $0x2  }
0xb8: {  	s31 =	sshll.u32 s1, $0xD;
	s1 =	sshrl.u32 s1, $0x2  }
0xb9: {  	s3 =	sand.u32 $0x4000, s31;
	s1 =	sadd.s32 s1, s30  }
0xba: {  	s0 =	sor.u32 s3, s0;
	s1 =	sshll.u32 s1, $0x11  }
0xbb: {  	s0 =	sor.u32 s1, s0  }
0xbc: {  	s0 =	sadd.s32 $0x8F2B, s0  }
0xbd: {  	[sflag:s0] =	ssyncadd.remote.s32 $0x1  }
0xbe: {  	_ =	sfence.sel $0xFFFF  }
0xbf: {  	[dreg:$0x0] =	wrdreg $0xFFFFFFFF;
	(pc) =	sbr.abs _section_cstart, $3  }
0xc0: {  	[dreg:$0x1] =	wrdreg $0xFFFFFFFF  }
0xc1: {  	_ =	task.clear_ibuf [dreg:s6], $0x2FFFF;
	_ =	strace $0x9FFFFFFF  }
0xc2: {  	(tm) =	ssettm $0x7FFFFFFF  }
0xc3: {  	_ =	shalt  }
tec
execute0_lowered:
.L_overlay_start_1:
0x0: {  	(tag) =	ssettag $0x1  }
0x1: {  	s6 =	rddreg [dreg:$0x0]  }
0x2: {  	s0 =	srdreg.scid;
	s2 =	rddreg [dreg:$0x1];
	s3 =	simm.s32 $0x0  }
0x3: {  	s14 =	simm.s32 $0xA000;
	s15 =	simm.s32 $0xC000;
	s16 =	simm.s32 $0x100  }
0x4: {  	s17 =	simm.s32 $0xE000;
	s5 =	sand.u32 $0x1, s0;
	s0 =	stileid.u32  }
0x5: {  	s18 =	simm.s32 $0x180;
	s19 =	simm.s32 $0x10000;
	s7 =	smul.u32 $0xA00, s0  }
0x6: {  	s20 =	simm.s32 $0xA;
	s21 =	simm.s32 $0x0;
	s8 =	smul.u32 $0xA000, s0  }
0x7: {  	[smem:$0x7FF] =	sst s3;
	s1 =	sshll.u32 s5, $0x4;
	s9 =	smul.u32 $0xA0000, s5  }
0x8: {  	s5 =	ssub.s32 $0x2, s5;
	s31 =	sshll.u32 s0, $0x6;
	s1 =	sor.u32 s0, s1  }
0x9: {  	s12 =	sshrl.u32 s5, $0x1;
	s4 =	smul.u32 $0xA00, s1;
	s1 =	rddreg [dreg:$0x2]  }
0xa: {  	_ =	strace $0x8000004A;
	s7 =	sadd.s32 s7, s6;
	s11 =	sshrl.u32 s8, $0x3  }
0xb: {  	s9 =	sadd.s32 s8, s9;
	s12 =	ssub.s32 s5, s12;
	s13 =	sadd.s32 s8, s2  }
.Ltmp0:
0xc: {  	s11 =	sadd.s32 s11, s6;
	s9 =	sshrl.u32 s9, $0x3;
	(pc) =	sbr.rel .LBB2_1-.Ltmp0, $4  }
0xd: {  	s10 =	sadd.s32 s4, s6;
	s4 =	sadd.s32 $0x7C600, s6;
	s9 =	sadd.s32 s9, s6  }
0xe: {  	s6 =	sadd.s32 $0x4600, s7;
	s7 =	sadd.s32 $0xA4600, s11;
	s11 =	sor.u32 $0x1C0B, s31  }
0xf: {  	s5 =	sadd.s32 $0x18600, s10;
	s8 =	sadd.s32 $0xB8600, s9;
	s9 =	smax.u32 s12, $0x1  }
0x10: {  	s10 =	simm.s32 $0xB;
	s12 =	sshrl.u32 s13, $0x3;
	s13 =	simm.s32 $0x80  }
.LBB2_5:
0x11: {  	_ =	swait.ge [sflag:s20], $0x2000  }
0x12: {  	s21 =	sadd.s32 $0x1, s21;
	[sflag:s20] =	ssyncset.done $0x0  }
0x13: {  	p0 =	sne.s32 s21, s9;
	[sflag:s20] =	ssyncadd.s32 $0xFFFFE000  }
.Ltmp1:
0x14: {  	[bflag:$0x0] =	sbarrier.arrive $0xFFFF;
	(pc) =	sbr.rel @!p0 .LBB2_6-.Ltmp1, $4  }
0x15: {  	[hbm:s8], [sflag:s11] =	dma.local [spmem:s12], $0x1400  }
0x16: {  	_ =	swait.ge [sflag:s10], $0x1400  }
0x17: {  	[sflag:s10] =	ssyncset.done $0x0  }
0x18: {  	[sflag:s10] =	ssyncadd.s32 $0xFFFFEC00  }
.LBB2_1:
0x19: {  	[tilespmem:s3], [sflag:$0xB] =	stream.linear.gather [hbm4b:s5+s3], $0x5000, $0x38;
	[tilespmem:$0x1E000] =	vst v63  }
0x1a: {  	_ =	swait.ge [sflag:s10], $0x5000  }
0x1b: {  	[sflag:s10] =	ssyncset.done $0x0  }
0x1c: {  	s22 =	simm.s32 $0x5000;
	[sflag:s10] =	ssyncadd.s32 $0xFFFFB000  }
0x1d: {  	[tilespmem:s22], [sflag:$0xB] =	stream.linear.gather [hbm4b:s6+s3], $0x5000, $0x38;
	[tilespmem:$0x1E000] =	vst v63  }
0x1e: {  	_ =	swait.ge [sflag:s10], $0x5000  }
0x1f: {  	[sflag:s10] =	ssyncset.done $0x0  }
0x20: {  	[sflag:s10] =	ssyncadd.s32 $0xFFFFB000  }
0x21: {  	[spmem:s12], [sflag:s11] =	dma.local [hbm:s7], $0x1400  }
0x22: {  	_ =	swait.ge [sflag:s10], $0x1400  }
0x23: {  	[sflag:s10] =	ssyncset.done $0x0  }
0x24: {  	[sflag:s10] =	ssyncadd.s32 $0xFFFFEC00  }
0x25: {  	[bflag:$0x0] =	sbarrier.arrive $0xFFFF  }
0x26: {  	[tilespmem:s14], [sflag:$0x1] =	stream.indirect.gather [hbm4b:s4+s13], $0x40, s3, s13, $0xb8;
	[tilespmem:$0x1E000] =	vst v63  }
0x27: {  	_ = 	snop  }
0x28: {  	[tilespmem:s15], [sflag:$0x2] =	stream.indirect.gather [hbm4b:s4+s13], $0x40, s13, s13, $0xb8;
	[tilespmem:$0x1E000] =	vst v63  }
.Ltmp2:
0x29: {  	_ = 	snop;
	(pc) =	sbr.rel .LBB2_2-.Ltmp2, $4  }
0x2a: {  	_ = 	snop  }
0x2b: {  	[tilespmem:s17], [sflag:$0x3] =	stream.indirect.gather [hbm4b:s4+s13], $0x40, s16, s13, $0xb8;
	[tilespmem:$0x1E000] =	vst v63  }
0x2c: {  	s23 =	simm.s32 $0x200;
	s24 =	simm.s32 $0x0  }
0x2d: {  	[tilespmem:s19], [sflag:$0x4] =	stream.indirect.gather [hbm4b:s4+s13], $0x40, s18, s13, $0xb8;
	[tilespmem:$0x1E000] =	vst v63  }
.LBB2_4:
0x2e: {  	s26 =	sand.u32 $0xFF, s25  }
0x2f: {  	s26 =	smul.u32 $0xCD, s26;
	_ =	sdelay $0x1  }
0x30: {  	s26 =	sshrl.u32 s26, $0xA  }
0x31: {  	s26 =	smul.u32 $0x5, s26;
	_ =	sdelay $0x1  }
0x32: {  	s29 =	ssub.s32 s25, s26  }
0x33: {  	s24 =	sadd.s32 $0x1, s24;
	s25 =	sand.u32 $0xFF, s29  }
0x34: {  	p0 =	sne.s32 s24, $0xA0;
	s30 =	sadd.s32 $0x1, s25  }
.Ltmp3:
0x35: {  	_ =	swait.ge [sflag:s30], $0x2000;
	(pc) =	sbr.rel @!p0 .LBB2_5-.Ltmp3, $4  }
0x36: {  	s28 =	sshll.u32 s25, $0xD;
	[sflag:s30] =	ssyncset.done $0x0  }
0x37: {  	s25 =	sadd.s32 $0x6, s25;
	s31 =	sadd.s32 $0xA000, s28;
	[sflag:s30] =	ssyncadd.s32 $0xFFFFE000  }
0x38: {  	[spmem:s2] =	stream.indirect.scatter.add.f32 [tilespmem:s31], [sflag:s25], $0x40, s22, s13, $0xb8;
	[tilespmem:$0x1E000] =	vst v63  }
0x39: {  	s23 =	sadd.s32 $0x80, s23;
	s22 =	sadd.s32 $0x80, s22  }
.LBB2_2:
0x3a: {  	p0 =	seq.s32 s24, $0x0  }
0x3b: {  	s25 =	sadd.s32 @!p0 $0xFFFFFFFF, s24  }
0x3c: {  	s26 =	sand.u32 @!p0 $0xFF, s25  }
0x3d: {  	s26 =	smul.u32 @!p0 $0xCD, s26;
	_ =	sdelay $0x1  }
0x3e: {  	s26 =	sshrl.u32 @!p0 s26, $0xA  }
0x3f: {  	s26 =	smul.u32 @!p0 $0x5, s26  }
0x40: {  	p1 =	sgt.u32 @!p0 s24, $0x9B  }
0x41: {  	p1 =	por p0, !p1;
	s25 =	ssub.s32 @!p0 s25, s26  }
.Ltmp4:
0x42: {  	s25 =	sand.u32 @!p0 $0xFF, s25;
	(pc) =	sbr.rel @!p1 .LBB2_4-.Ltmp4, $4  }
0x43: {  	s25 =	sadd.s32 @!p0 $0x6, s25  }
0x44: {  	_ =	swait.ge @!p0 [sflag:s25], $0x2000  }
0x45: {  	[sflag:s25] =	ssyncset.done @!p0 $0x0  }
0x46: {  	[sflag:s25] =	ssyncadd.s32 @!p0 $0xFFFFE000;
	s25 =	smov.u32 s24  }
0x47: {  	s25 =	sadd.s32 $0x4, s24  }
0x48: {  	s26 =	smul.u32 $0xCD, s25;
	_ =	sdelay $0x1  }
0x49: {  	s26 =	sshrl.u32 s26, $0xA  }
0x4a: {  	s26 =	sand.u32 $0x3F, s26  }
0x4b: {  	s26 =	smul.u32 $0x5, s26;
	_ =	sdelay $0x1  }
0x4c: {  	s25 =	ssub.s32 s25, s26  }
0x4d: {  	s25 =	sand.u32 $0xFF, s25  }
.Ltmp5:
0x4e: {  	s31 =	sshll.u32 s25, $0xD;
	(pc) =	sbr.rel .LBB2_4-.Ltmp5, $4  }
0x4f: {  	s25 =	sadd.s32 $0x1, s25;
	s26 =	sadd.s32 $0xA000, s31  }
0x50: {  	[tilespmem:s26], [sflag:s25] =	stream.indirect.gather [hbm4b:s4+s13], $0x40, s23, s13, $0xb8;
	[tilespmem:$0x1E000] =	vst v63  }
0x51: {  	s25 =	smov.u32 s24  }
0x52: {  	s25 =	simm.s32 @p0 $0x0  }
.LBB2_6:
0x53: {  	_ =	sfence.sel $0x180000  }
0x54: {  	[bflag:$0x0] =	sbarrier.arrive $0xFFFF  }
0x55: {  	p0 =	sne.s32 s0, $0x0;
	_ =	strace $0x9000004A  }
0x56: {  	s0 =	sadd.s32 @!p0 $0x100000, s1;
	[bflag:$0x2] =	sbarrier.arrive $0xFFFF  }
0x57: {  	[sflag:s0] =	ssyncadd.tile.s32 @!p0 $0x1;
	_ =	shalt  }
.Lfunc_end2:
_tile_overlayer_lowered:
.L_overlay_start_2:
0x58: {  	(tag) =	ssettag $0x2  }
0x59: {  	s0 =	rddreg [dreg:$0x0];
	s2 =	stileid.u32  }
0x5a: {  	s1 =	rddreg [dreg:$0x1];
	p0 =	sne.s32 s2, $0x0  }
0x5b: {  	s3 =	rddreg [dreg:$0x2];
	[bflag:$0x3] =	sbarrier.arrive $0xFFFF;
	s2 =	simm.s32 @!p0 $0x1C0B  }
0x5c: {  	[timem:s3], [sflag:s2] =	dma.local @!p0 [hbm:s0], s1  }
0x5d: {  	s0 =	simm.s32 @!p0 $0xB  }
0x5e: {  	_ =	swait.ge @!p0 [sflag:s0], s1  }
0x5f: {  	s1 =	ssub.s32 @!p0 $0x0, s1;
	[sflag:s0] =	ssyncset.done @!p0 $0x0  }
0x60: {  	[sflag:s0] =	ssyncadd.s32 @!p0 s1  }
0x61: {  	[bflag:$0x3] =	sbarrier.arrive $0xFFFF  }
0x62: {  	_ =	shalt  }

// kernel: kernel.19.cloned.1.call-start
scs
__scs_entry_jumppad:
0x0: {  	(pc) =	sbr.rel $0x88, $3  }
0x1: {  	(tag) =	ssettag $0x0;
	lr =	simm.s32 $0x1  }
0x2: {  	[smem:$0x3F8A] =	sst lr;
	_ =	strace $0xD0000000  }
0x3: {  	_ = 	snop  }
0x4: {  	_ = 	snop  }
0x5: {  	_ = 	snop  }
0x6: {  	_ = 	snop  }
0x7: {  	_ = 	snop  }
__scs_overlays_trampoline_lowered:
0x8: {  	[smem:$0x3F99] =	sst s0  }
0x9: {  	[smem:$0x3F9A] =	sst s1  }
0xa: {  	[smem:$0x3F9B] =	sst s2  }
0xb: {  	[smem:$0x3F9C] =	sst s3  }
0xc: {  	[smem:$0x3F9D] =	sst s4  }
0xd: {  	[smem:$0x3F9E] =	sst s5  }
0xe: {  	[smem:$0x3F9F] =	sst s6  }
0xf: {  	[smem:$0x3FA0] =	sst s7  }
0x10: {  	[smem:$0x3FA1] =	sst s8  }
0x11: {  	[smem:$0x3FA2] =	sst s9;
	s0 =	simm.s32 @!p0 $0x0  }
0x12: {  	s1 =	sld [smem:$0x3F88];
	s0 =	simm.s32 @p0 $0x1  }
0x13: {  	[smem:$0x3FA3] =	sst s0;
	s0 =	simm.s32 @!p1 $0x0  }
0x14: {  	s2 =	sld [smem:$0x3F87];
	s0 =	simm.s32 @p1 $0x1  }
0x15: {  	[smem:$0x3FA4] =	sst s0;
	s0 =	simm.s32 @!p2 $0x0  }
0x16: {  	s3 =	sld [smem:$0x3FDB];
	s0 =	simm.s32 @p2 $0x1  }
0x17: {  	s4 =	simm.s32 $0x1BF5;
	[smem:$0x3FA6] =	sst s0  }
0x18: {  	s0 =	sld [smem:$0x3F89];
	_ =	swait.ge [sflag:s4], $0x0  }
0x19: {  	s7 =	sld [smem:$0x3F8A]  }
0x1a: {  	s8 =	sadd.s32 $0xFFFFE003, lr  }
0x1b: {  	s9 =	sadd.s32 $0xFFFFFEF7, lr;
	s5 =	simm.s32 $0xFFFFFFFF;
	p2 =	slt.u32 s8, $0xFFFFF086  }
0x1c: {  	p1 =	slt.u32 s9, $0xF7A;
	s5 =	simm.s32 @!p2 $0x0  }
0x1d: {  	s5 =	simm.s32 @p1 $0x1;
	p0 =	seq.s32 s7, s2  }
0x1e: {  	s7 =	smul.u32 @!p0 $0xF7A, s2;
	p2 =	seq.s32 @!p0 s5, $0x0  }
0x1f: {  	s9 =	smul.u32 $0xF7A, s1;
	s8 =	simm.s32 @!p0 $0x1BF5;
	p2 =	por !p2, p0  }
0x20: {  	[sflag:s8] =	ssyncset.s32 @!p0 $0xFFFFF086;
	s6 =	sadd.s32 @!p0 s3, s7;
	s7 =	simm.s32 @!p0 $0x108  }
0x21: {  	s3 =	sadd.s32 s3, s9;
	s6 =	sadd.s32 @!p0 $0x88, s6;
	s7 =	simm.s32 @p2 $0x1082  }
0x22: {  	[simem:s7], [sflag:s8] =	dma.local @!p0 [hbm:s6], $0xF7A  }
0x23: {  	s9 =	sor.u32 $0xD0000000, s2;
	s6 =	simm.s32 $0x108;
	_ =	swait.ge @!p0 [sflag:s8], $0x0  }
0x24: {  	s3 =	sadd.s32 $0x88, s3;
	s6 =	simm.s32 @!p1 $0x1082;
	[sflag:s4] =	ssyncset.s32 $0xFFFFF086  }
0x25: {  	[simem:s6], [sflag:s4] =	dma.local [hbm:s3], $0xF7A  }
0x26: {  	[smem:$0x3F8A] =	sst s1;
	(tag) =	ssettag s2;
	_ =	strace s9  }
0x27: {  	s1 =	sld [smem:$0x3F9A]  }
0x28: {  	s2 =	sld [smem:$0x3F9B]  }
0x29: {  	s4 =	sld [smem:$0x3F9D]  }
0x2a: {  	p0 =	seq.s32 s5, $0x0;
	s5 =	sld [smem:$0x3F9E]  }
0x2b: {  	s6 =	sld [smem:$0x3F9F]  }
0x2c: {  	s7 =	sld [smem:$0x3FA0]  }
0x2d: {  	s3 =	simm.s32 $0x108;
	s8 =	sld [smem:$0x3FA1]  }
0x2e: {  	s3 =	simm.s32 @!p0 $0x1082;
	s9 =	sld [smem:$0x3FA2]  }
0x2f: {  	lr =	sadd.s32 s0, s3;
	s0 =	sld [smem:$0x3F99]  }
0x30: {  	s3 =	sld [smem:$0x3F9C]  }
0x31: {  	[smem:$0x3FA5] =	sst s10  }
0x32: {  	s10 =	sld [smem:$0x3FA3];
	_ =	sdelay $0x3  }
0x33: {  	p0 =	seq.s32 s10, $0x1;
	s10 =	sld [smem:$0x3FA5];
	_ =	sdelay $0x3  }
0x34: {  	[smem:$0x3FA5] =	sst s10  }
0x35: {  	s10 =	sld [smem:$0x3FA4];
	_ =	sdelay $0x3  }
0x36: {  	p1 =	seq.s32 s10, $0x1;
	s10 =	sld [smem:$0x3FA5];
	_ =	sdelay $0x3  }
0x37: {  	[smem:$0x3FA5] =	sst s10  }
0x38: {  	s10 =	sld [smem:$0x3FA6]  }
0x39: {  	_ = 	snop;
	(pc) =	sbr.ind lr, $3  }
0x3a: {  	_ = 	snop  }
0x3b: {  	_ = 	snop  }
0x3c: {  	p2 =	seq.s32 s10, $0x1;
	s10 =	sld [smem:$0x3FA5]  }
0x3d: {  	_ =	shalt  }
0x3e: {  	_ =	shalt  }
0x3f: {  	_ =	shalt  }
0x40: {  	_ =	shalt  }
0x41: {  	_ =	shalt  }
0x42: {  	_ =	shalt  }
0x43: {  	_ =	shalt  }
0x44: {  	_ =	shalt  }
0x45: {  	_ =	shalt  }
0x46: {  	_ =	shalt  }
0x47: {  	_ =	shalt  }
0x48: {  	_ =	shalt  }
0x49: {  	_ =	shalt  }
0x4a: {  	_ =	shalt  }
0x4b: {  	_ =	shalt  }
0x4c: {  	_ =	shalt  }
0x4d: {  	_ =	shalt  }
0x4e: {  	_ =	shalt  }
0x4f: {  	_ =	shalt  }
0x50: {  	_ =	shalt  }
0x51: {  	_ =	shalt  }
0x52: {  	_ =	shalt  }
0x53: {  	_ =	shalt  }
0x54: {  	_ =	shalt  }
0x55: {  	_ =	shalt  }
0x56: {  	_ =	shalt  }
0x57: {  	_ =	shalt  }
0x58: {  	_ =	shalt  }
0x59: {  	_ =	shalt  }
0x5a: {  	_ =	shalt  }
0x5b: {  	_ =	shalt  }
0x5c: {  	_ =	shalt  }
0x5d: {  	_ =	shalt  }
0x5e: {  	_ =	shalt  }
0x5f: {  	_ =	shalt  }
0x60: {  	_ =	shalt  }
0x61: {  	_ =	shalt  }
0x62: {  	_ =	shalt  }
0x63: {  	_ =	shalt  }
0x64: {  	_ =	shalt  }
0x65: {  	_ =	shalt  }
0x66: {  	_ =	shalt  }
0x67: {  	_ =	shalt  }
0x68: {  	_ =	shalt  }
0x69: {  	_ =	shalt  }
0x6a: {  	_ =	shalt  }
0x6b: {  	_ =	shalt  }
0x6c: {  	_ =	shalt  }
0x6d: {  	_ =	shalt  }
0x6e: {  	_ =	shalt  }
0x6f: {  	_ =	shalt  }
0x70: {  	_ =	shalt  }
0x71: {  	_ =	shalt  }
0x72: {  	_ =	shalt  }
0x73: {  	_ =	shalt  }
0x74: {  	_ =	shalt  }
0x75: {  	_ =	shalt  }
0x76: {  	_ =	shalt  }
0x77: {  	_ =	shalt  }
0x78: {  	_ =	shalt  }
0x79: {  	_ =	shalt  }
0x7a: {  	_ =	shalt  }
0x7b: {  	_ =	shalt  }
0x7c: {  	_ =	shalt  }
0x7d: {  	_ =	shalt  }
0x7e: {  	_ =	shalt  }
0x7f: {  	_ =	shalt  }
0x80: {  	_ =	shalt  }
0x81: {  	_ =	shalt  }
0x82: {  	_ =	shalt  }
0x83: {  	_ =	shalt  }
0x84: {  	_ =	shalt  }
0x85: {  	_ =	shalt  }
0x86: {  	_ =	shalt  }
0x87: {  	_ =	shalt  }
.Lfunc_end0:
.L_simem_size_0:
called_computation.2_lowered:
.L_overlay_start_0:
0x88: {  	s2 =	sld [smem:$0x3FD9]  }
0x89: {  	s3 =	sld [smem:$0x3FFE];
	_ =	sdelay $0x1  }
0x8a: {  	s1 =	srdreg.scid  }
0x8b: {  	s0 =	sand.u32 $0x1, s1  }
0x8c: {  	s16 =	sshll.u32 s0, $0xA;
	s2 =	sadd.s32 s3, s2  }
0x8d: {  	s2 =	sadd.s32 s2, s16  }
0x8e: {  	[smem:$0x3FB1] =	sst s2  }
0x8f: {  	_ = 	snop  }
0x90: {  	(tm) =	ssettm $0x1  }
0x91: {  	s17 =	sld [smem:$0x3FFB];
	_ =	sdelay $0x3  }
0x92: {  	_ =	strace s17  }
0x93: {  	s2 =	sld [smem:$0x3FFC];
	_ =	sdelay $0x3  }
0x94: {  	_ =	strace s2  }
0x95: {  	s2 =	sld [smem:$0x3FFD];
	_ =	sdelay $0x3  }
0x96: {  	_ =	strace s2  }
0x97: {  	_ =	strace $0x8FFFFFFF  }
0x98: {  	s18 =	sld [smem:$0x3FDB];
	_ =	sdelay $0x1  }
0x99: {  	s19 =	simm.s32 $_scs_section_size  }
0x9a: {  	s4 =	simm.s32 $_size__tile_overlayer_lowered;
	s5 =	simm.s32 $_tile_overlayer_lowered  }
0x9b: {  	s22 =	simm.s32 $0x1BFF;
	s21 =	sshll.u32 s5, $0x1;
	s2 =	sadd.s32 s19, s18  }
0x9c: {  	s6 =	simm.s32 $0x0;
	s20 =	sshll.u32 s4, $0x1;
	s4 =	sadd.s32 s21, s2  }
0x9d: {  	[timem:s6], [sflag:s22] =	dma.local [hbm:s4], s20  }
0x9e: {  	_ =	swait.ge [sflag:s22], s20  }
0x9f: {  	s3 =	ssub.s32 $0x0, s20;
	[sflag:s22] =	ssyncset.done $0x0  }
0xa0: {  	[sflag:s22] =	ssyncadd.s32 s3;
	_ =	sdelay $0x1  }
0xa1: {  	s23 =	simm.s32 $0x1B8B  }
0xa2: {  	_ =	swait.ge [sflag:s23], $0x1  }
0xa3: {  	[sflag:s23] =	ssyncset.done $0x0  }
0xa4: {  	s25 =	simm.s32 $0x1B8E;
	s24 =	sld [smem:$0x3FFE];
	[sflag:s23] =	ssyncadd.s32 $0xFFFFFFFF  }
0xa5: {  	s26 =	simm.s32 $execute0_lowered;
	[smem:$0x3FD2] =	sst s25  }
0xa6: {  	s4 =	sshll.u32 s26, $0x1;
	_ =	strace $0x8000004C;
	[dreg:$0x1] =	wrdreg $0xFFFFFFFF  }
0xa7: {  	s28 =	simm.s32 $_size_execute0_lowered;
	s2 =	sadd.s32 s2, s4;
	[dreg:$0x0] =	wrdreg $0x0  }
0xa8: {  	s4 =	sshll.u32 s28, $0x1;
	[dreg:$0x2] =	wrdreg s2  }
0xa9: {  	[dreg:$0x3] =	wrdreg s4  }
0xaa: {  	[dreg:$0x4] =	wrdreg $0xC0  }
0xab: {  	_ =	task [dreg:s6], $0x5FFFF  }
0xac: {  	[dreg:$0x1] =	wrdreg $0xFFFFFFFF  }
0xad: {  	[dreg:$0x0] =	wrdreg $0x60  }
0xae: {  	[dreg:$0x2] =	wrdreg s24  }
0xaf: {  	[dreg:$0x3] =	wrdreg $0x140000  }
0xb0: {  	[dreg:$0x4] =	wrdreg $0x9  }
0xb1: {  	_ =	task.clear_ibuf [dreg:s6], $0x5FFFF;
	_ =	strace $0x9000004C  }
0xb2: {  	s29 =	simm.s32 $0x9;
	_ =	strace $0x8000004E  }
0xb3: {  	_ =	swait.ge [sflag:s29], $0x1  }
0xb4: {  	[sflag:s29] =	ssyncadd.s32 $0xFFFFFFFF  }
0xb5: {  	_ =	strace $0x9000004E  }
0xb6: {  	_ =	sfence  }
0xb7: {  	s30 =	sld [smem:$0x0];
	_ =	sdelay $0x2  }
0xb8: {  	s31 =	sshll.u32 s1, $0xD;
	s1 =	sshrl.u32 s1, $0x2  }
0xb9: {  	s3 =	sand.u32 $0x4000, s31;
	s1 =	sadd.s32 s1, s30  }
0xba: {  	s0 =	sor.u32 s3, s0;
	s1 =	sshll.u32 s1, $0x11  }
0xbb: {  	s0 =	sor.u32 s1, s0  }
0xbc: {  	s0 =	sadd.s32 $0x8F2B, s0  }
0xbd: {  	[sflag:s0] =	ssyncadd.remote.s32 $0x1  }
0xbe: {  	_ =	sfence.sel $0xFFFF  }
0xbf: {  	[dreg:$0x0] =	wrdreg $0xFFFFFFFF;
	(pc) =	sbr.abs _section_cstart, $3  }
0xc0: {  	[dreg:$0x1] =	wrdreg $0xFFFFFFFF  }
0xc1: {  	_ =	task.clear_ibuf [dreg:s6], $0x2FFFF;
	_ =	strace $0x9FFFFFFF  }
0xc2: {  	(tm) =	ssettm $0x7FFFFFFF  }
0xc3: {  	_ =	shalt  }
tec
execute0_lowered:
.L_overlay_start_1:
0x0: {  	(tag) =	ssettag $0x1  }
0x1: {  	s6 =	rddreg [dreg:$0x0]  }
0x2: {  	s0 =	srdreg.scid;
	s2 =	rddreg [dreg:$0x1];
	s3 =	simm.s32 $0x0  }
0x3: {  	s14 =	simm.s32 $0xA000;
	s15 =	simm.s32 $0xC000;
	s16 =	simm.s32 $0x100  }
0x4: {  	s17 =	simm.s32 $0xE000;
	s5 =	sand.u32 $0x1, s0;
	s0 =	stileid.u32  }
0x5: {  	s18 =	simm.s32 $0x180;
	s19 =	simm.s32 $0x10000;
	s7 =	smul.u32 $0xA00, s0  }
0x6: {  	s20 =	simm.s32 $0xA;
	s21 =	simm.s32 $0x0;
	s8 =	smul.u32 $0xA000, s0  }
0x7: {  	[smem:$0x7FF] =	sst s3;
	s1 =	sshll.u32 s5, $0x4;
	s9 =	smul.u32 $0xA0000, s5  }
0x8: {  	s5 =	ssub.s32 $0x2, s5;
	s31 =	sshll.u32 s0, $0x6;
	s1 =	sor.u32 s0, s1  }
0x9: {  	s12 =	sshrl.u32 s5, $0x1;
	s4 =	smul.u32 $0xA00, s1;
	s1 =	rddreg [dreg:$0x2]  }
0xa: {  	_ =	strace $0x8000004D;
	s7 =	sadd.s32 s7, s6;
	s11 =	sshrl.u32 s8, $0x3  }
0xb: {  	s9 =	sadd.s32 s8, s9;
	s12 =	ssub.s32 s5, s12;
	s13 =	sadd.s32 s8, s2  }
.Ltmp0:
0xc: {  	s11 =	sadd.s32 s11, s6;
	s9 =	sshrl.u32 s9, $0x3;
	(pc) =	sbr.rel .LBB2_1-.Ltmp0, $4  }
0xd: {  	s10 =	sadd.s32 s4, s6;
	s4 =	sadd.s32 $0x7C600, s6;
	s9 =	sadd.s32 s9, s6  }
0xe: {  	s6 =	sadd.s32 $0x4600, s7;
	s7 =	sadd.s32 $0xA4600, s11;
	s11 =	sor.u32 $0x1C0B, s31  }
0xf: {  	s5 =	sadd.s32 $0x18600, s10;
	s8 =	sadd.s32 $0xB8600, s9;
	s9 =	smax.u32 s12, $0x1  }
0x10: {  	s10 =	simm.s32 $0xB;
	s12 =	sshrl.u32 s13, $0x3;
	s13 =	simm.s32 $0x80  }
.LBB2_5:
0x11: {  	_ =	swait.ge [sflag:s20], $0x2000  }
0x12: {  	s21 =	sadd.s32 $0x1, s21;
	[sflag:s20] =	ssyncset.done $0x0  }
0x13: {  	p0 =	sne.s32 s21, s9;
	[sflag:s20] =	ssyncadd.s32 $0xFFFFE000  }
.Ltmp1:
0x14: {  	[bflag:$0x0] =	sbarrier.arrive $0xFFFF;
	(pc) =	sbr.rel @!p0 .LBB2_6-.Ltmp1, $4  }
0x15: {  	[hbm:s8], [sflag:s11] =	dma.local [spmem:s12], $0x1400  }
0x16: {  	_ =	swait.ge [sflag:s10], $0x1400  }
0x17: {  	[sflag:s10] =	ssyncset.done $0x0  }
0x18: {  	[sflag:s10] =	ssyncadd.s32 $0xFFFFEC00  }
.LBB2_1:
0x19: {  	[tilespmem:s3], [sflag:$0xB] =	stream.linear.gather [hbm4b:s5+s3], $0x5000, $0x38;
	[tilespmem:$0x1E000] =	vst v63  }
0x1a: {  	_ =	swait.ge [sflag:s10], $0x5000  }
0x1b: {  	[sflag:s10] =	ssyncset.done $0x0  }
0x1c: {  	s22 =	simm.s32 $0x5000;
	[sflag:s10] =	ssyncadd.s32 $0xFFFFB000  }
0x1d: {  	[tilespmem:s22], [sflag:$0xB] =	stream.linear.gather [hbm4b:s6+s3], $0x5000, $0x38;
	[tilespmem:$0x1E000] =	vst v63  }
0x1e: {  	_ =	swait.ge [sflag:s10], $0x5000  }
0x1f: {  	[sflag:s10] =	ssyncset.done $0x0  }
0x20: {  	[sflag:s10] =	ssyncadd.s32 $0xFFFFB000  }
0x21: {  	[spmem:s12], [sflag:s11] =	dma.local [hbm:s7], $0x1400  }
0x22: {  	_ =	swait.ge [sflag:s10], $0x1400  }
0x23: {  	[sflag:s10] =	ssyncset.done $0x0  }
0x24: {  	[sflag:s10] =	ssyncadd.s32 $0xFFFFEC00  }
0x25: {  	[bflag:$0x0] =	sbarrier.arrive $0xFFFF  }
0x26: {  	[tilespmem:s14], [sflag:$0x1] =	stream.indirect.gather [hbm4b:s4+s13], $0x40, s3, s13, $0xb8;
	[tilespmem:$0x1E000] =	vst v63  }
0x27: {  	_ = 	snop  }
0x28: {  	[tilespmem:s15], [sflag:$0x2] =	stream.indirect.gather [hbm4b:s4+s13], $0x40, s13, s13, $0xb8;
	[tilespmem:$0x1E000] =	vst v63  }
.Ltmp2:
0x29: {  	_ = 	snop;
	(pc) =	sbr.rel .LBB2_2-.Ltmp2, $4  }
0x2a: {  	_ = 	snop  }
0x2b: {  	[tilespmem:s17], [sflag:$0x3] =	stream.indirect.gather [hbm4b:s4+s13], $0x40, s16, s13, $0xb8;
	[tilespmem:$0x1E000] =	vst v63  }
0x2c: {  	s23 =	simm.s32 $0x200;
	s24 =	simm.s32 $0x0  }
0x2d: {  	[tilespmem:s19], [sflag:$0x4] =	stream.indirect.gather [hbm4b:s4+s13], $0x40, s18, s13, $0xb8;
	[tilespmem:$0x1E000] =	vst v63  }
.LBB2_4:
0x2e: {  	s26 =	sand.u32 $0xFF, s25  }
0x2f: {  	s26 =	smul.u32 $0xCD, s26;
	_ =	sdelay $0x1  }
0x30: {  	s26 =	sshrl.u32 s26, $0xA  }
0x31: {  	s26 =	smul.u32 $0x5, s26;
	_ =	sdelay $0x1  }
0x32: {  	s29 =	ssub.s32 s25, s26  }
0x33: {  	s24 =	sadd.s32 $0x1, s24;
	s25 =	sand.u32 $0xFF, s29  }
0x34: {  	p0 =	sne.s32 s24, $0xA0;
	s30 =	sadd.s32 $0x1, s25  }
.Ltmp3:
0x35: {  	_ =	swait.ge [sflag:s30], $0x2000;
	(pc) =	sbr.rel @!p0 .LBB2_5-.Ltmp3, $4  }
0x36: {  	s28 =	sshll.u32 s25, $0xD;
	[sflag:s30] =	ssyncset.done $0x0  }
0x37: {  	s25 =	sadd.s32 $0x6, s25;
	s31 =	sadd.s32 $0xA000, s28;
	[sflag:s30] =	ssyncadd.s32 $0xFFFFE000  }
0x38: {  	[spmem:s2] =	stream.indirect.scatter.add.f32 [tilespmem:s31], [sflag:s25], $0x40, s22, s13, $0xb8;
	[tilespmem:$0x1E000] =	vst v63  }
0x39: {  	s23 =	sadd.s32 $0x80, s23;
	s22 =	sadd.s32 $0x80, s22  }
.LBB2_2:
0x3a: {  	p0 =	seq.s32 s24, $0x0  }
0x3b: {  	s25 =	sadd.s32 @!p0 $0xFFFFFFFF, s24  }
0x3c: {  	s26 =	sand.u32 @!p0 $0xFF, s25  }
0x3d: {  	s26 =	smul.u32 @!p0 $0xCD, s26;
	_ =	sdelay $0x1  }
0x3e: {  	s26 =	sshrl.u32 @!p0 s26, $0xA  }
0x3f: {  	s26 =	smul.u32 @!p0 $0x5, s26  }
0x40: {  	p1 =	sgt.u32 @!p0 s24, $0x9B  }
0x41: {  	p1 =	por p0, !p1;
	s25 =	ssub.s32 @!p0 s25, s26  }
.Ltmp4:
0x42: {  	s25 =	sand.u32 @!p0 $0xFF, s25;
	(pc) =	sbr.rel @!p1 .LBB2_4-.Ltmp4, $4  }
0x43: {  	s25 =	sadd.s32 @!p0 $0x6, s25  }
0x44: {  	_ =	swait.ge @!p0 [sflag:s25], $0x2000  }
0x45: {  	[sflag:s25] =	ssyncset.done @!p0 $0x0  }
0x46: {  	[sflag:s25] =	ssyncadd.s32 @!p0 $0xFFFFE000;
	s25 =	smov.u32 s24  }
0x47: {  	s25 =	sadd.s32 $0x4, s24  }
0x48: {  	s26 =	smul.u32 $0xCD, s25;
	_ =	sdelay $0x1  }
0x49: {  	s26 =	sshrl.u32 s26, $0xA  }
0x4a: {  	s26 =	sand.u32 $0x3F, s26  }
0x4b: {  	s26 =	smul.u32 $0x5, s26;
	_ =	sdelay $0x1  }
0x4c: {  	s25 =	ssub.s32 s25, s26  }
0x4d: {  	s25 =	sand.u32 $0xFF, s25  }
.Ltmp5:
0x4e: {  	s31 =	sshll.u32 s25, $0xD;
	(pc) =	sbr.rel .LBB2_4-.Ltmp5, $4  }
0x4f: {  	s25 =	sadd.s32 $0x1, s25;
	s26 =	sadd.s32 $0xA000, s31  }
0x50: {  	[tilespmem:s26], [sflag:s25] =	stream.indirect.gather [hbm4b:s4+s13], $0x40, s23, s13, $0xb8;
	[tilespmem:$0x1E000] =	vst v63  }
0x51: {  	s25 =	smov.u32 s24  }
0x52: {  	s25 =	simm.s32 @p0 $0x0  }
.LBB2_6:
0x53: {  	_ =	sfence.sel $0x180000  }
0x54: {  	[bflag:$0x0] =	sbarrier.arrive $0xFFFF  }
0x55: {  	p0 =	sne.s32 s0, $0x0;
	_ =	strace $0x9000004D  }
0x56: {  	s0 =	sadd.s32 @!p0 $0x100000, s1;
	[bflag:$0x2] =	sbarrier.arrive $0xFFFF  }
0x57: {  	[sflag:s0] =	ssyncadd.tile.s32 @!p0 $0x1;
	_ =	shalt  }
.Lfunc_end2:
_tile_overlayer_lowered:
.L_overlay_start_2:
0x58: {  	(tag) =	ssettag $0x2  }
0x59: {  	s0 =	rddreg [dreg:$0x0];
	s2 =	stileid.u32  }
0x5a: {  	s1 =	rddreg [dreg:$0x1];
	p0 =	sne.s32 s2, $0x0  }
0x5b: {  	s3 =	rddreg [dreg:$0x2];
	[bflag:$0x3] =	sbarrier.arrive $0xFFFF;
	s2 =	simm.s32 @!p0 $0x1C0B  }
0x5c: {  	[timem:s3], [sflag:s2] =	dma.local @!p0 [hbm:s0], s1  }
0x5d: {  	s0 =	simm.s32 @!p0 $0xB  }
0x5e: {  	_ =	swait.ge @!p0 [sflag:s0], s1  }
0x5f: {  	s1 =	ssub.s32 @!p0 $0x0, s1;
	[sflag:s0] =	ssyncset.done @!p0 $0x0  }
0x60: {  	[sflag:s0] =	ssyncadd.s32 @!p0 s1  }
0x61: {  	[bflag:$0x3] =	sbarrier.arrive $0xFFFF  }
0x62: {  	_ =	shalt  }

// kernel: kernel.22.cloned.1.call-start
scs
__scs_entry_jumppad:
0x0: {  	(pc) =	sbr.rel $0x88, $3  }
0x1: {  	(tag) =	ssettag $0x0;
	lr =	simm.s32 $0x1  }
0x2: {  	[smem:$0x3F8A] =	sst lr;
	_ =	strace $0xD0000000  }
0x3: {  	_ = 	snop  }
0x4: {  	_ = 	snop  }
0x5: {  	_ = 	snop  }
0x6: {  	_ = 	snop  }
0x7: {  	_ = 	snop  }
__scs_overlays_trampoline_lowered:
0x8: {  	[smem:$0x3F99] =	sst s0  }
0x9: {  	[smem:$0x3F9A] =	sst s1  }
0xa: {  	[smem:$0x3F9B] =	sst s2  }
0xb: {  	[smem:$0x3F9C] =	sst s3  }
0xc: {  	[smem:$0x3F9D] =	sst s4  }
0xd: {  	[smem:$0x3F9E] =	sst s5  }
0xe: {  	[smem:$0x3F9F] =	sst s6  }
0xf: {  	[smem:$0x3FA0] =	sst s7  }
0x10: {  	[smem:$0x3FA1] =	sst s8  }
0x11: {  	[smem:$0x3FA2] =	sst s9;
	s0 =	simm.s32 @!p0 $0x0  }
0x12: {  	s1 =	sld [smem:$0x3F88];
	s0 =	simm.s32 @p0 $0x1  }
0x13: {  	[smem:$0x3FA3] =	sst s0;
	s0 =	simm.s32 @!p1 $0x0  }
0x14: {  	s2 =	sld [smem:$0x3F87];
	s0 =	simm.s32 @p1 $0x1  }
0x15: {  	[smem:$0x3FA4] =	sst s0;
	s0 =	simm.s32 @!p2 $0x0  }
0x16: {  	s3 =	sld [smem:$0x3FDB];
	s0 =	simm.s32 @p2 $0x1  }
0x17: {  	s4 =	simm.s32 $0x1BF5;
	[smem:$0x3FA6] =	sst s0  }
0x18: {  	s0 =	sld [smem:$0x3F89];
	_ =	swait.ge [sflag:s4], $0x0  }
0x19: {  	s7 =	sld [smem:$0x3F8A]  }
0x1a: {  	s8 =	sadd.s32 $0xFFFFE003, lr  }
0x1b: {  	s9 =	sadd.s32 $0xFFFFFEF7, lr;
	s5 =	simm.s32 $0xFFFFFFFF;
	p2 =	slt.u32 s8, $0xFFFFF086  }
0x1c: {  	p1 =	slt.u32 s9, $0xF7A;
	s5 =	simm.s32 @!p2 $0x0  }
0x1d: {  	s5 =	simm.s32 @p1 $0x1;
	p0 =	seq.s32 s7, s2  }
0x1e: {  	s7 =	smul.u32 @!p0 $0xF7A, s2;
	p2 =	seq.s32 @!p0 s5, $0x0  }
0x1f: {  	s9 =	smul.u32 $0xF7A, s1;
	s8 =	simm.s32 @!p0 $0x1BF5;
	p2 =	por !p2, p0  }
0x20: {  	[sflag:s8] =	ssyncset.s32 @!p0 $0xFFFFF086;
	s6 =	sadd.s32 @!p0 s3, s7;
	s7 =	simm.s32 @!p0 $0x108  }
0x21: {  	s3 =	sadd.s32 s3, s9;
	s6 =	sadd.s32 @!p0 $0x88, s6;
	s7 =	simm.s32 @p2 $0x1082  }
0x22: {  	[simem:s7], [sflag:s8] =	dma.local @!p0 [hbm:s6], $0xF7A  }
0x23: {  	s9 =	sor.u32 $0xD0000000, s2;
	s6 =	simm.s32 $0x108;
	_ =	swait.ge @!p0 [sflag:s8], $0x0  }
0x24: {  	s3 =	sadd.s32 $0x88, s3;
	s6 =	simm.s32 @!p1 $0x1082;
	[sflag:s4] =	ssyncset.s32 $0xFFFFF086  }
0x25: {  	[simem:s6], [sflag:s4] =	dma.local [hbm:s3], $0xF7A  }
0x26: {  	[smem:$0x3F8A] =	sst s1;
	(tag) =	ssettag s2;
	_ =	strace s9  }
0x27: {  	s1 =	sld [smem:$0x3F9A]  }
0x28: {  	s2 =	sld [smem:$0x3F9B]  }
0x29: {  	s4 =	sld [smem:$0x3F9D]  }
0x2a: {  	p0 =	seq.s32 s5, $0x0;
	s5 =	sld [smem:$0x3F9E]  }
0x2b: {  	s6 =	sld [smem:$0x3F9F]  }
0x2c: {  	s7 =	sld [smem:$0x3FA0]  }
0x2d: {  	s3 =	simm.s32 $0x108;
	s8 =	sld [smem:$0x3FA1]  }
0x2e: {  	s3 =	simm.s32 @!p0 $0x1082;
	s9 =	sld [smem:$0x3FA2]  }
0x2f: {  	lr =	sadd.s32 s0, s3;
	s0 =	sld [smem:$0x3F99]  }
0x30: {  	s3 =	sld [smem:$0x3F9C]  }
0x31: {  	[smem:$0x3FA5] =	sst s10  }
0x32: {  	s10 =	sld [smem:$0x3FA3];
	_ =	sdelay $0x3  }
0x33: {  	p0 =	seq.s32 s10, $0x1;
	s10 =	sld [smem:$0x3FA5];
	_ =	sdelay $0x3  }
0x34: {  	[smem:$0x3FA5] =	sst s10  }
0x35: {  	s10 =	sld [smem:$0x3FA4];
	_ =	sdelay $0x3  }
0x36: {  	p1 =	seq.s32 s10, $0x1;
	s10 =	sld [smem:$0x3FA5];
	_ =	sdelay $0x3  }
0x37: {  	[smem:$0x3FA5] =	sst s10  }
0x38: {  	s10 =	sld [smem:$0x3FA6]  }
0x39: {  	_ = 	snop;
	(pc) =	sbr.ind lr, $3  }
0x3a: {  	_ = 	snop  }
0x3b: {  	_ = 	snop  }
0x3c: {  	p2 =	seq.s32 s10, $0x1;
	s10 =	sld [smem:$0x3FA5]  }
0x3d: {  	_ =	shalt  }
0x3e: {  	_ =	shalt  }
0x3f: {  	_ =	shalt  }
0x40: {  	_ =	shalt  }
0x41: {  	_ =	shalt  }
0x42: {  	_ =	shalt  }
0x43: {  	_ =	shalt  }
0x44: {  	_ =	shalt  }
0x45: {  	_ =	shalt  }
0x46: {  	_ =	shalt  }
0x47: {  	_ =	shalt  }
0x48: {  	_ =	shalt  }
0x49: {  	_ =	shalt  }
0x4a: {  	_ =	shalt  }
0x4b: {  	_ =	shalt  }
0x4c: {  	_ =	shalt  }
0x4d: {  	_ =	shalt  }
0x4e: {  	_ =	shalt  }
0x4f: {  	_ =	shalt  }
0x50: {  	_ =	shalt  }
0x51: {  	_ =	shalt  }
0x52: {  	_ =	shalt  }
0x53: {  	_ =	shalt  }
0x54: {  	_ =	shalt  }
0x55: {  	_ =	shalt  }
0x56: {  	_ =	shalt  }
0x57: {  	_ =	shalt  }
0x58: {  	_ =	shalt  }
0x59: {  	_ =	shalt  }
0x5a: {  	_ =	shalt  }
0x5b: {  	_ =	shalt  }
0x5c: {  	_ =	shalt  }
0x5d: {  	_ =	shalt  }
0x5e: {  	_ =	shalt  }
0x5f: {  	_ =	shalt  }
0x60: {  	_ =	shalt  }
0x61: {  	_ =	shalt  }
0x62: {  	_ =	shalt  }
0x63: {  	_ =	shalt  }
0x64: {  	_ =	shalt  }
0x65: {  	_ =	shalt  }
0x66: {  	_ =	shalt  }
0x67: {  	_ =	shalt  }
0x68: {  	_ =	shalt  }
0x69: {  	_ =	shalt  }
0x6a: {  	_ =	shalt  }
0x6b: {  	_ =	shalt  }
0x6c: {  	_ =	shalt  }
0x6d: {  	_ =	shalt  }
0x6e: {  	_ =	shalt  }
0x6f: {  	_ =	shalt  }
0x70: {  	_ =	shalt  }
0x71: {  	_ =	shalt  }
0x72: {  	_ =	shalt  }
0x73: {  	_ =	shalt  }
0x74: {  	_ =	shalt  }
0x75: {  	_ =	shalt  }
0x76: {  	_ =	shalt  }
0x77: {  	_ =	shalt  }
0x78: {  	_ =	shalt  }
0x79: {  	_ =	shalt  }
0x7a: {  	_ =	shalt  }
0x7b: {  	_ =	shalt  }
0x7c: {  	_ =	shalt  }
0x7d: {  	_ =	shalt  }
0x7e: {  	_ =	shalt  }
0x7f: {  	_ =	shalt  }
0x80: {  	_ =	shalt  }
0x81: {  	_ =	shalt  }
0x82: {  	_ =	shalt  }
0x83: {  	_ =	shalt  }
0x84: {  	_ =	shalt  }
0x85: {  	_ =	shalt  }
0x86: {  	_ =	shalt  }
0x87: {  	_ =	shalt  }
.Lfunc_end0:
.L_simem_size_0:
called_computation.3_lowered:
.L_overlay_start_0:
0x88: {  	s2 =	sld [smem:$0x3FD9]  }
0x89: {  	s3 =	sld [smem:$0x3FFE];
	_ =	sdelay $0x1  }
0x8a: {  	s1 =	srdreg.scid  }
0x8b: {  	s0 =	sand.u32 $0x1, s1  }
0x8c: {  	s16 =	sshll.u32 s0, $0xA;
	s2 =	sadd.s32 s3, s2  }
0x8d: {  	s2 =	sadd.s32 s2, s16  }
0x8e: {  	[smem:$0x3FB1] =	sst s2  }
0x8f: {  	_ = 	snop  }
0x90: {  	(tm) =	ssettm $0x1  }
0x91: {  	s17 =	sld [smem:$0x3FFB];
	_ =	sdelay $0x3  }
0x92: {  	_ =	strace s17  }
0x93: {  	s2 =	sld [smem:$0x3FFC];
	_ =	sdelay $0x3  }
0x94: {  	_ =	strace s2  }
0x95: {  	s2 =	sld [smem:$0x3FFD];
	_ =	sdelay $0x3  }
0x96: {  	_ =	strace s2  }
0x97: {  	_ =	strace $0x8FFFFFFF  }
0x98: {  	s18 =	sld [smem:$0x3FDB];
	_ =	sdelay $0x1  }
0x99: {  	s19 =	simm.s32 $_scs_section_size  }
0x9a: {  	s4 =	simm.s32 $_size__tile_overlayer_lowered;
	s5 =	simm.s32 $_tile_overlayer_lowered  }
0x9b: {  	s22 =	simm.s32 $0x1BFF;
	s21 =	sshll.u32 s5, $0x1;
	s2 =	sadd.s32 s19, s18  }
0x9c: {  	s6 =	simm.s32 $0x0;
	s20 =	sshll.u32 s4, $0x1;
	s4 =	sadd.s32 s21, s2  }
0x9d: {  	[timem:s6], [sflag:s22] =	dma.local [hbm:s4], s20  }
0x9e: {  	_ =	swait.ge [sflag:s22], s20  }
0x9f: {  	s3 =	ssub.s32 $0x0, s20;
	[sflag:s22] =	ssyncset.done $0x0  }
0xa0: {  	[sflag:s22] =	ssyncadd.s32 s3;
	_ =	sdelay $0x1  }
0xa1: {  	s23 =	simm.s32 $0x1B8B  }
0xa2: {  	_ =	swait.ge [sflag:s23], $0x1  }
0xa3: {  	[sflag:s23] =	ssyncset.done $0x0  }
0xa4: {  	s25 =	simm.s32 $0x1B8E;
	s24 =	sld [smem:$0x3FFE];
	[sflag:s23] =	ssyncadd.s32 $0xFFFFFFFF  }
0xa5: {  	s26 =	simm.s32 $execute0_lowered;
	[smem:$0x3FD2] =	sst s25  }
0xa6: {  	s4 =	sshll.u32 s26, $0x1;
	_ =	strace $0x8000004F;
	[dreg:$0x1] =	wrdreg $0xFFFFFFFF  }
0xa7: {  	s28 =	simm.s32 $_size_execute0_lowered;
	s2 =	sadd.s32 s2, s4;
	[dreg:$0x0] =	wrdreg $0x0  }
0xa8: {  	s4 =	sshll.u32 s28, $0x1;
	[dreg:$0x2] =	wrdreg s2  }
0xa9: {  	[dreg:$0x3] =	wrdreg s4  }
0xaa: {  	[dreg:$0x4] =	wrdreg $0xC0  }
0xab: {  	_ =	task [dreg:s6], $0x5FFFF  }
0xac: {  	[dreg:$0x1] =	wrdreg $0xFFFFFFFF  }
0xad: {  	[dreg:$0x0] =	wrdreg $0x60  }
0xae: {  	[dreg:$0x2] =	wrdreg s24  }
0xaf: {  	[dreg:$0x3] =	wrdreg $0x140000  }
0xb0: {  	[dreg:$0x4] =	wrdreg $0x9  }
0xb1: {  	_ =	task.clear_ibuf [dreg:s6], $0x5FFFF;
	_ =	strace $0x9000004F  }
0xb2: {  	s29 =	simm.s32 $0x9;
	_ =	strace $0x80000051  }
0xb3: {  	_ =	swait.ge [sflag:s29], $0x1  }
0xb4: {  	[sflag:s29] =	ssyncadd.s32 $0xFFFFFFFF  }
0xb5: {  	_ =	strace $0x90000051  }
0xb6: {  	_ =	sfence  }
0xb7: {  	s30 =	sld [smem:$0x0];
	_ =	sdelay $0x2  }
0xb8: {  	s31 =	sshll.u32 s1, $0xD;
	s1 =	sshrl.u32 s1, $0x2  }
0xb9: {  	s3 =	sand.u32 $0x4000, s31;
	s1 =	sadd.s32 s1, s30  }
0xba: {  	s0 =	sor.u32 s3, s0;
	s1 =	sshll.u32 s1, $0x11  }
0xbb: {  	s0 =	sor.u32 s1, s0  }
0xbc: {  	s0 =	sadd.s32 $0x8F2B, s0  }
0xbd: {  	[sflag:s0] =	ssyncadd.remote.s32 $0x1  }
0xbe: {  	_ =	sfence.sel $0xFFFF  }
0xbf: {  	[dreg:$0x0] =	wrdreg $0xFFFFFFFF;
	(pc) =	sbr.abs _section_cstart, $3  }
0xc0: {  	[dreg:$0x1] =	wrdreg $0xFFFFFFFF  }
0xc1: {  	_ =	task.clear_ibuf [dreg:s6], $0x2FFFF;
	_ =	strace $0x9FFFFFFF  }
0xc2: {  	(tm) =	ssettm $0x7FFFFFFF  }
0xc3: {  	_ =	shalt  }
tec
execute0_lowered:
.L_overlay_start_1:
0x0: {  	(tag) =	ssettag $0x1  }
0x1: {  	s6 =	rddreg [dreg:$0x0]  }
0x2: {  	s0 =	srdreg.scid;
	s2 =	rddreg [dreg:$0x1];
	s3 =	simm.s32 $0x0  }
0x3: {  	s14 =	simm.s32 $0xA000;
	s15 =	simm.s32 $0xC000;
	s16 =	simm.s32 $0x100  }
0x4: {  	s17 =	simm.s32 $0xE000;
	s5 =	sand.u32 $0x1, s0;
	s0 =	stileid.u32  }
0x5: {  	s18 =	simm.s32 $0x180;
	s19 =	simm.s32 $0x10000;
	s7 =	smul.u32 $0xA00, s0  }
0x6: {  	s20 =	simm.s32 $0xA;
	s21 =	simm.s32 $0x0;
	s8 =	smul.u32 $0xA000, s0  }
0x7: {  	[smem:$0x7FF] =	sst s3;
	s1 =	sshll.u32 s5, $0x4;
	s9 =	smul.u32 $0xA0000, s5  }
0x8: {  	s5 =	ssub.s32 $0x2, s5;
	s31 =	sshll.u32 s0, $0x6;
	s1 =	sor.u32 s0, s1  }
0x9: {  	s12 =	sshrl.u32 s5, $0x1;
	s4 =	smul.u32 $0xA00, s1;
	s1 =	rddreg [dreg:$0x2]  }
0xa: {  	_ =	strace $0x80000050;
	s7 =	sadd.s32 s7, s6;
	s11 =	sshrl.u32 s8, $0x3  }
0xb: {  	s9 =	sadd.s32 s8, s9;
	s12 =	ssub.s32 s5, s12;
	s13 =	sadd.s32 s8, s2  }
.Ltmp0:
0xc: {  	s11 =	sadd.s32 s11, s6;
	s9 =	sshrl.u32 s9, $0x3;
	(pc) =	sbr.rel .LBB2_1-.Ltmp0, $4  }
0xd: {  	s10 =	sadd.s32 s4, s6;
	s4 =	sadd.s32 $0x7C600, s6;
	s9 =	sadd.s32 s9, s6  }
0xe: {  	s6 =	sadd.s32 $0x4600, s7;
	s7 =	sadd.s32 $0xA4600, s11;
	s11 =	sor.u32 $0x1C0B, s31  }
0xf: {  	s5 =	sadd.s32 $0x18600, s10;
	s8 =	sadd.s32 $0xB8600, s9;
	s9 =	smax.u32 s12, $0x1  }
0x10: {  	s10 =	simm.s32 $0xB;
	s12 =	sshrl.u32 s13, $0x3;
	s13 =	simm.s32 $0x80  }
.LBB2_5:
0x11: {  	_ =	swait.ge [sflag:s20], $0x2000  }
0x12: {  	s21 =	sadd.s32 $0x1, s21;
	[sflag:s20] =	ssyncset.done $0x0  }
0x13: {  	p0 =	sne.s32 s21, s9;
	[sflag:s20] =	ssyncadd.s32 $0xFFFFE000  }
.Ltmp1:
0x14: {  	[bflag:$0x0] =	sbarrier.arrive $0xFFFF;
	(pc) =	sbr.rel @!p0 .LBB2_6-.Ltmp1, $4  }
0x15: {  	[hbm:s8], [sflag:s11] =	dma.local [spmem:s12], $0x1400  }
0x16: {  	_ =	swait.ge [sflag:s10], $0x1400  }
0x17: {  	[sflag:s10] =	ssyncset.done $0x0  }
0x18: {  	[sflag:s10] =	ssyncadd.s32 $0xFFFFEC00  }
.LBB2_1:
0x19: {  	[tilespmem:s3], [sflag:$0xB] =	stream.linear.gather [hbm4b:s5+s3], $0x5000, $0x38;
	[tilespmem:$0x1E000] =	vst v63  }
0x1a: {  	_ =	swait.ge [sflag:s10], $0x5000  }
0x1b: {  	[sflag:s10] =	ssyncset.done $0x0  }
0x1c: {  	s22 =	simm.s32 $0x5000;
	[sflag:s10] =	ssyncadd.s32 $0xFFFFB000  }
0x1d: {  	[tilespmem:s22], [sflag:$0xB] =	stream.linear.gather [hbm4b:s6+s3], $0x5000, $0x38;
	[tilespmem:$0x1E000] =	vst v63  }
0x1e: {  	_ =	swait.ge [sflag:s10], $0x5000  }
0x1f: {  	[sflag:s10] =	ssyncset.done $0x0  }
0x20: {  	[sflag:s10] =	ssyncadd.s32 $0xFFFFB000  }
0x21: {  	[spmem:s12], [sflag:s11] =	dma.local [hbm:s7], $0x1400  }
0x22: {  	_ =	swait.ge [sflag:s10], $0x1400  }
0x23: {  	[sflag:s10] =	ssyncset.done $0x0  }
0x24: {  	[sflag:s10] =	ssyncadd.s32 $0xFFFFEC00  }
0x25: {  	[bflag:$0x0] =	sbarrier.arrive $0xFFFF  }
0x26: {  	[tilespmem:s14], [sflag:$0x1] =	stream.indirect.gather [hbm4b:s4+s13], $0x40, s3, s13, $0xb8;
	[tilespmem:$0x1E000] =	vst v63  }
0x27: {  	_ = 	snop  }
0x28: {  	[tilespmem:s15], [sflag:$0x2] =	stream.indirect.gather [hbm4b:s4+s13], $0x40, s13, s13, $0xb8;
	[tilespmem:$0x1E000] =	vst v63  }
.Ltmp2:
0x29: {  	_ = 	snop;
	(pc) =	sbr.rel .LBB2_2-.Ltmp2, $4  }
0x2a: {  	_ = 	snop  }
0x2b: {  	[tilespmem:s17], [sflag:$0x3] =	stream.indirect.gather [hbm4b:s4+s13], $0x40, s16, s13, $0xb8;
	[tilespmem:$0x1E000] =	vst v63  }
0x2c: {  	s23 =	simm.s32 $0x200;
	s24 =	simm.s32 $0x0  }
0x2d: {  	[tilespmem:s19], [sflag:$0x4] =	stream.indirect.gather [hbm4b:s4+s13], $0x40, s18, s13, $0xb8;
	[tilespmem:$0x1E000] =	vst v63  }
.LBB2_4:
0x2e: {  	s26 =	sand.u32 $0xFF, s25  }
0x2f: {  	s26 =	smul.u32 $0xCD, s26;
	_ =	sdelay $0x1  }
0x30: {  	s26 =	sshrl.u32 s26, $0xA  }
0x31: {  	s26 =	smul.u32 $0x5, s26;
	_ =	sdelay $0x1  }
0x32: {  	s29 =	ssub.s32 s25, s26  }
0x33: {  	s24 =	sadd.s32 $0x1, s24;
	s25 =	sand.u32 $0xFF, s29  }
0x34: {  	p0 =	sne.s32 s24, $0xA0;
	s30 =	sadd.s32 $0x1, s25  }
.Ltmp3:
0x35: {  	_ =	swait.ge [sflag:s30], $0x2000;
	(pc) =	sbr.rel @!p0 .LBB2_5-.Ltmp3, $4  }
0x36: {  	s28 =	sshll.u32 s25, $0xD;
	[sflag:s30] =	ssyncset.done $0x0  }
0x37: {  	s25 =	sadd.s32 $0x6, s25;
	s31 =	sadd.s32 $0xA000, s28;
	[sflag:s30] =	ssyncadd.s32 $0xFFFFE000  }
0x38: {  	[spmem:s2] =	stream.indirect.scatter.add.f32 [tilespmem:s31], [sflag:s25], $0x40, s22, s13, $0xb8;
	[tilespmem:$0x1E000] =	vst v63  }
0x39: {  	s23 =	sadd.s32 $0x80, s23;
	s22 =	sadd.s32 $0x80, s22  }
.LBB2_2:
0x3a: {  	p0 =	seq.s32 s24, $0x0  }
0x3b: {  	s25 =	sadd.s32 @!p0 $0xFFFFFFFF, s24  }
0x3c: {  	s26 =	sand.u32 @!p0 $0xFF, s25  }
0x3d: {  	s26 =	smul.u32 @!p0 $0xCD, s26;
	_ =	sdelay $0x1  }
0x3e: {  	s26 =	sshrl.u32 @!p0 s26, $0xA  }
0x3f: {  	s26 =	smul.u32 @!p0 $0x5, s26  }
0x40: {  	p1 =	sgt.u32 @!p0 s24, $0x9B  }
0x41: {  	p1 =	por p0, !p1;
	s25 =	ssub.s32 @!p0 s25, s26  }
.Ltmp4:
0x42: {  	s25 =	sand.u32 @!p0 $0xFF, s25;
	(pc) =	sbr.rel @!p1 .LBB2_4-.Ltmp4, $4  }
0x43: {  	s25 =	sadd.s32 @!p0 $0x6, s25  }
0x44: {  	_ =	swait.ge @!p0 [sflag:s25], $0x2000  }
0x45: {  	[sflag:s25] =	ssyncset.done @!p0 $0x0  }
0x46: {  	[sflag:s25] =	ssyncadd.s32 @!p0 $0xFFFFE000;
	s25 =	smov.u32 s24  }
0x47: {  	s25 =	sadd.s32 $0x4, s24  }
0x48: {  	s26 =	smul.u32 $0xCD, s25;
	_ =	sdelay $0x1  }
0x49: {  	s26 =	sshrl.u32 s26, $0xA  }
0x4a: {  	s26 =	sand.u32 $0x3F, s26  }
0x4b: {  	s26 =	smul.u32 $0x5, s26;
	_ =	sdelay $0x1  }
0x4c: {  	s25 =	ssub.s32 s25, s26  }
0x4d: {  	s25 =	sand.u32 $0xFF, s25  }
.Ltmp5:
0x4e: {  	s31 =	sshll.u32 s25, $0xD;
	(pc) =	sbr.rel .LBB2_4-.Ltmp5, $4  }
0x4f: {  	s25 =	sadd.s32 $0x1, s25;
	s26 =	sadd.s32 $0xA000, s31  }
0x50: {  	[tilespmem:s26], [sflag:s25] =	stream.indirect.gather [hbm4b:s4+s13], $0x40, s23, s13, $0xb8;
	[tilespmem:$0x1E000] =	vst v63  }
0x51: {  	s25 =	smov.u32 s24  }
0x52: {  	s25 =	simm.s32 @p0 $0x0  }
.LBB2_6:
0x53: {  	_ =	sfence.sel $0x180000  }
0x54: {  	[bflag:$0x0] =	sbarrier.arrive $0xFFFF  }
0x55: {  	p0 =	sne.s32 s0, $0x0;
	_ =	strace $0x90000050  }
0x56: {  	s0 =	sadd.s32 @!p0 $0x100000, s1;
	[bflag:$0x2] =	sbarrier.arrive $0xFFFF  }
0x57: {  	[sflag:s0] =	ssyncadd.tile.s32 @!p0 $0x1;
	_ =	shalt  }
.Lfunc_end2:
_tile_overlayer_lowered:
.L_overlay_start_2:
0x58: {  	(tag) =	ssettag $0x2  }
0x59: {  	s0 =	rddreg [dreg:$0x0];
	s2 =	stileid.u32  }
0x5a: {  	s1 =	rddreg [dreg:$0x1];
	p0 =	sne.s32 s2, $0x0  }
0x5b: {  	s3 =	rddreg [dreg:$0x2];
	[bflag:$0x3] =	sbarrier.arrive $0xFFFF;
	s2 =	simm.s32 @!p0 $0x1C0B  }
0x5c: {  	[timem:s3], [sflag:s2] =	dma.local @!p0 [hbm:s0], s1  }
0x5d: {  	s0 =	simm.s32 @!p0 $0xB  }
0x5e: {  	_ =	swait.ge @!p0 [sflag:s0], s1  }
0x5f: {  	s1 =	ssub.s32 @!p0 $0x0, s1;
	[sflag:s0] =	ssyncset.done @!p0 $0x0  }
0x60: {  	[sflag:s0] =	ssyncadd.s32 @!p0 s1  }
0x61: {  	[bflag:$0x3] =	sbarrier.arrive $0xFFFF  }
0x62: {  	_ =	shalt  }

</sc_bundles>
